<compile_context>
chip_gen: v7x
topology: tpu7x:2x2x1
jax: 0.10.2.dev20260603
libtpu: 0.0.44.dev20260713+nightly
codegen_flags: <defaults>
</compile_context>

<pallas_src>
import functools

import jax
import jax.numpy as jnp
from jax import lax
from jax.experimental import pallas as pl
from jax.experimental.pallas import tpu as pltpu
from jax.experimental.pallas import tpu_sc as plsc

NUM_MOL = 100000
NW = 32
MPW = 3136
MPW_LAST = NUM_MOL - (NW - 1) * MPW
ACC_PAD = MPW
W = 16384
WE = W - 16
CS = 2048


def _sc_body(n_atoms, vals_hbm, idx_hbm, out_hbm,
             vbufa, ibufa, vbufb, ibufb, acc, cil1, csb1, cil2, csb2,
             sema, semb):
    c = lax.axis_index("c")
    s = lax.axis_index("s")
    w = s * 2 + c
    mw0 = w * MPW
    mpw_w = jnp.minimum(mw0 + MPW, NUM_MOL) - mw0

    iota0 = lax.iota(jnp.int32, 16)
    ncs = n_atoms // CS
    ncc = (ncs + 63) // 64

    t0v = jnp.full((16,), mw0, dtype=jnp.int32)
    t1v = jnp.full((16,), mw0 + mpw_w, dtype=jnp.int32)

    for i in range(4):
        slot = i * 16 + iota0
        cil1[pl.ds(i * 16, 16)] = jnp.where(slot < ncc, slot * (64 * CS), 0)
    pltpu.async_copy(idx_hbm.at[cil1], csb1, sema).wait()

    zc = jnp.zeros((16,), jnp.int32)
    c0 = c1 = zc
    for i in range(4):
        slot = i * 16 + iota0
        valid = slot < ncc
        cs_v = csb1[pl.ds(i * 16, 16)]
        c0 = c0 + plsc.all_reduce_population_count((cs_v < t0v) & valid)
        c1 = c1 + plsc.all_reduce_population_count((cs_v < t1v) & valid)
    b0 = jnp.maximum(c0[0] - 1, 0) * 64
    b1 = jnp.maximum(c1[0] - 1, 0) * 64

    for i in range(4):
        slot = i * 16 + iota0
        g0 = b0 + slot
        g1 = b1 + slot
        cil2[pl.ds(i * 16, 16)] = jnp.where(g0 < ncs, g0 * CS, 0)
        cil2[pl.ds(64 + i * 16, 16)] = jnp.where(g1 < ncs, g1 * CS, 0)
    pltpu.async_copy(idx_hbm.at[cil2], csb2, semb).wait()

    c0 = c1 = zc
    for i in range(4):
        slot = i * 16 + iota0
        cs0 = csb2[pl.ds(i * 16, 16)]
        cs1 = csb2[pl.ds(64 + i * 16, 16)]
        c0 = c0 + plsc.all_reduce_population_count(
            (cs0 < t0v) & (b0 + slot < ncs))
        c1 = c1 + plsc.all_reduce_population_count(
            (cs1 < t1v) & (b1 + slot < ncs))
    j0 = b0 + c0[0]
    j1 = b1 + c1[0]
    a0 = jnp.maximum(0, (j0 - 1) * CS)
    a1 = jnp.minimum(n_atoms, j1 * CS)

    sent = jnp.full((16,), NUM_MOL, dtype=jnp.int32)
    ibufa[pl.ds(W, 16)] = sent
    ibufb[pl.ds(W, 16)] = sent

    @plsc.parallel_loop(0, ACC_PAD // 16, unroll=8)
    def _(i):
        acc[pl.ds(i * 16, 16)] = jnp.zeros((16,), jnp.float32)

    iota = lax.iota(jnp.int32, 16)
    m_end15 = iota == 15
    m_low15 = iota < 15
    mpw_u = jnp.full((16,), mpw_w, dtype=jnp.int32)

    nwin = jnp.maximum((a1 - a0 + WE - 1) // WE, 1)
    nfull = nwin - 1

    def issue(kk, vbuf, ibuf, sem):
        p0 = a0 + kk * WE
        st = jnp.minimum(p0, n_atoms - W)
        st = pl.multiple_of(st, 16)
        pltpu.async_copy(vals_hbm.at[pl.ds(st, W)], vbuf.at[pl.ds(0, W)], sem)
        pltpu.async_copy(idx_hbm.at[pl.ds(st, W)], ibuf.at[pl.ds(0, W)], sem)

    def wait(vbuf, ibuf, sem):
        pltpu.make_async_copy(vals_hbm.at[pl.ds(0, W)],
                              vbuf.at[pl.ds(0, W)], sem).wait()
        pltpu.make_async_copy(idx_hbm.at[pl.ds(0, W)],
                              ibuf.at[pl.ds(0, W)], sem).wait()

    issue(0, vbufa, ibufa, sema)

    def body_at(vbuf, ibuf, base, j):
        o = base + j * 16
        v = vbuf[pl.ds(o, 16)]
        ic = ibuf[pl.ds(o, 16)]
        inx = ibuf[pl.ds(o + 1, 16)]
        cum = plsc.cumsum(v)
        li = ic - mw0
        ln = inx - mw0
        chg = ic != inx
        in_i = plsc.bitcast(li, jnp.uint32) < plsc.bitcast(mpw_u, jnp.uint32)
        in_n = plsc.bitcast(ln, jnp.uint32) < plsc.bitcast(mpw_u, jnp.uint32)
        mend = (chg | m_end15) & in_i
        msub = chg & m_low15 & in_n
        plsc.addupdate_scatter(acc, [li], cum, mask=mend)
        plsc.addupdate_scatter(acc, [ln], -cum, mask=msub)

    def mid_at(vbuf, ibuf, j):
        o = pl.multiple_of(j * 16, 16)
        v = vbuf[pl.ds(o, 16)]
        ic = ibuf[pl.ds(o, 16)]
        inx = ibuf[pl.ds(o + 1, 16)]
        cum = plsc.cumsum(v)
        chg = ic != inx
        mend = chg | m_end15
        msub = chg & m_low15
        plsc.addupdate_scatter(acc, [ic - mw0], cum, mask=mend)
        plsc.addupdate_scatter(acc, [inx - mw0], -cum, mask=msub)

    def lean_loop(vbuf, ibuf, is_mid):
        @pl.when(is_mid)
        def _():
            @plsc.parallel_loop(0, WE // 16, unroll=8)
            def _(j):
                mid_at(vbuf, ibuf, j)

        @pl.when(jnp.logical_not(is_mid))
        def _():
            @plsc.parallel_loop(0, WE // 16, unroll=8)
            def _(j):
                body_at(vbuf, ibuf, 0, j)

    def lean_w(k, _unused):
        is_mid = (k > 0) & (a0 + (k + 1) * WE <= a1 - CS)

        @pl.when(k % 2 == 0)
        def _():
            wait(vbufa, ibufa, sema)
            issue(k + 1, vbufb, ibufb, semb)
            lean_loop(vbufa, ibufa, is_mid)

        @pl.when(k % 2 == 1)
        def _():
            wait(vbufb, ibufb, semb)
            issue(k + 1, vbufa, ibufa, sema)
            lean_loop(vbufb, ibufb, is_mid)

        return 0

    lax.fori_loop(0, nfull, lean_w, 0)

    p0t = a0 + nfull * WE
    stt = jnp.minimum(p0t, n_atoms - W)
    base = pl.multiple_of(p0t - stt, 16)
    nblk = (a1 - p0t + 15) // 16

    def tail_loop(vbuf, ibuf):
        @plsc.parallel_loop(0, nblk, unroll=4)
        def _(j):
            body_at(vbuf, ibuf, base, j)

    @pl.when(nfull % 2 == 0)
    def _():
        wait(vbufa, ibufa, sema)
        tail_loop(vbufa, ibufa)

    @pl.when(nfull % 2 == 1)
    def _():
        wait(vbufb, ibufb, semb)
        tail_loop(vbufb, ibufb)

    @pl.when(w < NW - 1)
    def _():
        pltpu.sync_copy(acc.at[pl.ds(0, MPW)], out_hbm.at[pl.ds(mw0, MPW)])

    @pl.when(w == NW - 1)
    def _():
        pltpu.sync_copy(acc.at[pl.ds(0, MPW_LAST)],
                        out_hbm.at[pl.ds(mw0, MPW_LAST)])


@jax.jit
def kernel(per_atom_property, atomic_subsystem_indices):
    n_atoms = per_atom_property.shape[0]
    idx32 = atomic_subsystem_indices.astype(jnp.int32)

    mesh = plsc.VectorSubcoreMesh(core_axis_name="c", subcore_axis_name="s")
    fn = pl.kernel(
        functools.partial(_sc_body, n_atoms),
        mesh=mesh,
        compiler_params=pltpu.CompilerParams(needs_layout_passes=False),
        out_type=jax.ShapeDtypeStruct((NUM_MOL,), jnp.float32),
        scratch_types=[
            pltpu.VMEM((W + 16,), jnp.float32),
            pltpu.VMEM((W + 16,), jnp.int32),
            pltpu.VMEM((W + 16,), jnp.float32),
            pltpu.VMEM((W + 16,), jnp.int32),
            pltpu.VMEM((ACC_PAD,), jnp.float32),
            pltpu.VMEM((64,), jnp.int32),
            pltpu.VMEM((64,), jnp.int32),
            pltpu.VMEM((128,), jnp.int32),
            pltpu.VMEM((128,), jnp.int32),
            pltpu.SemaphoreType.DMA,
            pltpu.SemaphoreType.DMA,
        ],
    )
    return fn(per_atom_property, idx32)

# --- scband reference (transcript-rebuilt; emitter-appended) ---
"""Pipeline reference for scband-from-atom-to-molecule-reduction-41532333752923 (READ-ONLY COPY).

The authoritative reference and input builder live on the scoring server;
editing this copy changes nothing except your own understanding.
"""

import jax, jax.numpy as jnp
import numpy as np

N_ATOMS = 6400000
N_MOL = 100000

def setup_inputs(seed: int = 0) -> dict:
    key = jax.random.key(seed)
    k1, k2 = jax.random.split(key)
    per_atom_property = jax.random.normal(k1, (N_ATOMS,), dtype=jnp.float32)
    atomic_subsystem_indices = jnp.sort(jax.random.randint(k2, (N_ATOMS,), 0, N_MOL)).astype(jnp.int64)
    return {"per_atom_property": per_atom_property, "atomic_subsystem_indices": atomic_subsystem_indices}

def reference(per_atom_property, atomic_subsystem_indices):
    # Faithful translation of FromAtomToMoleculeReduction.forward
    indices = atomic_subsystem_indices.astype(jnp.int64)
    # torch: zeros(len(indices.unique())) then scatter_add on dim 0
    num_molecules = N_MOL
    property_per_molecule_zeros = jnp.zeros((num_molecules,), dtype=per_atom_property.dtype)
    property_per_molecule = property_per_molecule_zeros.at[indices].add(per_atom_property)
    return property_per_molecule

if __name__ == "__main__":
    import jax
    _d = setup_inputs()
    print(jax.jit(kernel)(*tuple(_d.values())))

</pallas_src>

<mosaic_0001>
#map = affine_map<(d0, d1) -> (0)>
module attributes {stable_mosaic.version = 14 : i64} {
  func.func @_sc_body(%arg0: i32, %arg1: i32, %arg2: memref<6400000xf32, #tpu.memory_space<hbm>>, %arg3: memref<6400000xi32, #tpu.memory_space<hbm>>, %arg4: memref<100000xf32, #tpu.memory_space<hbm>>, %arg5: memref<16400xf32, #tpu.memory_space<vmem>>, %arg6: memref<16400xi32, #tpu.memory_space<vmem>>, %arg7: memref<16400xf32, #tpu.memory_space<vmem>>, %arg8: memref<16400xi32, #tpu.memory_space<vmem>>, %arg9: memref<3136xf32, #tpu.memory_space<vmem>>, %arg10: memref<64xi32, #tpu.memory_space<vmem>>, %arg11: memref<64xi32, #tpu.memory_space<vmem>>, %arg12: memref<128xi32, #tpu.memory_space<vmem>>, %arg13: memref<128xi32, #tpu.memory_space<vmem>>, %arg14: memref<!tpu.dma_semaphore, #tpu.memory_space<semaphore_mem>>, %arg15: memref<!tpu.dma_semaphore, #tpu.memory_space<semaphore_mem>>) attributes {dimension_semantics = [#tpu.dimension_semantics<core_parallel>, #tpu.dimension_semantics<subcore_parallel>], iteration_bounds = array<i64: 2, 16>, scalar_prefetch = 0 : i64, scratch_operands = 11 : i64, tpu.core_type = #tpu.core_type<sc_vector_subcore>, window_params = [{transform_indices = #map}, {transform_indices = #map}, {transform_indices = #map}]} {
    %mul3A = arith.constant 2 : i32
    %mul3A_0 = arith.muli %arg1, %mul3A : i32
    %add3A = arith.addi %mul3A_0, %arg0 : i32
    %mul3A_1 = arith.constant 3136 : i32
    %mul3A_2 = arith.muli %add3A, %mul3A_1 : i32
    %add3A_3 = arith.constant 3136 : i32
    %add3A_4 = arith.addi %mul3A_2, %add3A_3 : i32
    %min3A = arith.constant 100000 : i32
    %min3A_5 = arith.minsi %add3A_4, %min3A : i32
    %sub3A = arith.subi %min3A_5, %mul3A_2 : i32
    %iota3A = tpu.iota {dimensions = array<i32: 0>} : vector<16xi32>
    %broadcast_in_dim3A = vector.broadcast %mul3A_2 : i32 to vector<16xi32>
    %add3A_6 = arith.addi %mul3A_2, %sub3A : i32
    %broadcast_in_dim3A_7 = vector.broadcast %add3A_6 : i32 to vector<16xi32>
    %add3A_8 = arith.constant 0 : i32
    %add3A_9 = vector.broadcast %add3A_8 : i32 to vector<16xi32>
    %add3A_10 = arith.addi %add3A_9, %iota3A : vector<16xi32>
    %lt3A = arith.constant 49 : i32
    %lt3A_11 = vector.broadcast %lt3A : i32 to vector<16xi32>
    %lt3A_12 = arith.cmpi slt, %add3A_10, %lt3A_11 : vector<16xi32>
    %mul3A_13 = arith.constant 131072 : i32
    %mul3A_14 = vector.broadcast %mul3A_13 : i32 to vector<16xi32>
    %mul3A_15 = arith.muli %add3A_10, %mul3A_14 : vector<16xi32>
    %jit3A = arith.constant 0 : i32
    %broadcast_in_dim3A_16 = vector.broadcast %jit3A : i32 to vector<16xi32>
    %select_n3A = arith.select %lt3A_12, %mul3A_15, %broadcast_in_dim3A_16 : vector<16xi1>, vector<16xi32>
    %swap3A = arith.constant 0 : index
    %swap3A_17 = tpu.vector_load %arg10[%swap3A] {strides = array<i32>} : memref<64xi32, #tpu.memory_space<vmem>>, vector<16xi32>,
    tpu.vector_store %arg10[%swap3A], %select_n3A {strides = array<i32>} : memref<64xi32, #tpu.memory_space<vmem>>, vector<16xi32>,
    %add3A_18 = arith.constant 16 : i32
    %add3A_19 = vector.broadcast %add3A_18 : i32 to vector<16xi32>
    %add3A_20 = arith.addi %add3A_19, %iota3A : vector<16xi32>
    %lt3A_21 = arith.constant 49 : i32
    %lt3A_22 = vector.broadcast %lt3A_21 : i32 to vector<16xi32>
    %lt3A_23 = arith.cmpi slt, %add3A_20, %lt3A_22 : vector<16xi32>
    %mul3A_24 = arith.constant 131072 : i32
    %mul3A_25 = vector.broadcast %mul3A_24 : i32 to vector<16xi32>
    %mul3A_26 = arith.muli %add3A_20, %mul3A_25 : vector<16xi32>
    %jit3A_27 = arith.constant 0 : i32
    %broadcast_in_dim3A_28 = vector.broadcast %jit3A_27 : i32 to vector<16xi32>
    %select_n3A_29 = arith.select %lt3A_23, %mul3A_26, %broadcast_in_dim3A_28 : vector<16xi1>, vector<16xi32>
    %swap3A_30 = arith.constant 16 : index
    %swap3A_31 = tpu.vector_load %arg10[%swap3A_30] {strides = array<i32>} : memref<64xi32, #tpu.memory_space<vmem>>, vector<16xi32>,
    tpu.vector_store %arg10[%swap3A_30], %select_n3A_29 {strides = array<i32>} : memref<64xi32, #tpu.memory_space<vmem>>, vector<16xi32>,
    %add3A_32 = arith.constant 32 : i32
    %add3A_33 = vector.broadcast %add3A_32 : i32 to vector<16xi32>
    %add3A_34 = arith.addi %add3A_33, %iota3A : vector<16xi32>
    %lt3A_35 = arith.constant 49 : i32
    %lt3A_36 = vector.broadcast %lt3A_35 : i32 to vector<16xi32>
    %lt3A_37 = arith.cmpi slt, %add3A_34, %lt3A_36 : vector<16xi32>
    %mul3A_38 = arith.constant 131072 : i32
    %mul3A_39 = vector.broadcast %mul3A_38 : i32 to vector<16xi32>
    %mul3A_40 = arith.muli %add3A_34, %mul3A_39 : vector<16xi32>
    %jit3A_41 = arith.constant 0 : i32
    %broadcast_in_dim3A_42 = vector.broadcast %jit3A_41 : i32 to vector<16xi32>
    %select_n3A_43 = arith.select %lt3A_37, %mul3A_40, %broadcast_in_dim3A_42 : vector<16xi1>, vector<16xi32>
    %swap3A_44 = arith.constant 32 : index
    %swap3A_45 = tpu.vector_load %arg10[%swap3A_44] {strides = array<i32>} : memref<64xi32, #tpu.memory_space<vmem>>, vector<16xi32>,
    tpu.vector_store %arg10[%swap3A_44], %select_n3A_43 {strides = array<i32>} : memref<64xi32, #tpu.memory_space<vmem>>, vector<16xi32>,
    %add3A_46 = arith.constant 48 : i32
    %add3A_47 = vector.broadcast %add3A_46 : i32 to vector<16xi32>
    %add3A_48 = arith.addi %add3A_47, %iota3A : vector<16xi32>
    %lt3A_49 = arith.constant 49 : i32
    %lt3A_50 = vector.broadcast %lt3A_49 : i32 to vector<16xi32>
    %lt3A_51 = arith.cmpi slt, %add3A_48, %lt3A_50 : vector<16xi32>
    %mul3A_52 = arith.constant 131072 : i32
    %mul3A_53 = vector.broadcast %mul3A_52 : i32 to vector<16xi32>
    %mul3A_54 = arith.muli %add3A_48, %mul3A_53 : vector<16xi32>
    %jit3A_55 = arith.constant 0 : i32
    %broadcast_in_dim3A_56 = vector.broadcast %jit3A_55 : i32 to vector<16xi32>
    %select_n3A_57 = arith.select %lt3A_51, %mul3A_54, %broadcast_in_dim3A_56 : vector<16xi1>, vector<16xi32>
    %swap3A_58 = arith.constant 48 : index
    %swap3A_59 = tpu.vector_load %arg10[%swap3A_58] {strides = array<i32>} : memref<64xi32, #tpu.memory_space<vmem>>, vector<16xi32>,
    tpu.vector_store %arg10[%swap3A_58], %select_n3A_57 {strides = array<i32>} : memref<64xi32, #tpu.memory_space<vmem>>, vector<16xi32>,
    %dma_start3A = arith.constant 0 : i32
    %dma_start3A_60 = tpu.memref_slice %arg3[%dma_start3A] : memref<6400000xi32, #tpu.memory_space<hbm>> -> memref<6400000xi32, #tpu.memory_space<hbm>>
    tpu.enqueue_indirect_dma source(%dma_start3A_60 : memref<6400000xi32, #tpu.memory_space<hbm>>) target(%arg11 : memref<64xi32, #tpu.memory_space<vmem>>) offsets(%arg10 : memref<64xi32, #tpu.memory_space<vmem>>) semaphore(%arg14 : memref<!tpu.dma_semaphore, #tpu.memory_space<semaphore_mem>>)
    %dma_wait3A = arith.constant 0 : i32
    %dma_wait3A_61 = tpu.memref_slice %arg3[%dma_wait3A] : memref<6400000xi32, #tpu.memory_space<hbm>> -> memref<6400000xi32, #tpu.memory_space<hbm>>
    tpu.wait_indirect_dma semaphore(%arg14 : memref<!tpu.dma_semaphore, #tpu.memory_space<semaphore_mem>>) src(%dma_wait3A_61 : memref<6400000xi32, #tpu.memory_space<hbm>>) dst(%arg11 : memref<64xi32, #tpu.memory_space<vmem>>)
    %broadcast_in_dim3A_62 = arith.constant 0 : i32
    %broadcast_in_dim3A_63 = vector.broadcast %broadcast_in_dim3A_62 : i32 to vector<16xi32>
    %add3A_64 = arith.constant 0 : i32
    %add3A_65 = vector.broadcast %add3A_64 : i32 to vector<16xi32>
    %add3A_66 = arith.addi %add3A_65, %iota3A : vector<16xi32>
    %lt3A_67 = arith.constant 49 : i32
    %lt3A_68 = vector.broadcast %lt3A_67 : i32 to vector<16xi32>
    %lt3A_69 = arith.cmpi slt, %add3A_66, %lt3A_68 : vector<16xi32>
    %get3A = arith.constant 0 : index
    %get3A_70 = tpu.vector_load %arg11[%get3A] {strides = array<i32>} : memref<64xi32, #tpu.memory_space<vmem>>, vector<16xi32>,
    %lt3A_71 = arith.cmpi slt, %get3A_70, %broadcast_in_dim3A : vector<16xi32>
    %and3A = arith.andi %lt3A_71, %lt3A_69 : vector<16xi1>
    %all_reduce_population_count3A = tpu.all_reduce %and3A {dim = 0 : i64, kind = #tpu.reduction_kind<sum>} : vector<16xi1> -> vector<16xi32>
    %add3A_72 = arith.addi %broadcast_in_dim3A_63, %all_reduce_population_count3A : vector<16xi32>
    %lt3A_73 = arith.cmpi slt, %get3A_70, %broadcast_in_dim3A_7 : vector<16xi32>
    %and3A_74 = arith.andi %lt3A_73, %lt3A_69 : vector<16xi1>
    %all_reduce_population_count3A_75 = tpu.all_reduce %and3A_74 {dim = 0 : i64, kind = #tpu.reduction_kind<sum>} : vector<16xi1> -> vector<16xi32>
    %add3A_76 = arith.addi %broadcast_in_dim3A_63, %all_reduce_population_count3A_75 : vector<16xi32>
    %add3A_77 = arith.constant 16 : i32
    %add3A_78 = vector.broadcast %add3A_77 : i32 to vector<16xi32>
    %add3A_79 = arith.addi %add3A_78, %iota3A : vector<16xi32>
    %lt3A_80 = arith.constant 49 : i32
    %lt3A_81 = vector.broadcast %lt3A_80 : i32 to vector<16xi32>
    %lt3A_82 = arith.cmpi slt, %add3A_79, %lt3A_81 : vector<16xi32>
    %get3A_83 = arith.constant 16 : index
    %get3A_84 = tpu.vector_load %arg11[%get3A_83] {strides = array<i32>} : memref<64xi32, #tpu.memory_space<vmem>>, vector<16xi32>,
    %lt3A_85 = arith.cmpi slt, %get3A_84, %broadcast_in_dim3A : vector<16xi32>
    %and3A_86 = arith.andi %lt3A_85, %lt3A_82 : vector<16xi1>
    %all_reduce_population_count3A_87 = tpu.all_reduce %and3A_86 {dim = 0 : i64, kind = #tpu.reduction_kind<sum>} : vector<16xi1> -> vector<16xi32>
    %add3A_88 = arith.addi %add3A_72, %all_reduce_population_count3A_87 : vector<16xi32>
    %lt3A_89 = arith.cmpi slt, %get3A_84, %broadcast_in_dim3A_7 : vector<16xi32>
    %and3A_90 = arith.andi %lt3A_89, %lt3A_82 : vector<16xi1>
    %all_reduce_population_count3A_91 = tpu.all_reduce %and3A_90 {dim = 0 : i64, kind = #tpu.reduction_kind<sum>} : vector<16xi1> -> vector<16xi32>
    %add3A_92 = arith.addi %add3A_76, %all_reduce_population_count3A_91 : vector<16xi32>
    %add3A_93 = arith.constant 32 : i32
    %add3A_94 = vector.broadcast %add3A_93 : i32 to vector<16xi32>
    %add3A_95 = arith.addi %add3A_94, %iota3A : vector<16xi32>
    %lt3A_96 = arith.constant 49 : i32
    %lt3A_97 = vector.broadcast %lt3A_96 : i32 to vector<16xi32>
    %lt3A_98 = arith.cmpi slt, %add3A_95, %lt3A_97 : vector<16xi32>
    %get3A_99 = arith.constant 32 : index
    %get3A_100 = tpu.vector_load %arg11[%get3A_99] {strides = array<i32>} : memref<64xi32, #tpu.memory_space<vmem>>, vector<16xi32>,
    %lt3A_101 = arith.cmpi slt, %get3A_100, %broadcast_in_dim3A : vector<16xi32>
    %and3A_102 = arith.andi %lt3A_101, %lt3A_98 : vector<16xi1>
    %all_reduce_population_count3A_103 = tpu.all_reduce %and3A_102 {dim = 0 : i64, kind = #tpu.reduction_kind<sum>} : vector<16xi1> -> vector<16xi32>
    %add3A_104 = arith.addi %add3A_88, %all_reduce_population_count3A_103 : vector<16xi32>
    %lt3A_105 = arith.cmpi slt, %get3A_100, %broadcast_in_dim3A_7 : vector<16xi32>
    %and3A_106 = arith.andi %lt3A_105, %lt3A_98 : vector<16xi1>
    %all_reduce_population_count3A_107 = tpu.all_reduce %and3A_106 {dim = 0 : i64, kind = #tpu.reduction_kind<sum>} : vector<16xi1> -> vector<16xi32>
    %add3A_108 = arith.addi %add3A_92, %all_reduce_population_count3A_107 : vector<16xi32>
    %add3A_109 = arith.constant 48 : i32
    %add3A_110 = vector.broadcast %add3A_109 : i32 to vector<16xi32>
    %add3A_111 = arith.addi %add3A_110, %iota3A : vector<16xi32>
    %lt3A_112 = arith.constant 49 : i32
    %lt3A_113 = vector.broadcast %lt3A_112 : i32 to vector<16xi32>
    %lt3A_114 = arith.cmpi slt, %add3A_111, %lt3A_113 : vector<16xi32>
    %get3A_115 = arith.constant 48 : index
    %get3A_116 = tpu.vector_load %arg11[%get3A_115] {strides = array<i32>} : memref<64xi32, #tpu.memory_space<vmem>>, vector<16xi32>,
    %lt3A_117 = arith.cmpi slt, %get3A_116, %broadcast_in_dim3A : vector<16xi32>
    %and3A_118 = arith.andi %lt3A_117, %lt3A_114 : vector<16xi1>
    %all_reduce_population_count3A_119 = tpu.all_reduce %and3A_118 {dim = 0 : i64, kind = #tpu.reduction_kind<sum>} : vector<16xi1> -> vector<16xi32>
    %add3A_120 = arith.addi %add3A_104, %all_reduce_population_count3A_119 : vector<16xi32>
    %lt3A_121 = arith.cmpi slt, %get3A_116, %broadcast_in_dim3A_7 : vector<16xi32>
    %and3A_122 = arith.andi %lt3A_121, %lt3A_114 : vector<16xi1>
    %all_reduce_population_count3A_123 = tpu.all_reduce %and3A_122 {dim = 0 : i64, kind = #tpu.reduction_kind<sum>} : vector<16xi1> -> vector<16xi32>
    %add3A_124 = arith.addi %add3A_108, %all_reduce_population_count3A_123 : vector<16xi32>
    %slice3A = vector.extract_strided_slice %add3A_120 {offsets = [0], sizes = [1], strides = [1]} : vector<16xi32> to vector<1xi32>
    %squeeze3A = vector.extract %slice3A[0] : i32 from vector<1xi32>
    %sub3A_125 = arith.constant 1 : i32
    %sub3A_126 = arith.subi %squeeze3A, %sub3A_125 : i32
    %max3A = arith.constant 0 : i32
    %max3A_127 = arith.maxsi %sub3A_126, %max3A : i32
    %mul3A_128 = arith.constant 64 : i32
    %mul3A_129 = arith.muli %max3A_127, %mul3A_128 : i32
    %slice3A_130 = vector.extract_strided_slice %add3A_124 {offsets = [0], sizes = [1], strides = [1]} : vector<16xi32> to vector<1xi32>
    %squeeze3A_131 = vector.extract %slice3A_130[0] : i32 from vector<1xi32>
    %sub3A_132 = arith.constant 1 : i32
    %sub3A_133 = arith.subi %squeeze3A_131, %sub3A_132 : i32
    %max3A_134 = arith.constant 0 : i32
    %max3A_135 = arith.maxsi %sub3A_133, %max3A_134 : i32
    %mul3A_136 = arith.constant 64 : i32
    %mul3A_137 = arith.muli %max3A_135, %mul3A_136 : i32
    %add3A_138 = arith.constant 0 : i32
    %add3A_139 = vector.broadcast %add3A_138 : i32 to vector<16xi32>
    %add3A_140 = arith.addi %add3A_139, %iota3A : vector<16xi32>
    %add3A_141 = vector.broadcast %mul3A_129 : i32 to vector<16xi32>
    %add3A_142 = arith.addi %add3A_141, %add3A_140 : vector<16xi32>
    %add3A_143 = vector.broadcast %mul3A_137 : i32 to vector<16xi32>
    %add3A_144 = arith.addi %add3A_143, %add3A_140 : vector<16xi32>
    %lt3A_145 = arith.constant 3125 : i32
    %lt3A_146 = vector.broadcast %lt3A_145 : i32 to vector<16xi32>
    %lt3A_147 = arith.cmpi slt, %add3A_142, %lt3A_146 : vector<16xi32>
    %mul3A_148 = arith.constant 2048 : i32
    %mul3A_149 = vector.broadcast %mul3A_148 : i32 to vector<16xi32>
    %mul3A_150 = arith.muli %add3A_142, %mul3A_149 : vector<16xi32>
    %jit3A_151 = arith.constant 0 : i32
    %broadcast_in_dim3A_152 = vector.broadcast %jit3A_151 : i32 to vector<16xi32>
    %select_n3A_153 = arith.select %lt3A_147, %mul3A_150, %broadcast_in_dim3A_152 : vector<16xi1>, vector<16xi32>
    %swap3A_154 = arith.constant 0 : index
    %swap3A_155 = tpu.vector_load %arg12[%swap3A_154] {strides = array<i32>} : memref<128xi32, #tpu.memory_space<vmem>>, vector<16xi32>,
    tpu.vector_store %arg12[%swap3A_154], %select_n3A_153 {strides = array<i32>} : memref<128xi32, #tpu.memory_space<vmem>>, vector<16xi32>,
    %lt3A_156 = arith.constant 3125 : i32
    %lt3A_157 = vector.broadcast %lt3A_156 : i32 to vector<16xi32>
    %lt3A_158 = arith.cmpi slt, %add3A_144, %lt3A_157 : vector<16xi32>
    %mul3A_159 = arith.constant 2048 : i32
    %mul3A_160 = vector.broadcast %mul3A_159 : i32 to vector<16xi32>
    %mul3A_161 = arith.muli %add3A_144, %mul3A_160 : vector<16xi32>
    %jit3A_162 = arith.constant 0 : i32
    %broadcast_in_dim3A_163 = vector.broadcast %jit3A_162 : i32 to vector<16xi32>
    %select_n3A_164 = arith.select %lt3A_158, %mul3A_161, %broadcast_in_dim3A_163 : vector<16xi1>, vector<16xi32>
    %swap3A_165 = arith.constant 64 : index
    %swap3A_166 = tpu.vector_load %arg12[%swap3A_165] {strides = array<i32>} : memref<128xi32, #tpu.memory_space<vmem>>, vector<16xi32>,
    tpu.vector_store %arg12[%swap3A_165], %select_n3A_164 {strides = array<i32>} : memref<128xi32, #tpu.memory_space<vmem>>, vector<16xi32>,
    %add3A_167 = arith.constant 16 : i32
    %add3A_168 = vector.broadcast %add3A_167 : i32 to vector<16xi32>
    %add3A_169 = arith.addi %add3A_168, %iota3A : vector<16xi32>
    %add3A_170 = vector.broadcast %mul3A_129 : i32 to vector<16xi32>
    %add3A_171 = arith.addi %add3A_170, %add3A_169 : vector<16xi32>
    %add3A_172 = vector.broadcast %mul3A_137 : i32 to vector<16xi32>
    %add3A_173 = arith.addi %add3A_172, %add3A_169 : vector<16xi32>
    %lt3A_174 = arith.constant 3125 : i32
    %lt3A_175 = vector.broadcast %lt3A_174 : i32 to vector<16xi32>
    %lt3A_176 = arith.cmpi slt, %add3A_171, %lt3A_175 : vector<16xi32>
    %mul3A_177 = arith.constant 2048 : i32
    %mul3A_178 = vector.broadcast %mul3A_177 : i32 to vector<16xi32>
    %mul3A_179 = arith.muli %add3A_171, %mul3A_178 : vector<16xi32>
    %jit3A_180 = arith.constant 0 : i32
    %broadcast_in_dim3A_181 = vector.broadcast %jit3A_180 : i32 to vector<16xi32>
    %select_n3A_182 = arith.select %lt3A_176, %mul3A_179, %broadcast_in_dim3A_181 : vector<16xi1>, vector<16xi32>
    %swap3A_183 = arith.constant 16 : index
    %swap3A_184 = tpu.vector_load %arg12[%swap3A_183] {strides = array<i32>} : memref<128xi32, #tpu.memory_space<vmem>>, vector<16xi32>,
    tpu.vector_store %arg12[%swap3A_183], %select_n3A_182 {strides = array<i32>} : memref<128xi32, #tpu.memory_space<vmem>>, vector<16xi32>,
    %lt3A_185 = arith.constant 3125 : i32
    %lt3A_186 = vector.broadcast %lt3A_185 : i32 to vector<16xi32>
    %lt3A_187 = arith.cmpi slt, %add3A_173, %lt3A_186 : vector<16xi32>
    %mul3A_188 = arith.constant 2048 : i32
    %mul3A_189 = vector.broadcast %mul3A_188 : i32 to vector<16xi32>
    %mul3A_190 = arith.muli %add3A_173, %mul3A_189 : vector<16xi32>
    %jit3A_191 = arith.constant 0 : i32
    %broadcast_in_dim3A_192 = vector.broadcast %jit3A_191 : i32 to vector<16xi32>
    %select_n3A_193 = arith.select %lt3A_187, %mul3A_190, %broadcast_in_dim3A_192 : vector<16xi1>, vector<16xi32>
    %swap3A_194 = arith.constant 80 : index
    %swap3A_195 = tpu.vector_load %arg12[%swap3A_194] {strides = array<i32>} : memref<128xi32, #tpu.memory_space<vmem>>, vector<16xi32>,
    tpu.vector_store %arg12[%swap3A_194], %select_n3A_193 {strides = array<i32>} : memref<128xi32, #tpu.memory_space<vmem>>, vector<16xi32>,
    %add3A_196 = arith.constant 32 : i32
    %add3A_197 = vector.broadcast %add3A_196 : i32 to vector<16xi32>
    %add3A_198 = arith.addi %add3A_197, %iota3A : vector<16xi32>
    %add3A_199 = vector.broadcast %mul3A_129 : i32 to vector<16xi32>
    %add3A_200 = arith.addi %add3A_199, %add3A_198 : vector<16xi32>
    %add3A_201 = vector.broadcast %mul3A_137 : i32 to vector<16xi32>
    %add3A_202 = arith.addi %add3A_201, %add3A_198 : vector<16xi32>
    %lt3A_203 = arith.constant 3125 : i32
    %lt3A_204 = vector.broadcast %lt3A_203 : i32 to vector<16xi32>
    %lt3A_205 = arith.cmpi slt, %add3A_200, %lt3A_204 : vector<16xi32>
    %mul3A_206 = arith.constant 2048 : i32
    %mul3A_207 = vector.broadcast %mul3A_206 : i32 to vector<16xi32>
    %mul3A_208 = arith.muli %add3A_200, %mul3A_207 : vector<16xi32>
    %jit3A_209 = arith.constant 0 : i32
    %broadcast_in_dim3A_210 = vector.broadcast %jit3A_209 : i32 to vector<16xi32>
    %select_n3A_211 = arith.select %lt3A_205, %mul3A_208, %broadcast_in_dim3A_210 : vector<16xi1>, vector<16xi32>
    %swap3A_212 = arith.constant 32 : index
    %swap3A_213 = tpu.vector_load %arg12[%swap3A_212] {strides = array<i32>} : memref<128xi32, #tpu.memory_space<vmem>>, vector<16xi32>,
    tpu.vector_store %arg12[%swap3A_212], %select_n3A_211 {strides = array<i32>} : memref<128xi32, #tpu.memory_space<vmem>>, vector<16xi32>,
    %lt3A_214 = arith.constant 3125 : i32
    %lt3A_215 = vector.broadcast %lt3A_214 : i32 to vector<16xi32>
    %lt3A_216 = arith.cmpi slt, %add3A_202, %lt3A_215 : vector<16xi32>
    %mul3A_217 = arith.constant 2048 : i32
    %mul3A_218 = vector.broadcast %mul3A_217 : i32 to vector<16xi32>
    %mul3A_219 = arith.muli %add3A_202, %mul3A_218 : vector<16xi32>
    %jit3A_220 = arith.constant 0 : i32
    %broadcast_in_dim3A_221 = vector.broadcast %jit3A_220 : i32 to vector<16xi32>
    %select_n3A_222 = arith.select %lt3A_216, %mul3A_219, %broadcast_in_dim3A_221 : vector<16xi1>, vector<16xi32>
    %swap3A_223 = arith.constant 96 : index
    %swap3A_224 = tpu.vector_load %arg12[%swap3A_223] {strides = array<i32>} : memref<128xi32, #tpu.memory_space<vmem>>, vector<16xi32>,
    tpu.vector_store %arg12[%swap3A_223], %select_n3A_222 {strides = array<i32>} : memref<128xi32, #tpu.memory_space<vmem>>, vector<16xi32>,
    %add3A_225 = arith.constant 48 : i32
    %add3A_226 = vector.broadcast %add3A_225 : i32 to vector<16xi32>
    %add3A_227 = arith.addi %add3A_226, %iota3A : vector<16xi32>
    %add3A_228 = vector.broadcast %mul3A_129 : i32 to vector<16xi32>
    %add3A_229 = arith.addi %add3A_228, %add3A_227 : vector<16xi32>
    %add3A_230 = vector.broadcast %mul3A_137 : i32 to vector<16xi32>
    %add3A_231 = arith.addi %add3A_230, %add3A_227 : vector<16xi32>
    %lt3A_232 = arith.constant 3125 : i32
    %lt3A_233 = vector.broadcast %lt3A_232 : i32 to vector<16xi32>
    %lt3A_234 = arith.cmpi slt, %add3A_229, %lt3A_233 : vector<16xi32>
    %mul3A_235 = arith.constant 2048 : i32
    %mul3A_236 = vector.broadcast %mul3A_235 : i32 to vector<16xi32>
    %mul3A_237 = arith.muli %add3A_229, %mul3A_236 : vector<16xi32>
    %jit3A_238 = arith.constant 0 : i32
    %broadcast_in_dim3A_239 = vector.broadcast %jit3A_238 : i32 to vector<16xi32>
    %select_n3A_240 = arith.select %lt3A_234, %mul3A_237, %broadcast_in_dim3A_239 : vector<16xi1>, vector<16xi32>
    %swap3A_241 = arith.constant 48 : index
    %swap3A_242 = tpu.vector_load %arg12[%swap3A_241] {strides = array<i32>} : memref<128xi32, #tpu.memory_space<vmem>>, vector<16xi32>,
    tpu.vector_store %arg12[%swap3A_241], %select_n3A_240 {strides = array<i32>} : memref<128xi32, #tpu.memory_space<vmem>>, vector<16xi32>,
    %lt3A_243 = arith.constant 3125 : i32
    %lt3A_244 = vector.broadcast %lt3A_243 : i32 to vector<16xi32>
    %lt3A_245 = arith.cmpi slt, %add3A_231, %lt3A_244 : vector<16xi32>
    %mul3A_246 = arith.constant 2048 : i32
    %mul3A_247 = vector.broadcast %mul3A_246 : i32 to vector<16xi32>
    %mul3A_248 = arith.muli %add3A_231, %mul3A_247 : vector<16xi32>
    %jit3A_249 = arith.constant 0 : i32
    %broadcast_in_dim3A_250 = vector.broadcast %jit3A_249 : i32 to vector<16xi32>
    %select_n3A_251 = arith.select %lt3A_245, %mul3A_248, %broadcast_in_dim3A_250 : vector<16xi1>, vector<16xi32>
    %swap3A_252 = arith.constant 112 : index
    %swap3A_253 = tpu.vector_load %arg12[%swap3A_252] {strides = array<i32>} : memref<128xi32, #tpu.memory_space<vmem>>, vector<16xi32>,
    tpu.vector_store %arg12[%swap3A_252], %select_n3A_251 {strides = array<i32>} : memref<128xi32, #tpu.memory_space<vmem>>, vector<16xi32>,
    %dma_start3A_254 = arith.constant 0 : i32
    %dma_start3A_255 = tpu.memref_slice %arg3[%dma_start3A_254] : memref<6400000xi32, #tpu.memory_space<hbm>> -> memref<6400000xi32, #tpu.memory_space<hbm>>
    tpu.enqueue_indirect_dma source(%dma_start3A_255 : memref<6400000xi32, #tpu.memory_space<hbm>>) target(%arg13 : memref<128xi32, #tpu.memory_space<vmem>>) offsets(%arg12 : memref<128xi32, #tpu.memory_space<vmem>>) semaphore(%arg15 : memref<!tpu.dma_semaphore, #tpu.memory_space<semaphore_mem>>)
    %dma_wait3A_256 = arith.constant 0 : i32
    %dma_wait3A_257 = tpu.memref_slice %arg3[%dma_wait3A_256] : memref<6400000xi32, #tpu.memory_space<hbm>> -> memref<6400000xi32, #tpu.memory_space<hbm>>
    tpu.wait_indirect_dma semaphore(%arg15 : memref<!tpu.dma_semaphore, #tpu.memory_space<semaphore_mem>>) src(%dma_wait3A_257 : memref<6400000xi32, #tpu.memory_space<hbm>>) dst(%arg13 : memref<128xi32, #tpu.memory_space<vmem>>)
    %add3A_258 = arith.constant 0 : i32
    %add3A_259 = vector.broadcast %add3A_258 : i32 to vector<16xi32>
    %add3A_260 = arith.addi %add3A_259, %iota3A : vector<16xi32>
    %get3A_261 = arith.constant 0 : index
    %get3A_262 = tpu.vector_load %arg13[%get3A_261] {strides = array<i32>} : memref<128xi32, #tpu.memory_space<vmem>>, vector<16xi32>,
    %get3A_263 = arith.constant 64 : index
    %get3A_264 = tpu.vector_load %arg13[%get3A_263] {strides = array<i32>} : memref<128xi32, #tpu.memory_space<vmem>>, vector<16xi32>,
    %lt3A_265 = arith.cmpi slt, %get3A_262, %broadcast_in_dim3A : vector<16xi32>
    %add3A_266 = vector.broadcast %mul3A_129 : i32 to vector<16xi32>
    %add3A_267 = arith.addi %add3A_266, %add3A_260 : vector<16xi32>
    %lt3A_268 = arith.constant 3125 : i32
    %lt3A_269 = vector.broadcast %lt3A_268 : i32 to vector<16xi32>
    %lt3A_270 = arith.cmpi slt, %add3A_267, %lt3A_269 : vector<16xi32>
    %and3A_271 = arith.andi %lt3A_265, %lt3A_270 : vector<16xi1>
    %all_reduce_population_count3A_272 = tpu.all_reduce %and3A_271 {dim = 0 : i64, kind = #tpu.reduction_kind<sum>} : vector<16xi1> -> vector<16xi32>
    %add3A_273 = arith.addi %broadcast_in_dim3A_63, %all_reduce_population_count3A_272 : vector<16xi32>
    %lt3A_274 = arith.cmpi slt, %get3A_264, %broadcast_in_dim3A_7 : vector<16xi32>
    %add3A_275 = vector.broadcast %mul3A_137 : i32 to vector<16xi32>
    %add3A_276 = arith.addi %add3A_275, %add3A_260 : vector<16xi32>
    %lt3A_277 = arith.constant 3125 : i32
    %lt3A_278 = vector.broadcast %lt3A_277 : i32 to vector<16xi32>
    %lt3A_279 = arith.cmpi slt, %add3A_276, %lt3A_278 : vector<16xi32>
    %and3A_280 = arith.andi %lt3A_274, %lt3A_279 : vector<16xi1>
    %all_reduce_population_count3A_281 = tpu.all_reduce %and3A_280 {dim = 0 : i64, kind = #tpu.reduction_kind<sum>} : vector<16xi1> -> vector<16xi32>
    %add3A_282 = arith.addi %broadcast_in_dim3A_63, %all_reduce_population_count3A_281 : vector<16xi32>
    %add3A_283 = arith.constant 16 : i32
    %add3A_284 = vector.broadcast %add3A_283 : i32 to vector<16xi32>
    %add3A_285 = arith.addi %add3A_284, %iota3A : vector<16xi32>
    %get3A_286 = arith.constant 16 : index
    %get3A_287 = tpu.vector_load %arg13[%get3A_286] {strides = array<i32>} : memref<128xi32, #tpu.memory_space<vmem>>, vector<16xi32>,
    %get3A_288 = arith.constant 80 : index
    %get3A_289 = tpu.vector_load %arg13[%get3A_288] {strides = array<i32>} : memref<128xi32, #tpu.memory_space<vmem>>, vector<16xi32>,
    %lt3A_290 = arith.cmpi slt, %get3A_287, %broadcast_in_dim3A : vector<16xi32>
    %add3A_291 = vector.broadcast %mul3A_129 : i32 to vector<16xi32>
    %add3A_292 = arith.addi %add3A_291, %add3A_285 : vector<16xi32>
    %lt3A_293 = arith.constant 3125 : i32
    %lt3A_294 = vector.broadcast %lt3A_293 : i32 to vector<16xi32>
    %lt3A_295 = arith.cmpi slt, %add3A_292, %lt3A_294 : vector<16xi32>
    %and3A_296 = arith.andi %lt3A_290, %lt3A_295 : vector<16xi1>
    %all_reduce_population_count3A_297 = tpu.all_reduce %and3A_296 {dim = 0 : i64, kind = #tpu.reduction_kind<sum>} : vector<16xi1> -> vector<16xi32>
    %add3A_298 = arith.addi %add3A_273, %all_reduce_population_count3A_297 : vector<16xi32>
    %lt3A_299 = arith.cmpi slt, %get3A_289, %broadcast_in_dim3A_7 : vector<16xi32>
    %add3A_300 = vector.broadcast %mul3A_137 : i32 to vector<16xi32>
    %add3A_301 = arith.addi %add3A_300, %add3A_285 : vector<16xi32>
    %lt3A_302 = arith.constant 3125 : i32
    %lt3A_303 = vector.broadcast %lt3A_302 : i32 to vector<16xi32>
    %lt3A_304 = arith.cmpi slt, %add3A_301, %lt3A_303 : vector<16xi32>
    %and3A_305 = arith.andi %lt3A_299, %lt3A_304 : vector<16xi1>
    %all_reduce_population_count3A_306 = tpu.all_reduce %and3A_305 {dim = 0 : i64, kind = #tpu.reduction_kind<sum>} : vector<16xi1> -> vector<16xi32>
    %add3A_307 = arith.addi %add3A_282, %all_reduce_population_count3A_306 : vector<16xi32>
    %add3A_308 = arith.constant 32 : i32
    %add3A_309 = vector.broadcast %add3A_308 : i32 to vector<16xi32>
    %add3A_310 = arith.addi %add3A_309, %iota3A : vector<16xi32>
    %get3A_311 = arith.constant 32 : index
    %get3A_312 = tpu.vector_load %arg13[%get3A_311] {strides = array<i32>} : memref<128xi32, #tpu.memory_space<vmem>>, vector<16xi32>,
    %get3A_313 = arith.constant 96 : index
    %get3A_314 = tpu.vector_load %arg13[%get3A_313] {strides = array<i32>} : memref<128xi32, #tpu.memory_space<vmem>>, vector<16xi32>,
    %lt3A_315 = arith.cmpi slt, %get3A_312, %broadcast_in_dim3A : vector<16xi32>
    %add3A_316 = vector.broadcast %mul3A_129 : i32 to vector<16xi32>
    %add3A_317 = arith.addi %add3A_316, %add3A_310 : vector<16xi32>
    %lt3A_318 = arith.constant 3125 : i32
    %lt3A_319 = vector.broadcast %lt3A_318 : i32 to vector<16xi32>
    %lt3A_320 = arith.cmpi slt, %add3A_317, %lt3A_319 : vector<16xi32>
    %and3A_321 = arith.andi %lt3A_315, %lt3A_320 : vector<16xi1>
    %all_reduce_population_count3A_322 = tpu.all_reduce %and3A_321 {dim = 0 : i64, kind = #tpu.reduction_kind<sum>} : vector<16xi1> -> vector<16xi32>
    %add3A_323 = arith.addi %add3A_298, %all_reduce_population_count3A_322 : vector<16xi32>
    %lt3A_324 = arith.cmpi slt, %get3A_314, %broadcast_in_dim3A_7 : vector<16xi32>
    %add3A_325 = vector.broadcast %mul3A_137 : i32 to vector<16xi32>
    %add3A_326 = arith.addi %add3A_325, %add3A_310 : vector<16xi32>
    %lt3A_327 = arith.constant 3125 : i32
    %lt3A_328 = vector.broadcast %lt3A_327 : i32 to vector<16xi32>
    %lt3A_329 = arith.cmpi slt, %add3A_326, %lt3A_328 : vector<16xi32>
    %and3A_330 = arith.andi %lt3A_324, %lt3A_329 : vector<16xi1>
    %all_reduce_population_count3A_331 = tpu.all_reduce %and3A_330 {dim = 0 : i64, kind = #tpu.reduction_kind<sum>} : vector<16xi1> -> vector<16xi32>
    %add3A_332 = arith.addi %add3A_307, %all_reduce_population_count3A_331 : vector<16xi32>
    %add3A_333 = arith.constant 48 : i32
    %add3A_334 = vector.broadcast %add3A_333 : i32 to vector<16xi32>
    %add3A_335 = arith.addi %add3A_334, %iota3A : vector<16xi32>
    %get3A_336 = arith.constant 48 : index
    %get3A_337 = tpu.vector_load %arg13[%get3A_336] {strides = array<i32>} : memref<128xi32, #tpu.memory_space<vmem>>, vector<16xi32>,
    %get3A_338 = arith.constant 112 : index
    %get3A_339 = tpu.vector_load %arg13[%get3A_338] {strides = array<i32>} : memref<128xi32, #tpu.memory_space<vmem>>, vector<16xi32>,
    %lt3A_340 = arith.cmpi slt, %get3A_337, %broadcast_in_dim3A : vector<16xi32>
    %add3A_341 = vector.broadcast %mul3A_129 : i32 to vector<16xi32>
    %add3A_342 = arith.addi %add3A_341, %add3A_335 : vector<16xi32>
    %lt3A_343 = arith.constant 3125 : i32
    %lt3A_344 = vector.broadcast %lt3A_343 : i32 to vector<16xi32>
    %lt3A_345 = arith.cmpi slt, %add3A_342, %lt3A_344 : vector<16xi32>
    %and3A_346 = arith.andi %lt3A_340, %lt3A_345 : vector<16xi1>
    %all_reduce_population_count3A_347 = tpu.all_reduce %and3A_346 {dim = 0 : i64, kind = #tpu.reduction_kind<sum>} : vector<16xi1> -> vector<16xi32>
    %add3A_348 = arith.addi %add3A_323, %all_reduce_population_count3A_347 : vector<16xi32>
    %lt3A_349 = arith.cmpi slt, %get3A_339, %broadcast_in_dim3A_7 : vector<16xi32>
    %add3A_350 = vector.broadcast %mul3A_137 : i32 to vector<16xi32>
    %add3A_351 = arith.addi %add3A_350, %add3A_335 : vector<16xi32>
    %lt3A_352 = arith.constant 3125 : i32
    %lt3A_353 = vector.broadcast %lt3A_352 : i32 to vector<16xi32>
    %lt3A_354 = arith.cmpi slt, %add3A_351, %lt3A_353 : vector<16xi32>
    %and3A_355 = arith.andi %lt3A_349, %lt3A_354 : vector<16xi1>
    %all_reduce_population_count3A_356 = tpu.all_reduce %and3A_355 {dim = 0 : i64, kind = #tpu.reduction_kind<sum>} : vector<16xi1> -> vector<16xi32>
    %add3A_357 = arith.addi %add3A_332, %all_reduce_population_count3A_356 : vector<16xi32>
    %slice3A_358 = vector.extract_strided_slice %add3A_348 {offsets = [0], sizes = [1], strides = [1]} : vector<16xi32> to vector<1xi32>
    %squeeze3A_359 = vector.extract %slice3A_358[0] : i32 from vector<1xi32>
    %add3A_360 = arith.addi %mul3A_129, %squeeze3A_359 : i32
    %slice3A_361 = vector.extract_strided_slice %add3A_357 {offsets = [0], sizes = [1], strides = [1]} : vector<16xi32> to vector<1xi32>
    %squeeze3A_362 = vector.extract %slice3A_361[0] : i32 from vector<1xi32>
    %add3A_363 = arith.addi %mul3A_137, %squeeze3A_362 : i32
    %sub3A_364 = arith.constant 1 : i32
    %sub3A_365 = arith.subi %add3A_360, %sub3A_364 : i32
    %mul3A_366 = arith.constant 2048 : i32
    %mul3A_367 = arith.muli %sub3A_365, %mul3A_366 : i32
    %max3A_368 = arith.constant 0 : i32
    %max3A_369 = arith.maxsi %max3A_368, %mul3A_367 : i32
    %mul3A_370 = arith.constant 2048 : i32
    %mul3A_371 = arith.muli %add3A_363, %mul3A_370 : i32
    %min3A_372 = arith.constant 6400000 : i32
    %min3A_373 = arith.minsi %min3A_372, %mul3A_371 : i32
    %broadcast_in_dim3A_374 = arith.constant 100000 : i32
    %broadcast_in_dim3A_375 = vector.broadcast %broadcast_in_dim3A_374 : i32 to vector<16xi32>
    %swap3A_376 = arith.constant 16384 : index
    %swap3A_377 = tpu.vector_load %arg6[%swap3A_376] {strides = array<i32>} : memref<16400xi32, #tpu.memory_space<vmem>>, vector<16xi32>,
    tpu.vector_store %arg6[%swap3A_376], %broadcast_in_dim3A_375 {strides = array<i32>} : memref<16400xi32, #tpu.memory_space<vmem>>, vector<16xi32>,
    %swap3A_378 = arith.constant 16384 : index
    %swap3A_379 = tpu.vector_load %arg8[%swap3A_378] {strides = array<i32>} : memref<16400xi32, #tpu.memory_space<vmem>>, vector<16xi32>,
    tpu.vector_store %arg8[%swap3A_378], %broadcast_in_dim3A_375 {strides = array<i32>} : memref<16400xi32, #tpu.memory_space<vmem>>, vector<16xi32>,
    %parallel_loop3A = arith.constant 0 : i32
    %parallel_loop3A_380 = arith.constant 196 : i32
    %parallel_loop3A_381 = arith.constant 1 : i32
    scf.for %parallel_loop3A_529 = %parallel_loop3A to %parallel_loop3A_380 step %parallel_loop3A_381  : i32 {
      %parallel_loop3A_530 = arith.constant 0.000000e+00 : f32
      %parallel_loop3A_531 = vector.broadcast %parallel_loop3A_530 : f32 to vector<16xf32>
      %parallel_loop3A_532 = arith.constant 16 : i32
      %parallel_loop3A_533 = arith.muli %parallel_loop3A_529, %parallel_loop3A_532 : i32
      %parallel_loop3A_534 = arith.index_cast %parallel_loop3A_533 : i32 to index
      %parallel_loop3A_535 = tpu.vector_load %arg9[%parallel_loop3A_534] {strides = array<i32>} : memref<3136xf32, #tpu.memory_space<vmem>>, vector<16xf32>,
      tpu.vector_store %arg9[%parallel_loop3A_534], %parallel_loop3A_531 {strides = array<i32>} : memref<3136xf32, #tpu.memory_space<vmem>>, vector<16xf32>,
    } {sc.loop_unroll_factor = 8 : i64, sc.parallel_access}
    %iota3A_382 = tpu.iota {dimensions = array<i32: 0>} : vector<16xi32>
    %eq3A = arith.constant 15 : i32
    %eq3A_383 = vector.broadcast %eq3A : i32 to vector<16xi32>
    %eq3A_384 = arith.cmpi eq, %iota3A_382, %eq3A_383 : vector<16xi32>
    %lt3A_385 = arith.constant 15 : i32
    %lt3A_386 = vector.broadcast %lt3A_385 : i32 to vector<16xi32>
    %lt3A_387 = arith.cmpi slt, %iota3A_382, %lt3A_386 : vector<16xi32>
    %broadcast_in_dim3A_388 = vector.broadcast %sub3A : i32 to vector<16xi32>
    %sub3A_389 = arith.subi %min3A_373, %max3A_369 : i32
    %add3A_390 = arith.constant 16368 : i32
    %add3A_391 = arith.addi %sub3A_389, %add3A_390 : i32
    %sub3A_392 = arith.constant 1 : i32
    %sub3A_393 = arith.subi %add3A_391, %sub3A_392 : i32
    %jit3A_394 = arith.constant 16368 : i32
    %div3A = arith.divsi %sub3A_393, %jit3A_394 : i32
    %sign3A = arith.constant 0 : i32
    %sign3A_395 = arith.cmpi sgt, %sub3A_393, %sign3A : i32
    %sign3A_396 = arith.extui %sign3A_395 : i1 to i32
    %sign3A_397 = arith.constant 0 : i32
    %sign3A_398 = arith.cmpi slt, %sub3A_393, %sign3A_397 : i32
    %sign3A_399 = arith.extui %sign3A_398 : i1 to i32
    %sign3A_400 = arith.subi %sign3A_396, %sign3A_399 : i32
    %sign3A_401 = arith.constant 0 : i32
    %sign3A_402 = arith.cmpi sgt, %jit3A_394, %sign3A_401 : i32
    %sign3A_403 = arith.extui %sign3A_402 : i1 to i32
    %sign3A_404 = arith.constant 0 : i32
    %sign3A_405 = arith.cmpi slt, %jit3A_394, %sign3A_404 : i32
    %sign3A_406 = arith.extui %sign3A_405 : i1 to i32
    %sign3A_407 = arith.subi %sign3A_403, %sign3A_406 : i32
    %ne3A = arith.cmpi ne, %sign3A_400, %sign3A_407 : i32
    %rem3A = arith.remsi %sub3A_393, %jit3A_394 : i32
    %ne3A_408 = arith.constant 0 : i32
    %ne3A_409 = arith.cmpi ne, %rem3A, %ne3A_408 : i32
    %and3A_410 = arith.andi %ne3A, %ne3A_409 : i1
    %sub3A_411 = arith.constant 1 : i32
    %sub3A_412 = arith.subi %div3A, %sub3A_411 : i32
    %select_n3A_413 = arith.select %and3A_410, %sub3A_412, %div3A : i32
    %max3A_414 = arith.constant 1 : i32
    %max3A_415 = arith.maxsi %select_n3A_413, %max3A_414 : i32
    %sub3A_416 = arith.constant 1 : i32
    %sub3A_417 = arith.subi %max3A_415, %sub3A_416 : i32
    %add3A_418 = arith.constant 0 : i32
    %add3A_419 = arith.addi %max3A_369, %add3A_418 : i32
    %min3A_420 = arith.constant 6383616 : i32
    %min3A_421 = arith.minsi %add3A_419, %min3A_420 : i32
    %multiple_of3A = tpu.assume_multiple %min3A_421, 16 : i32
    %dma_start3A_422 = arith.constant 0 : i32
    %dma_start3A_423 = tpu.memref_slice %arg5[%dma_start3A_422] : memref<16400xf32, #tpu.memory_space<vmem>> -> memref<16384xf32, #tpu.memory_space<vmem>>
    %dma_start3A_424 = tpu.memref_slice %arg2[%multiple_of3A] : memref<6400000xf32, #tpu.memory_space<hbm>> -> memref<16384xf32, #tpu.memory_space<hbm>>
    %dma_start3A_425 = arith.constant 0 : i32
    %dma_start3A_426 = tpu.memref_slice %arg5[%dma_start3A_425] : memref<16400xf32, #tpu.memory_space<vmem>> -> memref<16384xf32, #tpu.memory_space<vmem>>
    %dma_start3A_427 = tpu.memref_slice %arg2[%multiple_of3A] : memref<6400000xf32, #tpu.memory_space<hbm>> -> memref<16384xf32, #tpu.memory_space<hbm>>
    tpu.enqueue_dma source(%dma_start3A_427 : memref<16384xf32, #tpu.memory_space<hbm>>) target(%dma_start3A_426 : memref<16384xf32, #tpu.memory_space<vmem>>) target_semaphore(%arg14 : memref<!tpu.dma_semaphore, #tpu.memory_space<semaphore_mem>>)
    %dma_start3A_428 = arith.constant 0 : i32
    %dma_start3A_429 = tpu.memref_slice %arg6[%dma_start3A_428] : memref<16400xi32, #tpu.memory_space<vmem>> -> memref<16384xi32, #tpu.memory_space<vmem>>
    %dma_start3A_430 = tpu.memref_slice %arg3[%multiple_of3A] : memref<6400000xi32, #tpu.memory_space<hbm>> -> memref<16384xi32, #tpu.memory_space<hbm>>
    %dma_start3A_431 = arith.constant 0 : i32
    %dma_start3A_432 = tpu.memref_slice %arg6[%dma_start3A_431] : memref<16400xi32, #tpu.memory_space<vmem>> -> memref<16384xi32, #tpu.memory_space<vmem>>
    %dma_start3A_433 = tpu.memref_slice %arg3[%multiple_of3A] : memref<6400000xi32, #tpu.memory_space<hbm>> -> memref<16384xi32, #tpu.memory_space<hbm>>
    tpu.enqueue_dma source(%dma_start3A_433 : memref<16384xi32, #tpu.memory_space<hbm>>) target(%dma_start3A_432 : memref<16384xi32, #tpu.memory_space<vmem>>) target_semaphore(%arg14 : memref<!tpu.dma_semaphore, #tpu.memory_space<semaphore_mem>>)
    %while3A = arith.constant 0 : i32
    %while3A_434 = arith.constant 0 : i32
    %while3A_435 = arith.subi %sub3A_417, %while3A : i32
    %while3A_436 = arith.addi %while3A, %while3A_435 : i32
    %while3A_437 = arith.constant 1 : i32
    %while3A_438 = arith.divsi %while3A_435, %while3A_437 : i32
    %while3A_439 = arith.muli %while3A_438, %while3A_437 : i32
    %while3A_440 = arith.addi %while3A, %while3A_439 : i32
    %while3A_441 = arith.constant 1 : i32
    %while3A_442 = scf.for %while3A_529 = %while3A to %while3A_440 step %while3A_441 iter_args(%while3A_530 = %while3A_434) -> (i32)  : i32 {
      %gt3A = arith.constant 0 : i32
      %gt3A_531 = arith.cmpi sgt, %while3A_529, %gt3A : i32
      %add3A_532 = arith.constant 1 : i32
      %add3A_533 = arith.addi %while3A_529, %add3A_532 : i32
      %mul3A_534 = arith.constant 16368 : i32
      %mul3A_535 = arith.muli %add3A_533, %mul3A_534 : i32
      %add3A_536 = arith.addi %max3A_369, %mul3A_535 : i32
      %sub3A_537 = arith.constant 2048 : i32
      %sub3A_538 = arith.subi %min3A_373, %sub3A_537 : i32
      %le3A = arith.cmpi sle, %add3A_536, %sub3A_538 : i32
      %and3A_539 = arith.andi %gt3A_531, %le3A : i1
      %jit3A_540 = arith.constant 2 : i32
      %eq3A_541 = arith.constant 0 : i32
      %eq3A_542 = arith.cmpi eq, %jit3A_540, %eq3A_541 : i32
      %jit3A_543 = arith.constant 1 : i32
      %select_n3A_544 = arith.select %eq3A_542, %jit3A_543, %jit3A_540 : i32
      %rem3A_545 = arith.remsi %while3A_529, %select_n3A_544 : i32
      %ne3A_546 = arith.constant 0 : i32
      %ne3A_547 = arith.cmpi ne, %rem3A_545, %ne3A_546 : i32
      %lt3A_548 = arith.constant 0 : i32
      %lt3A_549 = arith.cmpi slt, %rem3A_545, %lt3A_548 : i32
      %lt3A_550 = arith.constant 0 : i32
      %lt3A_551 = arith.cmpi slt, %select_n3A_544, %lt3A_550 : i32
      %ne3A_552 = arith.xori %lt3A_549, %lt3A_551 : i1
      %and3A_553 = arith.andi %ne3A_552, %ne3A_547 : i1
      %add3A_554 = arith.addi %rem3A_545, %select_n3A_544 : i32
      %select_n3A_555 = arith.select %and3A_553, %add3A_554, %rem3A_545 : i32
      %eq3A_556 = arith.constant 0 : i32
      %eq3A_557 = arith.cmpi eq, %select_n3A_555, %eq3A_556 : i32
      %convert_element_type3A_558 = arith.extui %eq3A_557 : i1 to i32
      %cond3A_559 = arith.constant 0 : i32
      %cond3A_560 = arith.cmpi ne, %convert_element_type3A_558, %cond3A_559 : i32
      scf.if %cond3A_560 {
        %dma_wait3A_583 = arith.constant 0 : i32
        %dma_wait3A_584 = tpu.memref_slice %arg5[%dma_wait3A_583] : memref<16400xf32, #tpu.memory_space<vmem>> -> memref<16384xf32, #tpu.memory_space<vmem>>
        %dma_wait3A_585 = arith.constant 0 : i32
        %dma_wait3A_586 = tpu.memref_slice %arg2[%dma_wait3A_585] : memref<6400000xf32, #tpu.memory_space<hbm>> -> memref<16384xf32, #tpu.memory_space<hbm>>
        %dma_wait3A_587 = arith.constant 0 : i32
        %dma_wait3A_588 = tpu.memref_slice %arg5[%dma_wait3A_587] : memref<16400xf32, #tpu.memory_space<vmem>> -> memref<16384xf32, #tpu.memory_space<vmem>>
        %dma_wait3A_589 = arith.constant 0 : i32
        %dma_wait3A_590 = tpu.memref_slice %arg2[%dma_wait3A_589] : memref<6400000xf32, #tpu.memory_space<hbm>> -> memref<16384xf32, #tpu.memory_space<hbm>>
        tpu.wait_dma2 semaphore(%arg14 : memref<!tpu.dma_semaphore, #tpu.memory_space<semaphore_mem>>) src(%dma_wait3A_590 : memref<16384xf32, #tpu.memory_space<hbm>>) dst(%dma_wait3A_588 : memref<16384xf32, #tpu.memory_space<vmem>>)
        %dma_wait3A_591 = arith.constant 0 : i32
        %dma_wait3A_592 = tpu.memref_slice %arg6[%dma_wait3A_591] : memref<16400xi32, #tpu.memory_space<vmem>> -> memref<16384xi32, #tpu.memory_space<vmem>>
        %dma_wait3A_593 = arith.constant 0 : i32
        %dma_wait3A_594 = tpu.memref_slice %arg3[%dma_wait3A_593] : memref<6400000xi32, #tpu.memory_space<hbm>> -> memref<16384xi32, #tpu.memory_space<hbm>>
        %dma_wait3A_595 = arith.constant 0 : i32
        %dma_wait3A_596 = tpu.memref_slice %arg6[%dma_wait3A_595] : memref<16400xi32, #tpu.memory_space<vmem>> -> memref<16384xi32, #tpu.memory_space<vmem>>
        %dma_wait3A_597 = arith.constant 0 : i32
        %dma_wait3A_598 = tpu.memref_slice %arg3[%dma_wait3A_597] : memref<6400000xi32, #tpu.memory_space<hbm>> -> memref<16384xi32, #tpu.memory_space<hbm>>
        tpu.wait_dma2 semaphore(%arg14 : memref<!tpu.dma_semaphore, #tpu.memory_space<semaphore_mem>>) src(%dma_wait3A_598 : memref<16384xi32, #tpu.memory_space<hbm>>) dst(%dma_wait3A_596 : memref<16384xi32, #tpu.memory_space<vmem>>)
        %add3A_599 = arith.constant 1 : i32
        %add3A_600 = arith.addi %while3A_529, %add3A_599 : i32
        %mul3A_601 = arith.constant 16368 : i32
        %mul3A_602 = arith.muli %add3A_600, %mul3A_601 : i32
        %add3A_603 = arith.addi %max3A_369, %mul3A_602 : i32
        %min3A_604 = arith.constant 6383616 : i32
        %min3A_605 = arith.minsi %add3A_603, %min3A_604 : i32
        %multiple_of3A_606 = tpu.assume_multiple %min3A_605, 16 : i32
        %dma_start3A_607 = arith.constant 0 : i32
        %dma_start3A_608 = tpu.memref_slice %arg7[%dma_start3A_607] : memref<16400xf32, #tpu.memory_space<vmem>> -> memref<16384xf32, #tpu.memory_space<vmem>>
        %dma_start3A_609 = tpu.memref_slice %arg2[%multiple_of3A_606] : memref<6400000xf32, #tpu.memory_space<hbm>> -> memref<16384xf32, #tpu.memory_space<hbm>>
        %dma_start3A_610 = arith.constant 0 : i32
        %dma_start3A_611 = tpu.memref_slice %arg7[%dma_start3A_610] : memref<16400xf32, #tpu.memory_space<vmem>> -> memref<16384xf32, #tpu.memory_space<vmem>>
        %dma_start3A_612 = tpu.memref_slice %arg2[%multiple_of3A_606] : memref<6400000xf32, #tpu.memory_space<hbm>> -> memref<16384xf32, #tpu.memory_space<hbm>>
        tpu.enqueue_dma source(%dma_start3A_612 : memref<16384xf32, #tpu.memory_space<hbm>>) target(%dma_start3A_611 : memref<16384xf32, #tpu.memory_space<vmem>>) target_semaphore(%arg15 : memref<!tpu.dma_semaphore, #tpu.memory_space<semaphore_mem>>)
        %dma_start3A_613 = arith.constant 0 : i32
        %dma_start3A_614 = tpu.memref_slice %arg8[%dma_start3A_613] : memref<16400xi32, #tpu.memory_space<vmem>> -> memref<16384xi32, #tpu.memory_space<vmem>>
        %dma_start3A_615 = tpu.memref_slice %arg3[%multiple_of3A_606] : memref<6400000xi32, #tpu.memory_space<hbm>> -> memref<16384xi32, #tpu.memory_space<hbm>>
        %dma_start3A_616 = arith.constant 0 : i32
        %dma_start3A_617 = tpu.memref_slice %arg8[%dma_start3A_616] : memref<16400xi32, #tpu.memory_space<vmem>> -> memref<16384xi32, #tpu.memory_space<vmem>>
        %dma_start3A_618 = tpu.memref_slice %arg3[%multiple_of3A_606] : memref<6400000xi32, #tpu.memory_space<hbm>> -> memref<16384xi32, #tpu.memory_space<hbm>>
        tpu.enqueue_dma source(%dma_start3A_618 : memref<16384xi32, #tpu.memory_space<hbm>>) target(%dma_start3A_617 : memref<16384xi32, #tpu.memory_space<vmem>>) target_semaphore(%arg15 : memref<!tpu.dma_semaphore, #tpu.memory_space<semaphore_mem>>)
        %convert_element_type3A_619 = arith.extui %and3A_539 : i1 to i32
        %cond3A_620 = arith.constant 0 : i32
        %cond3A_621 = arith.cmpi ne, %convert_element_type3A_619, %cond3A_620 : i32
        scf.if %cond3A_621 {
          %parallel_loop3A_626 = arith.constant 0 : i32
          %parallel_loop3A_627 = arith.constant 1023 : i32
          %parallel_loop3A_628 = arith.constant 1 : i32
          scf.for %parallel_loop3A_629 = %parallel_loop3A_626 to %parallel_loop3A_627 step %parallel_loop3A_628  : i32 {
            %parallel_loop3A_630 = arith.constant 16 : i32
            %parallel_loop3A_631 = arith.muli %parallel_loop3A_629, %parallel_loop3A_630 : i32
            %parallel_loop3A_632 = tpu.assume_multiple %parallel_loop3A_631, 16 : i32
            %parallel_loop3A_633 = arith.index_cast %parallel_loop3A_632 : i32 to index
            %parallel_loop3A_634 = tpu.vector_load %arg5[%parallel_loop3A_633] {strides = array<i32>} : memref<16400xf32, #tpu.memory_space<vmem>>, vector<16xf32>,
            %parallel_loop3A_635 = arith.index_cast %parallel_loop3A_632 : i32 to index
            %parallel_loop3A_636 = tpu.vector_load %arg6[%parallel_loop3A_635] {strides = array<i32>} : memref<16400xi32, #tpu.memory_space<vmem>>, vector<16xi32>,
            %parallel_loop3A_637 = arith.constant 1 : i32
            %parallel_loop3A_638 = arith.addi %parallel_loop3A_632, %parallel_loop3A_637 : i32
            %parallel_loop3A_639 = arith.index_cast %parallel_loop3A_638 : i32 to index
            %parallel_loop3A_640 = tpu.vector_load %arg6[%parallel_loop3A_639] {strides = array<i32>} : memref<16400xi32, #tpu.memory_space<vmem>>, vector<16xi32>,
            %parallel_loop3A_641 = arith.constant true
            %parallel_loop3A_642 = vector.broadcast %parallel_loop3A_641 : i1 to vector<16xi1>
            %parallel_loop3A_643 = tpu.scan <sum>, %parallel_loop3A_634 masked %parallel_loop3A_642 : vector<16xf32>, vector<16xi1> -> vector<16xf32>
            %parallel_loop3A_644 = arith.cmpi ne, %parallel_loop3A_636, %parallel_loop3A_640 : vector<16xi32>
            %parallel_loop3A_645 = arith.ori %parallel_loop3A_644, %eq3A_384 : vector<16xi1>
            %parallel_loop3A_646 = arith.andi %parallel_loop3A_644, %lt3A_387 : vector<16xi1>
            %parallel_loop3A_647 = vector.broadcast %mul3A_2 : i32 to vector<16xi32>
            %parallel_loop3A_648 = arith.subi %parallel_loop3A_636, %parallel_loop3A_647 : vector<16xi32>
            tpu.vector_store_idx %arg9[%parallel_loop3A_648], %parallel_loop3A_643 masked %parallel_loop3A_645 {add = true} : memref<3136xf32, #tpu.memory_space<vmem>>[vector<16xi32>], vector<16xf32>, vector<16xi1>
            %parallel_loop3A_649 = vector.broadcast %mul3A_2 : i32 to vector<16xi32>
            %parallel_loop3A_650 = arith.subi %parallel_loop3A_640, %parallel_loop3A_649 : vector<16xi32>
            %parallel_loop3A_651 = arith.constant 0.000000e+00 : f32
            %parallel_loop3A_652 = vector.broadcast %parallel_loop3A_651 : f32 to vector<16xf32>
            %parallel_loop3A_653 = arith.subf %parallel_loop3A_652, %parallel_loop3A_643 : vector<16xf32>
            tpu.vector_store_idx %arg9[%parallel_loop3A_650], %parallel_loop3A_653 masked %parallel_loop3A_646 {add = true} : memref<3136xf32, #tpu.memory_space<vmem>>[vector<16xi32>], vector<16xf32>, vector<16xi1>
          } {sc.loop_unroll_factor = 8 : i64, sc.parallel_access}
        } else {
        }
        %not3A = arith.constant true
        %not3A_622 = arith.xori %and3A_539, %not3A : i1
        %convert_element_type3A_623 = arith.extui %not3A_622 : i1 to i32
        %cond3A_624 = arith.constant 0 : i32
        %cond3A_625 = arith.cmpi ne, %convert_element_type3A_623, %cond3A_624 : i32
        scf.if %cond3A_625 {
          %parallel_loop3A_626 = arith.constant 0 : i32
          %parallel_loop3A_627 = arith.constant 1023 : i32
          %parallel_loop3A_628 = arith.constant 1 : i32
          scf.for %parallel_loop3A_629 = %parallel_loop3A_626 to %parallel_loop3A_627 step %parallel_loop3A_628  : i32 {
            %parallel_loop3A_630 = arith.constant 16 : i32
            %parallel_loop3A_631 = arith.muli %parallel_loop3A_629, %parallel_loop3A_630 : i32
            %parallel_loop3A_632 = arith.constant 0 : i32
            %parallel_loop3A_633 = arith.addi %parallel_loop3A_632, %parallel_loop3A_631 : i32
            %parallel_loop3A_634 = arith.index_cast %parallel_loop3A_633 : i32 to index
            %parallel_loop3A_635 = tpu.vector_load %arg5[%parallel_loop3A_634] {strides = array<i32>} : memref<16400xf32, #tpu.memory_space<vmem>>, vector<16xf32>,
            %parallel_loop3A_636 = arith.index_cast %parallel_loop3A_633 : i32 to index
            %parallel_loop3A_637 = tpu.vector_load %arg6[%parallel_loop3A_636] {strides = array<i32>} : memref<16400xi32, #tpu.memory_space<vmem>>, vector<16xi32>,
            %parallel_loop3A_638 = arith.constant 1 : i32
            %parallel_loop3A_639 = arith.addi %parallel_loop3A_633, %parallel_loop3A_638 : i32
            %parallel_loop3A_640 = arith.index_cast %parallel_loop3A_639 : i32 to index
            %parallel_loop3A_641 = tpu.vector_load %arg6[%parallel_loop3A_640] {strides = array<i32>} : memref<16400xi32, #tpu.memory_space<vmem>>, vector<16xi32>,
            %parallel_loop3A_642 = arith.constant true
            %parallel_loop3A_643 = vector.broadcast %parallel_loop3A_642 : i1 to vector<16xi1>
            %parallel_loop3A_644 = tpu.scan <sum>, %parallel_loop3A_635 masked %parallel_loop3A_643 : vector<16xf32>, vector<16xi1> -> vector<16xf32>
            %parallel_loop3A_645 = vector.broadcast %mul3A_2 : i32 to vector<16xi32>
            %parallel_loop3A_646 = arith.subi %parallel_loop3A_637, %parallel_loop3A_645 : vector<16xi32>
            %parallel_loop3A_647 = vector.broadcast %mul3A_2 : i32 to vector<16xi32>
            %parallel_loop3A_648 = arith.subi %parallel_loop3A_641, %parallel_loop3A_647 : vector<16xi32>
            %parallel_loop3A_649 = arith.cmpi ne, %parallel_loop3A_637, %parallel_loop3A_641 : vector<16xi32>
            %parallel_loop3A_650 = vector.bitcast %parallel_loop3A_646 : vector<16xi32> to vector<16xi32>
            %parallel_loop3A_651 = vector.bitcast %broadcast_in_dim3A_388 : vector<16xi32> to vector<16xi32>
            %parallel_loop3A_652 = arith.cmpi ult, %parallel_loop3A_650, %parallel_loop3A_651 : vector<16xi32>
            %parallel_loop3A_653 = vector.bitcast %parallel_loop3A_648 : vector<16xi32> to vector<16xi32>
            %parallel_loop3A_654 = vector.bitcast %broadcast_in_dim3A_388 : vector<16xi32> to vector<16xi32>
            %parallel_loop3A_655 = arith.cmpi ult, %parallel_loop3A_653, %parallel_loop3A_654 : vector<16xi32>
            %parallel_loop3A_656 = arith.ori %parallel_loop3A_649, %eq3A_384 : vector<16xi1>
            %parallel_loop3A_657 = arith.andi %parallel_loop3A_656, %parallel_loop3A_652 : vector<16xi1>
            %parallel_loop3A_658 = arith.andi %parallel_loop3A_649, %lt3A_387 : vector<16xi1>
            %parallel_loop3A_659 = arith.andi %parallel_loop3A_658, %parallel_loop3A_655 : vector<16xi1>
            tpu.vector_store_idx %arg9[%parallel_loop3A_646], %parallel_loop3A_644 masked %parallel_loop3A_657 {add = true} : memref<3136xf32, #tpu.memory_space<vmem>>[vector<16xi32>], vector<16xf32>, vector<16xi1>
            %parallel_loop3A_660 = arith.constant 0.000000e+00 : f32
            %parallel_loop3A_661 = vector.broadcast %parallel_loop3A_660 : f32 to vector<16xf32>
            %parallel_loop3A_662 = arith.subf %parallel_loop3A_661, %parallel_loop3A_644 : vector<16xf32>
            tpu.vector_store_idx %arg9[%parallel_loop3A_648], %parallel_loop3A_662 masked %parallel_loop3A_659 {add = true} : memref<3136xf32, #tpu.memory_space<vmem>>[vector<16xi32>], vector<16xf32>, vector<16xi1>
          } {sc.loop_unroll_factor = 8 : i64, sc.parallel_access}
        } else {
        }
      } else {
      }
      %jit3A_561 = arith.constant 2 : i32
      %eq3A_562 = arith.constant 0 : i32
      %eq3A_563 = arith.cmpi eq, %jit3A_561, %eq3A_562 : i32
      %jit3A_564 = arith.constant 1 : i32
      %select_n3A_565 = arith.select %eq3A_563, %jit3A_564, %jit3A_561 : i32
      %rem3A_566 = arith.remsi %while3A_529, %select_n3A_565 : i32
      %ne3A_567 = arith.constant 0 : i32
      %ne3A_568 = arith.cmpi ne, %rem3A_566, %ne3A_567 : i32
      %lt3A_569 = arith.constant 0 : i32
      %lt3A_570 = arith.cmpi slt, %rem3A_566, %lt3A_569 : i32
      %lt3A_571 = arith.constant 0 : i32
      %lt3A_572 = arith.cmpi slt, %select_n3A_565, %lt3A_571 : i32
      %ne3A_573 = arith.xori %lt3A_570, %lt3A_572 : i1
      %and3A_574 = arith.andi %ne3A_573, %ne3A_568 : i1
      %add3A_575 = arith.addi %rem3A_566, %select_n3A_565 : i32
      %select_n3A_576 = arith.select %and3A_574, %add3A_575, %rem3A_566 : i32
      %eq3A_577 = arith.constant 1 : i32
      %eq3A_578 = arith.cmpi eq, %select_n3A_576, %eq3A_577 : i32
      %convert_element_type3A_579 = arith.extui %eq3A_578 : i1 to i32
      %cond3A_580 = arith.constant 0 : i32
      %cond3A_581 = arith.cmpi ne, %convert_element_type3A_579, %cond3A_580 : i32
      scf.if %cond3A_581 {
        %dma_wait3A_583 = arith.constant 0 : i32
        %dma_wait3A_584 = tpu.memref_slice %arg7[%dma_wait3A_583] : memref<16400xf32, #tpu.memory_space<vmem>> -> memref<16384xf32, #tpu.memory_space<vmem>>
        %dma_wait3A_585 = arith.constant 0 : i32
        %dma_wait3A_586 = tpu.memref_slice %arg2[%dma_wait3A_585] : memref<6400000xf32, #tpu.memory_space<hbm>> -> memref<16384xf32, #tpu.memory_space<hbm>>
        %dma_wait3A_587 = arith.constant 0 : i32
        %dma_wait3A_588 = tpu.memref_slice %arg7[%dma_wait3A_587] : memref<16400xf32, #tpu.memory_space<vmem>> -> memref<16384xf32, #tpu.memory_space<vmem>>
        %dma_wait3A_589 = arith.constant 0 : i32
        %dma_wait3A_590 = tpu.memref_slice %arg2[%dma_wait3A_589] : memref<6400000xf32, #tpu.memory_space<hbm>> -> memref<16384xf32, #tpu.memory_space<hbm>>
        tpu.wait_dma2 semaphore(%arg15 : memref<!tpu.dma_semaphore, #tpu.memory_space<semaphore_mem>>) src(%dma_wait3A_590 : memref<16384xf32, #tpu.memory_space<hbm>>) dst(%dma_wait3A_588 : memref<16384xf32, #tpu.memory_space<vmem>>)
        %dma_wait3A_591 = arith.constant 0 : i32
        %dma_wait3A_592 = tpu.memref_slice %arg8[%dma_wait3A_591] : memref<16400xi32, #tpu.memory_space<vmem>> -> memref<16384xi32, #tpu.memory_space<vmem>>
        %dma_wait3A_593 = arith.constant 0 : i32
        %dma_wait3A_594 = tpu.memref_slice %arg3[%dma_wait3A_593] : memref<6400000xi32, #tpu.memory_space<hbm>> -> memref<16384xi32, #tpu.memory_space<hbm>>
        %dma_wait3A_595 = arith.constant 0 : i32
        %dma_wait3A_596 = tpu.memref_slice %arg8[%dma_wait3A_595] : memref<16400xi32, #tpu.memory_space<vmem>> -> memref<16384xi32, #tpu.memory_space<vmem>>
        %dma_wait3A_597 = arith.constant 0 : i32
        %dma_wait3A_598 = tpu.memref_slice %arg3[%dma_wait3A_597] : memref<6400000xi32, #tpu.memory_space<hbm>> -> memref<16384xi32, #tpu.memory_space<hbm>>
        tpu.wait_dma2 semaphore(%arg15 : memref<!tpu.dma_semaphore, #tpu.memory_space<semaphore_mem>>) src(%dma_wait3A_598 : memref<16384xi32, #tpu.memory_space<hbm>>) dst(%dma_wait3A_596 : memref<16384xi32, #tpu.memory_space<vmem>>)
        %add3A_599 = arith.constant 1 : i32
        %add3A_600 = arith.addi %while3A_529, %add3A_599 : i32
        %mul3A_601 = arith.constant 16368 : i32
        %mul3A_602 = arith.muli %add3A_600, %mul3A_601 : i32
        %add3A_603 = arith.addi %max3A_369, %mul3A_602 : i32
        %min3A_604 = arith.constant 6383616 : i32
        %min3A_605 = arith.minsi %add3A_603, %min3A_604 : i32
        %multiple_of3A_606 = tpu.assume_multiple %min3A_605, 16 : i32
        %dma_start3A_607 = arith.constant 0 : i32
        %dma_start3A_608 = tpu.memref_slice %arg5[%dma_start3A_607] : memref<16400xf32, #tpu.memory_space<vmem>> -> memref<16384xf32, #tpu.memory_space<vmem>>
        %dma_start3A_609 = tpu.memref_slice %arg2[%multiple_of3A_606] : memref<6400000xf32, #tpu.memory_space<hbm>> -> memref<16384xf32, #tpu.memory_space<hbm>>
        %dma_start3A_610 = arith.constant 0 : i32
        %dma_start3A_611 = tpu.memref_slice %arg5[%dma_start3A_610] : memref<16400xf32, #tpu.memory_space<vmem>> -> memref<16384xf32, #tpu.memory_space<vmem>>
        %dma_start3A_612 = tpu.memref_slice %arg2[%multiple_of3A_606] : memref<6400000xf32, #tpu.memory_space<hbm>> -> memref<16384xf32, #tpu.memory_space<hbm>>
        tpu.enqueue_dma source(%dma_start3A_612 : memref<16384xf32, #tpu.memory_space<hbm>>) target(%dma_start3A_611 : memref<16384xf32, #tpu.memory_space<vmem>>) target_semaphore(%arg14 : memref<!tpu.dma_semaphore, #tpu.memory_space<semaphore_mem>>)
        %dma_start3A_613 = arith.constant 0 : i32
        %dma_start3A_614 = tpu.memref_slice %arg6[%dma_start3A_613] : memref<16400xi32, #tpu.memory_space<vmem>> -> memref<16384xi32, #tpu.memory_space<vmem>>
        %dma_start3A_615 = tpu.memref_slice %arg3[%multiple_of3A_606] : memref<6400000xi32, #tpu.memory_space<hbm>> -> memref<16384xi32, #tpu.memory_space<hbm>>
        %dma_start3A_616 = arith.constant 0 : i32
        %dma_start3A_617 = tpu.memref_slice %arg6[%dma_start3A_616] : memref<16400xi32, #tpu.memory_space<vmem>> -> memref<16384xi32, #tpu.memory_space<vmem>>
        %dma_start3A_618 = tpu.memref_slice %arg3[%multiple_of3A_606] : memref<6400000xi32, #tpu.memory_space<hbm>> -> memref<16384xi32, #tpu.memory_space<hbm>>
        tpu.enqueue_dma source(%dma_start3A_618 : memref<16384xi32, #tpu.memory_space<hbm>>) target(%dma_start3A_617 : memref<16384xi32, #tpu.memory_space<vmem>>) target_semaphore(%arg14 : memref<!tpu.dma_semaphore, #tpu.memory_space<semaphore_mem>>)
        %convert_element_type3A_619 = arith.extui %and3A_539 : i1 to i32
        %cond3A_620 = arith.constant 0 : i32
        %cond3A_621 = arith.cmpi ne, %convert_element_type3A_619, %cond3A_620 : i32
        scf.if %cond3A_621 {
          %parallel_loop3A_626 = arith.constant 0 : i32
          %parallel_loop3A_627 = arith.constant 1023 : i32
          %parallel_loop3A_628 = arith.constant 1 : i32
          scf.for %parallel_loop3A_629 = %parallel_loop3A_626 to %parallel_loop3A_627 step %parallel_loop3A_628  : i32 {
            %parallel_loop3A_630 = arith.constant 16 : i32
            %parallel_loop3A_631 = arith.muli %parallel_loop3A_629, %parallel_loop3A_630 : i32
            %parallel_loop3A_632 = tpu.assume_multiple %parallel_loop3A_631, 16 : i32
            %parallel_loop3A_633 = arith.index_cast %parallel_loop3A_632 : i32 to index
            %parallel_loop3A_634 = tpu.vector_load %arg7[%parallel_loop3A_633] {strides = array<i32>} : memref<16400xf32, #tpu.memory_space<vmem>>, vector<16xf32>,
            %parallel_loop3A_635 = arith.index_cast %parallel_loop3A_632 : i32 to index
            %parallel_loop3A_636 = tpu.vector_load %arg8[%parallel_loop3A_635] {strides = array<i32>} : memref<16400xi32, #tpu.memory_space<vmem>>, vector<16xi32>,
            %parallel_loop3A_637 = arith.constant 1 : i32
            %parallel_loop3A_638 = arith.addi %parallel_loop3A_632, %parallel_loop3A_637 : i32
            %parallel_loop3A_639 = arith.index_cast %parallel_loop3A_638 : i32 to index
            %parallel_loop3A_640 = tpu.vector_load %arg8[%parallel_loop3A_639] {strides = array<i32>} : memref<16400xi32, #tpu.memory_space<vmem>>, vector<16xi32>,
            %parallel_loop3A_641 = arith.constant true
            %parallel_loop3A_642 = vector.broadcast %parallel_loop3A_641 : i1 to vector<16xi1>
            %parallel_loop3A_643 = tpu.scan <sum>, %parallel_loop3A_634 masked %parallel_loop3A_642 : vector<16xf32>, vector<16xi1> -> vector<16xf32>
            %parallel_loop3A_644 = arith.cmpi ne, %parallel_loop3A_636, %parallel_loop3A_640 : vector<16xi32>
            %parallel_loop3A_645 = arith.ori %parallel_loop3A_644, %eq3A_384 : vector<16xi1>
            %parallel_loop3A_646 = arith.andi %parallel_loop3A_644, %lt3A_387 : vector<16xi1>
            %parallel_loop3A_647 = vector.broadcast %mul3A_2 : i32 to vector<16xi32>
            %parallel_loop3A_648 = arith.subi %parallel_loop3A_636, %parallel_loop3A_647 : vector<16xi32>
            tpu.vector_store_idx %arg9[%parallel_loop3A_648], %parallel_loop3A_643 masked %parallel_loop3A_645 {add = true} : memref<3136xf32, #tpu.memory_space<vmem>>[vector<16xi32>], vector<16xf32>, vector<16xi1>
            %parallel_loop3A_649 = vector.broadcast %mul3A_2 : i32 to vector<16xi32>
            %parallel_loop3A_650 = arith.subi %parallel_loop3A_640, %parallel_loop3A_649 : vector<16xi32>
            %parallel_loop3A_651 = arith.constant 0.000000e+00 : f32
            %parallel_loop3A_652 = vector.broadcast %parallel_loop3A_651 : f32 to vector<16xf32>
            %parallel_loop3A_653 = arith.subf %parallel_loop3A_652, %parallel_loop3A_643 : vector<16xf32>
            tpu.vector_store_idx %arg9[%parallel_loop3A_650], %parallel_loop3A_653 masked %parallel_loop3A_646 {add = true} : memref<3136xf32, #tpu.memory_space<vmem>>[vector<16xi32>], vector<16xf32>, vector<16xi1>
          } {sc.loop_unroll_factor = 8 : i64, sc.parallel_access}
        } else {
        }
        %not3A = arith.constant true
        %not3A_622 = arith.xori %and3A_539, %not3A : i1
        %convert_element_type3A_623 = arith.extui %not3A_622 : i1 to i32
        %cond3A_624 = arith.constant 0 : i32
        %cond3A_625 = arith.cmpi ne, %convert_element_type3A_623, %cond3A_624 : i32
        scf.if %cond3A_625 {
          %parallel_loop3A_626 = arith.constant 0 : i32
          %parallel_loop3A_627 = arith.constant 1023 : i32
          %parallel_loop3A_628 = arith.constant 1 : i32
          scf.for %parallel_loop3A_629 = %parallel_loop3A_626 to %parallel_loop3A_627 step %parallel_loop3A_628  : i32 {
            %parallel_loop3A_630 = arith.constant 16 : i32
            %parallel_loop3A_631 = arith.muli %parallel_loop3A_629, %parallel_loop3A_630 : i32
            %parallel_loop3A_632 = arith.constant 0 : i32
            %parallel_loop3A_633 = arith.addi %parallel_loop3A_632, %parallel_loop3A_631 : i32
            %parallel_loop3A_634 = arith.index_cast %parallel_loop3A_633 : i32 to index
            %parallel_loop3A_635 = tpu.vector_load %arg7[%parallel_loop3A_634] {strides = array<i32>} : memref<16400xf32, #tpu.memory_space<vmem>>, vector<16xf32>,
            %parallel_loop3A_636 = arith.index_cast %parallel_loop3A_633 : i32 to index
            %parallel_loop3A_637 = tpu.vector_load %arg8[%parallel_loop3A_636] {strides = array<i32>} : memref<16400xi32, #tpu.memory_space<vmem>>, vector<16xi32>,
            %parallel_loop3A_638 = arith.constant 1 : i32
            %parallel_loop3A_639 = arith.addi %parallel_loop3A_633, %parallel_loop3A_638 : i32
            %parallel_loop3A_640 = arith.index_cast %parallel_loop3A_639 : i32 to index
            %parallel_loop3A_641 = tpu.vector_load %arg8[%parallel_loop3A_640] {strides = array<i32>} : memref<16400xi32, #tpu.memory_space<vmem>>, vector<16xi32>,
            %parallel_loop3A_642 = arith.constant true
            %parallel_loop3A_643 = vector.broadcast %parallel_loop3A_642 : i1 to vector<16xi1>
            %parallel_loop3A_644 = tpu.scan <sum>, %parallel_loop3A_635 masked %parallel_loop3A_643 : vector<16xf32>, vector<16xi1> -> vector<16xf32>
            %parallel_loop3A_645 = vector.broadcast %mul3A_2 : i32 to vector<16xi32>
            %parallel_loop3A_646 = arith.subi %parallel_loop3A_637, %parallel_loop3A_645 : vector<16xi32>
            %parallel_loop3A_647 = vector.broadcast %mul3A_2 : i32 to vector<16xi32>
            %parallel_loop3A_648 = arith.subi %parallel_loop3A_641, %parallel_loop3A_647 : vector<16xi32>
            %parallel_loop3A_649 = arith.cmpi ne, %parallel_loop3A_637, %parallel_loop3A_641 : vector<16xi32>
            %parallel_loop3A_650 = vector.bitcast %parallel_loop3A_646 : vector<16xi32> to vector<16xi32>
            %parallel_loop3A_651 = vector.bitcast %broadcast_in_dim3A_388 : vector<16xi32> to vector<16xi32>
            %parallel_loop3A_652 = arith.cmpi ult, %parallel_loop3A_650, %parallel_loop3A_651 : vector<16xi32>
            %parallel_loop3A_653 = vector.bitcast %parallel_loop3A_648 : vector<16xi32> to vector<16xi32>
            %parallel_loop3A_654 = vector.bitcast %broadcast_in_dim3A_388 : vector<16xi32> to vector<16xi32>
            %parallel_loop3A_655 = arith.cmpi ult, %parallel_loop3A_653, %parallel_loop3A_654 : vector<16xi32>
            %parallel_loop3A_656 = arith.ori %parallel_loop3A_649, %eq3A_384 : vector<16xi1>
            %parallel_loop3A_657 = arith.andi %parallel_loop3A_656, %parallel_loop3A_652 : vector<16xi1>
            %parallel_loop3A_658 = arith.andi %parallel_loop3A_649, %lt3A_387 : vector<16xi1>
            %parallel_loop3A_659 = arith.andi %parallel_loop3A_658, %parallel_loop3A_655 : vector<16xi1>
            tpu.vector_store_idx %arg9[%parallel_loop3A_646], %parallel_loop3A_644 masked %parallel_loop3A_657 {add = true} : memref<3136xf32, #tpu.memory_space<vmem>>[vector<16xi32>], vector<16xf32>, vector<16xi1>
            %parallel_loop3A_660 = arith.constant 0.000000e+00 : f32
            %parallel_loop3A_661 = vector.broadcast %parallel_loop3A_660 : f32 to vector<16xf32>
            %parallel_loop3A_662 = arith.subf %parallel_loop3A_661, %parallel_loop3A_644 : vector<16xf32>
            tpu.vector_store_idx %arg9[%parallel_loop3A_648], %parallel_loop3A_662 masked %parallel_loop3A_659 {add = true} : memref<3136xf32, #tpu.memory_space<vmem>>[vector<16xi32>], vector<16xf32>, vector<16xi1>
          } {sc.loop_unroll_factor = 8 : i64, sc.parallel_access}
        } else {
        }
      } else {
      }
      %while3A_582 = arith.constant 0 : i32
      scf.yield %while3A_582 : i32
    }
    %while3A_443 = arith.constant 1 : i32
    %while3A_444 = scf.for %while3A_529 = %while3A_440 to %while3A_436 step %while3A_443 iter_args(%while3A_530 = %while3A_442) -> (i32)  : i32 {
      %gt3A = arith.constant 0 : i32
      %gt3A_531 = arith.cmpi sgt, %while3A_529, %gt3A : i32
      %add3A_532 = arith.constant 1 : i32
      %add3A_533 = arith.addi %while3A_529, %add3A_532 : i32
      %mul3A_534 = arith.constant 16368 : i32
      %mul3A_535 = arith.muli %add3A_533, %mul3A_534 : i32
      %add3A_536 = arith.addi %max3A_369, %mul3A_535 : i32
      %sub3A_537 = arith.constant 2048 : i32
      %sub3A_538 = arith.subi %min3A_373, %sub3A_537 : i32
      %le3A = arith.cmpi sle, %add3A_536, %sub3A_538 : i32
      %and3A_539 = arith.andi %gt3A_531, %le3A : i1
      %jit3A_540 = arith.constant 2 : i32
      %eq3A_541 = arith.constant 0 : i32
      %eq3A_542 = arith.cmpi eq, %jit3A_540, %eq3A_541 : i32
      %jit3A_543 = arith.constant 1 : i32
      %select_n3A_544 = arith.select %eq3A_542, %jit3A_543, %jit3A_540 : i32
      %rem3A_545 = arith.remsi %while3A_529, %select_n3A_544 : i32
      %ne3A_546 = arith.constant 0 : i32
      %ne3A_547 = arith.cmpi ne, %rem3A_545, %ne3A_546 : i32
      %lt3A_548 = arith.constant 0 : i32
      %lt3A_549 = arith.cmpi slt, %rem3A_545, %lt3A_548 : i32
      %lt3A_550 = arith.constant 0 : i32
      %lt3A_551 = arith.cmpi slt, %select_n3A_544, %lt3A_550 : i32
      %ne3A_552 = arith.xori %lt3A_549, %lt3A_551 : i1
      %and3A_553 = arith.andi %ne3A_552, %ne3A_547 : i1
      %add3A_554 = arith.addi %rem3A_545, %select_n3A_544 : i32
      %select_n3A_555 = arith.select %and3A_553, %add3A_554, %rem3A_545 : i32
      %eq3A_556 = arith.constant 0 : i32
      %eq3A_557 = arith.cmpi eq, %select_n3A_555, %eq3A_556 : i32
      %convert_element_type3A_558 = arith.extui %eq3A_557 : i1 to i32
      %cond3A_559 = arith.constant 0 : i32
      %cond3A_560 = arith.cmpi ne, %convert_element_type3A_558, %cond3A_559 : i32
      scf.if %cond3A_560 {
        %dma_wait3A_583 = arith.constant 0 : i32
        %dma_wait3A_584 = tpu.memref_slice %arg5[%dma_wait3A_583] : memref<16400xf32, #tpu.memory_space<vmem>> -> memref<16384xf32, #tpu.memory_space<vmem>>
        %dma_wait3A_585 = arith.constant 0 : i32
        %dma_wait3A_586 = tpu.memref_slice %arg2[%dma_wait3A_585] : memref<6400000xf32, #tpu.memory_space<hbm>> -> memref<16384xf32, #tpu.memory_space<hbm>>
        %dma_wait3A_587 = arith.constant 0 : i32
        %dma_wait3A_588 = tpu.memref_slice %arg5[%dma_wait3A_587] : memref<16400xf32, #tpu.memory_space<vmem>> -> memref<16384xf32, #tpu.memory_space<vmem>>
        %dma_wait3A_589 = arith.constant 0 : i32
        %dma_wait3A_590 = tpu.memref_slice %arg2[%dma_wait3A_589] : memref<6400000xf32, #tpu.memory_space<hbm>> -> memref<16384xf32, #tpu.memory_space<hbm>>
        tpu.wait_dma2 semaphore(%arg14 : memref<!tpu.dma_semaphore, #tpu.memory_space<semaphore_mem>>) src(%dma_wait3A_590 : memref<16384xf32, #tpu.memory_space<hbm>>) dst(%dma_wait3A_588 : memref<16384xf32, #tpu.memory_space<vmem>>)
        %dma_wait3A_591 = arith.constant 0 : i32
        %dma_wait3A_592 = tpu.memref_slice %arg6[%dma_wait3A_591] : memref<16400xi32, #tpu.memory_space<vmem>> -> memref<16384xi32, #tpu.memory_space<vmem>>
        %dma_wait3A_593 = arith.constant 0 : i32
        %dma_wait3A_594 = tpu.memref_slice %arg3[%dma_wait3A_593] : memref<6400000xi32, #tpu.memory_space<hbm>> -> memref<16384xi32, #tpu.memory_space<hbm>>
        %dma_wait3A_595 = arith.constant 0 : i32
        %dma_wait3A_596 = tpu.memref_slice %arg6[%dma_wait3A_595] : memref<16400xi32, #tpu.memory_space<vmem>> -> memref<16384xi32, #tpu.memory_space<vmem>>
        %dma_wait3A_597 = arith.constant 0 : i32
        %dma_wait3A_598 = tpu.memref_slice %arg3[%dma_wait3A_597] : memref<6400000xi32, #tpu.memory_space<hbm>> -> memref<16384xi32, #tpu.memory_space<hbm>>
        tpu.wait_dma2 semaphore(%arg14 : memref<!tpu.dma_semaphore, #tpu.memory_space<semaphore_mem>>) src(%dma_wait3A_598 : memref<16384xi32, #tpu.memory_space<hbm>>) dst(%dma_wait3A_596 : memref<16384xi32, #tpu.memory_space<vmem>>)
        %add3A_599 = arith.constant 1 : i32
        %add3A_600 = arith.addi %while3A_529, %add3A_599 : i32
        %mul3A_601 = arith.constant 16368 : i32
        %mul3A_602 = arith.muli %add3A_600, %mul3A_601 : i32
        %add3A_603 = arith.addi %max3A_369, %mul3A_602 : i32
        %min3A_604 = arith.constant 6383616 : i32
        %min3A_605 = arith.minsi %add3A_603, %min3A_604 : i32
        %multiple_of3A_606 = tpu.assume_multiple %min3A_605, 16 : i32
        %dma_start3A_607 = arith.constant 0 : i32
        %dma_start3A_608 = tpu.memref_slice %arg7[%dma_start3A_607] : memref<16400xf32, #tpu.memory_space<vmem>> -> memref<16384xf32, #tpu.memory_space<vmem>>
        %dma_start3A_609 = tpu.memref_slice %arg2[%multiple_of3A_606] : memref<6400000xf32, #tpu.memory_space<hbm>> -> memref<16384xf32, #tpu.memory_space<hbm>>
        %dma_start3A_610 = arith.constant 0 : i32
        %dma_start3A_611 = tpu.memref_slice %arg7[%dma_start3A_610] : memref<16400xf32, #tpu.memory_space<vmem>> -> memref<16384xf32, #tpu.memory_space<vmem>>
        %dma_start3A_612 = tpu.memref_slice %arg2[%multiple_of3A_606] : memref<6400000xf32, #tpu.memory_space<hbm>> -> memref<16384xf32, #tpu.memory_space<hbm>>
        tpu.enqueue_dma source(%dma_start3A_612 : memref<16384xf32, #tpu.memory_space<hbm>>) target(%dma_start3A_611 : memref<16384xf32, #tpu.memory_space<vmem>>) target_semaphore(%arg15 : memref<!tpu.dma_semaphore, #tpu.memory_space<semaphore_mem>>)
        %dma_start3A_613 = arith.constant 0 : i32
        %dma_start3A_614 = tpu.memref_slice %arg8[%dma_start3A_613] : memref<16400xi32, #tpu.memory_space<vmem>> -> memref<16384xi32, #tpu.memory_space<vmem>>
        %dma_start3A_615 = tpu.memref_slice %arg3[%multiple_of3A_606] : memref<6400000xi32, #tpu.memory_space<hbm>> -> memref<16384xi32, #tpu.memory_space<hbm>>
        %dma_start3A_616 = arith.constant 0 : i32
        %dma_start3A_617 = tpu.memref_slice %arg8[%dma_start3A_616] : memref<16400xi32, #tpu.memory_space<vmem>> -> memref<16384xi32, #tpu.memory_space<vmem>>
        %dma_start3A_618 = tpu.memref_slice %arg3[%multiple_of3A_606] : memref<6400000xi32, #tpu.memory_space<hbm>> -> memref<16384xi32, #tpu.memory_space<hbm>>
        tpu.enqueue_dma source(%dma_start3A_618 : memref<16384xi32, #tpu.memory_space<hbm>>) target(%dma_start3A_617 : memref<16384xi32, #tpu.memory_space<vmem>>) target_semaphore(%arg15 : memref<!tpu.dma_semaphore, #tpu.memory_space<semaphore_mem>>)
        %convert_element_type3A_619 = arith.extui %and3A_539 : i1 to i32
        %cond3A_620 = arith.constant 0 : i32
        %cond3A_621 = arith.cmpi ne, %convert_element_type3A_619, %cond3A_620 : i32
        scf.if %cond3A_621 {
          %parallel_loop3A_626 = arith.constant 0 : i32
          %parallel_loop3A_627 = arith.constant 1023 : i32
          %parallel_loop3A_628 = arith.constant 1 : i32
          scf.for %parallel_loop3A_629 = %parallel_loop3A_626 to %parallel_loop3A_627 step %parallel_loop3A_628  : i32 {
            %parallel_loop3A_630 = arith.constant 16 : i32
            %parallel_loop3A_631 = arith.muli %parallel_loop3A_629, %parallel_loop3A_630 : i32
            %parallel_loop3A_632 = tpu.assume_multiple %parallel_loop3A_631, 16 : i32
            %parallel_loop3A_633 = arith.index_cast %parallel_loop3A_632 : i32 to index
            %parallel_loop3A_634 = tpu.vector_load %arg5[%parallel_loop3A_633] {strides = array<i32>} : memref<16400xf32, #tpu.memory_space<vmem>>, vector<16xf32>,
            %parallel_loop3A_635 = arith.index_cast %parallel_loop3A_632 : i32 to index
            %parallel_loop3A_636 = tpu.vector_load %arg6[%parallel_loop3A_635] {strides = array<i32>} : memref<16400xi32, #tpu.memory_space<vmem>>, vector<16xi32>,
            %parallel_loop3A_637 = arith.constant 1 : i32
            %parallel_loop3A_638 = arith.addi %parallel_loop3A_632, %parallel_loop3A_637 : i32
            %parallel_loop3A_639 = arith.index_cast %parallel_loop3A_638 : i32 to index
            %parallel_loop3A_640 = tpu.vector_load %arg6[%parallel_loop3A_639] {strides = array<i32>} : memref<16400xi32, #tpu.memory_space<vmem>>, vector<16xi32>,
            %parallel_loop3A_641 = arith.constant true
            %parallel_loop3A_642 = vector.broadcast %parallel_loop3A_641 : i1 to vector<16xi1>
            %parallel_loop3A_643 = tpu.scan <sum>, %parallel_loop3A_634 masked %parallel_loop3A_642 : vector<16xf32>, vector<16xi1> -> vector<16xf32>
            %parallel_loop3A_644 = arith.cmpi ne, %parallel_loop3A_636, %parallel_loop3A_640 : vector<16xi32>
            %parallel_loop3A_645 = arith.ori %parallel_loop3A_644, %eq3A_384 : vector<16xi1>
            %parallel_loop3A_646 = arith.andi %parallel_loop3A_644, %lt3A_387 : vector<16xi1>
            %parallel_loop3A_647 = vector.broadcast %mul3A_2 : i32 to vector<16xi32>
            %parallel_loop3A_648 = arith.subi %parallel_loop3A_636, %parallel_loop3A_647 : vector<16xi32>
            tpu.vector_store_idx %arg9[%parallel_loop3A_648], %parallel_loop3A_643 masked %parallel_loop3A_645 {add = true} : memref<3136xf32, #tpu.memory_space<vmem>>[vector<16xi32>], vector<16xf32>, vector<16xi1>
            %parallel_loop3A_649 = vector.broadcast %mul3A_2 : i32 to vector<16xi32>
            %parallel_loop3A_650 = arith.subi %parallel_loop3A_640, %parallel_loop3A_649 : vector<16xi32>
            %parallel_loop3A_651 = arith.constant 0.000000e+00 : f32
            %parallel_loop3A_652 = vector.broadcast %parallel_loop3A_651 : f32 to vector<16xf32>
            %parallel_loop3A_653 = arith.subf %parallel_loop3A_652, %parallel_loop3A_643 : vector<16xf32>
            tpu.vector_store_idx %arg9[%parallel_loop3A_650], %parallel_loop3A_653 masked %parallel_loop3A_646 {add = true} : memref<3136xf32, #tpu.memory_space<vmem>>[vector<16xi32>], vector<16xf32>, vector<16xi1>
          } {sc.loop_unroll_factor = 8 : i64, sc.parallel_access}
        } else {
        }
        %not3A = arith.constant true
        %not3A_622 = arith.xori %and3A_539, %not3A : i1
        %convert_element_type3A_623 = arith.extui %not3A_622 : i1 to i32
        %cond3A_624 = arith.constant 0 : i32
        %cond3A_625 = arith.cmpi ne, %convert_element_type3A_623, %cond3A_624 : i32
        scf.if %cond3A_625 {
          %parallel_loop3A_626 = arith.constant 0 : i32
          %parallel_loop3A_627 = arith.constant 1023 : i32
          %parallel_loop3A_628 = arith.constant 1 : i32
          scf.for %parallel_loop3A_629 = %parallel_loop3A_626 to %parallel_loop3A_627 step %parallel_loop3A_628  : i32 {
            %parallel_loop3A_630 = arith.constant 16 : i32
            %parallel_loop3A_631 = arith.muli %parallel_loop3A_629, %parallel_loop3A_630 : i32
            %parallel_loop3A_632 = arith.constant 0 : i32
            %parallel_loop3A_633 = arith.addi %parallel_loop3A_632, %parallel_loop3A_631 : i32
            %parallel_loop3A_634 = arith.index_cast %parallel_loop3A_633 : i32 to index
            %parallel_loop3A_635 = tpu.vector_load %arg5[%parallel_loop3A_634] {strides = array<i32>} : memref<16400xf32, #tpu.memory_space<vmem>>, vector<16xf32>,
            %parallel_loop3A_636 = arith.index_cast %parallel_loop3A_633 : i32 to index
            %parallel_loop3A_637 = tpu.vector_load %arg6[%parallel_loop3A_636] {strides = array<i32>} : memref<16400xi32, #tpu.memory_space<vmem>>, vector<16xi32>,
            %parallel_loop3A_638 = arith.constant 1 : i32
            %parallel_loop3A_639 = arith.addi %parallel_loop3A_633, %parallel_loop3A_638 : i32
            %parallel_loop3A_640 = arith.index_cast %parallel_loop3A_639 : i32 to index
            %parallel_loop3A_641 = tpu.vector_load %arg6[%parallel_loop3A_640] {strides = array<i32>} : memref<16400xi32, #tpu.memory_space<vmem>>, vector<16xi32>,
            %parallel_loop3A_642 = arith.constant true
            %parallel_loop3A_643 = vector.broadcast %parallel_loop3A_642 : i1 to vector<16xi1>
            %parallel_loop3A_644 = tpu.scan <sum>, %parallel_loop3A_635 masked %parallel_loop3A_643 : vector<16xf32>, vector<16xi1> -> vector<16xf32>
            %parallel_loop3A_645 = vector.broadcast %mul3A_2 : i32 to vector<16xi32>
            %parallel_loop3A_646 = arith.subi %parallel_loop3A_637, %parallel_loop3A_645 : vector<16xi32>
            %parallel_loop3A_647 = vector.broadcast %mul3A_2 : i32 to vector<16xi32>
            %parallel_loop3A_648 = arith.subi %parallel_loop3A_641, %parallel_loop3A_647 : vector<16xi32>
            %parallel_loop3A_649 = arith.cmpi ne, %parallel_loop3A_637, %parallel_loop3A_641 : vector<16xi32>
            %parallel_loop3A_650 = vector.bitcast %parallel_loop3A_646 : vector<16xi32> to vector<16xi32>
            %parallel_loop3A_651 = vector.bitcast %broadcast_in_dim3A_388 : vector<16xi32> to vector<16xi32>
            %parallel_loop3A_652 = arith.cmpi ult, %parallel_loop3A_650, %parallel_loop3A_651 : vector<16xi32>
            %parallel_loop3A_653 = vector.bitcast %parallel_loop3A_648 : vector<16xi32> to vector<16xi32>
            %parallel_loop3A_654 = vector.bitcast %broadcast_in_dim3A_388 : vector<16xi32> to vector<16xi32>
            %parallel_loop3A_655 = arith.cmpi ult, %parallel_loop3A_653, %parallel_loop3A_654 : vector<16xi32>
            %parallel_loop3A_656 = arith.ori %parallel_loop3A_649, %eq3A_384 : vector<16xi1>
            %parallel_loop3A_657 = arith.andi %parallel_loop3A_656, %parallel_loop3A_652 : vector<16xi1>
            %parallel_loop3A_658 = arith.andi %parallel_loop3A_649, %lt3A_387 : vector<16xi1>
            %parallel_loop3A_659 = arith.andi %parallel_loop3A_658, %parallel_loop3A_655 : vector<16xi1>
            tpu.vector_store_idx %arg9[%parallel_loop3A_646], %parallel_loop3A_644 masked %parallel_loop3A_657 {add = true} : memref<3136xf32, #tpu.memory_space<vmem>>[vector<16xi32>], vector<16xf32>, vector<16xi1>
            %parallel_loop3A_660 = arith.constant 0.000000e+00 : f32
            %parallel_loop3A_661 = vector.broadcast %parallel_loop3A_660 : f32 to vector<16xf32>
            %parallel_loop3A_662 = arith.subf %parallel_loop3A_661, %parallel_loop3A_644 : vector<16xf32>
            tpu.vector_store_idx %arg9[%parallel_loop3A_648], %parallel_loop3A_662 masked %parallel_loop3A_659 {add = true} : memref<3136xf32, #tpu.memory_space<vmem>>[vector<16xi32>], vector<16xf32>, vector<16xi1>
          } {sc.loop_unroll_factor = 8 : i64, sc.parallel_access}
        } else {
        }
      } else {
      }
      %jit3A_561 = arith.constant 2 : i32
      %eq3A_562 = arith.constant 0 : i32
      %eq3A_563 = arith.cmpi eq, %jit3A_561, %eq3A_562 : i32
      %jit3A_564 = arith.constant 1 : i32
      %select_n3A_565 = arith.select %eq3A_563, %jit3A_564, %jit3A_561 : i32
      %rem3A_566 = arith.remsi %while3A_529, %select_n3A_565 : i32
      %ne3A_567 = arith.constant 0 : i32
      %ne3A_568 = arith.cmpi ne, %rem3A_566, %ne3A_567 : i32
      %lt3A_569 = arith.constant 0 : i32
      %lt3A_570 = arith.cmpi slt, %rem3A_566, %lt3A_569 : i32
      %lt3A_571 = arith.constant 0 : i32
      %lt3A_572 = arith.cmpi slt, %select_n3A_565, %lt3A_571 : i32
      %ne3A_573 = arith.xori %lt3A_570, %lt3A_572 : i1
      %and3A_574 = arith.andi %ne3A_573, %ne3A_568 : i1
      %add3A_575 = arith.addi %rem3A_566, %select_n3A_565 : i32
      %select_n3A_576 = arith.select %and3A_574, %add3A_575, %rem3A_566 : i32
      %eq3A_577 = arith.constant 1 : i32
      %eq3A_578 = arith.cmpi eq, %select_n3A_576, %eq3A_577 : i32
      %convert_element_type3A_579 = arith.extui %eq3A_578 : i1 to i32
      %cond3A_580 = arith.constant 0 : i32
      %cond3A_581 = arith.cmpi ne, %convert_element_type3A_579, %cond3A_580 : i32
      scf.if %cond3A_581 {
        %dma_wait3A_583 = arith.constant 0 : i32
        %dma_wait3A_584 = tpu.memref_slice %arg7[%dma_wait3A_583] : memref<16400xf32, #tpu.memory_space<vmem>> -> memref<16384xf32, #tpu.memory_space<vmem>>
        %dma_wait3A_585 = arith.constant 0 : i32
        %dma_wait3A_586 = tpu.memref_slice %arg2[%dma_wait3A_585] : memref<6400000xf32, #tpu.memory_space<hbm>> -> memref<16384xf32, #tpu.memory_space<hbm>>
        %dma_wait3A_587 = arith.constant 0 : i32
        %dma_wait3A_588 = tpu.memref_slice %arg7[%dma_wait3A_587] : memref<16400xf32, #tpu.memory_space<vmem>> -> memref<16384xf32, #tpu.memory_space<vmem>>
        %dma_wait3A_589 = arith.constant 0 : i32
        %dma_wait3A_590 = tpu.memref_slice %arg2[%dma_wait3A_589] : memref<6400000xf32, #tpu.memory_space<hbm>> -> memref<16384xf32, #tpu.memory_space<hbm>>
        tpu.wait_dma2 semaphore(%arg15 : memref<!tpu.dma_semaphore, #tpu.memory_space<semaphore_mem>>) src(%dma_wait3A_590 : memref<16384xf32, #tpu.memory_space<hbm>>) dst(%dma_wait3A_588 : memref<16384xf32, #tpu.memory_space<vmem>>)
        %dma_wait3A_591 = arith.constant 0 : i32
        %dma_wait3A_592 = tpu.memref_slice %arg8[%dma_wait3A_591] : memref<16400xi32, #tpu.memory_space<vmem>> -> memref<16384xi32, #tpu.memory_space<vmem>>
        %dma_wait3A_593 = arith.constant 0 : i32
        %dma_wait3A_594 = tpu.memref_slice %arg3[%dma_wait3A_593] : memref<6400000xi32, #tpu.memory_space<hbm>> -> memref<16384xi32, #tpu.memory_space<hbm>>
        %dma_wait3A_595 = arith.constant 0 : i32
        %dma_wait3A_596 = tpu.memref_slice %arg8[%dma_wait3A_595] : memref<16400xi32, #tpu.memory_space<vmem>> -> memref<16384xi32, #tpu.memory_space<vmem>>
        %dma_wait3A_597 = arith.constant 0 : i32
        %dma_wait3A_598 = tpu.memref_slice %arg3[%dma_wait3A_597] : memref<6400000xi32, #tpu.memory_space<hbm>> -> memref<16384xi32, #tpu.memory_space<hbm>>
        tpu.wait_dma2 semaphore(%arg15 : memref<!tpu.dma_semaphore, #tpu.memory_space<semaphore_mem>>) src(%dma_wait3A_598 : memref<16384xi32, #tpu.memory_space<hbm>>) dst(%dma_wait3A_596 : memref<16384xi32, #tpu.memory_space<vmem>>)
        %add3A_599 = arith.constant 1 : i32
        %add3A_600 = arith.addi %while3A_529, %add3A_599 : i32
        %mul3A_601 = arith.constant 16368 : i32
        %mul3A_602 = arith.muli %add3A_600, %mul3A_601 : i32
        %add3A_603 = arith.addi %max3A_369, %mul3A_602 : i32
        %min3A_604 = arith.constant 6383616 : i32
        %min3A_605 = arith.minsi %add3A_603, %min3A_604 : i32
        %multiple_of3A_606 = tpu.assume_multiple %min3A_605, 16 : i32
        %dma_start3A_607 = arith.constant 0 : i32
        %dma_start3A_608 = tpu.memref_slice %arg5[%dma_start3A_607] : memref<16400xf32, #tpu.memory_space<vmem>> -> memref<16384xf32, #tpu.memory_space<vmem>>
        %dma_start3A_609 = tpu.memref_slice %arg2[%multiple_of3A_606] : memref<6400000xf32, #tpu.memory_space<hbm>> -> memref<16384xf32, #tpu.memory_space<hbm>>
        %dma_start3A_610 = arith.constant 0 : i32
        %dma_start3A_611 = tpu.memref_slice %arg5[%dma_start3A_610] : memref<16400xf32, #tpu.memory_space<vmem>> -> memref<16384xf32, #tpu.memory_space<vmem>>
        %dma_start3A_612 = tpu.memref_slice %arg2[%multiple_of3A_606] : memref<6400000xf32, #tpu.memory_space<hbm>> -> memref<16384xf32, #tpu.memory_space<hbm>>
        tpu.enqueue_dma source(%dma_start3A_612 : memref<16384xf32, #tpu.memory_space<hbm>>) target(%dma_start3A_611 : memref<16384xf32, #tpu.memory_space<vmem>>) target_semaphore(%arg14 : memref<!tpu.dma_semaphore, #tpu.memory_space<semaphore_mem>>)
        %dma_start3A_613 = arith.constant 0 : i32
        %dma_start3A_614 = tpu.memref_slice %arg6[%dma_start3A_613] : memref<16400xi32, #tpu.memory_space<vmem>> -> memref<16384xi32, #tpu.memory_space<vmem>>
        %dma_start3A_615 = tpu.memref_slice %arg3[%multiple_of3A_606] : memref<6400000xi32, #tpu.memory_space<hbm>> -> memref<16384xi32, #tpu.memory_space<hbm>>
        %dma_start3A_616 = arith.constant 0 : i32
        %dma_start3A_617 = tpu.memref_slice %arg6[%dma_start3A_616] : memref<16400xi32, #tpu.memory_space<vmem>> -> memref<16384xi32, #tpu.memory_space<vmem>>
        %dma_start3A_618 = tpu.memref_slice %arg3[%multiple_of3A_606] : memref<6400000xi32, #tpu.memory_space<hbm>> -> memref<16384xi32, #tpu.memory_space<hbm>>
        tpu.enqueue_dma source(%dma_start3A_618 : memref<16384xi32, #tpu.memory_space<hbm>>) target(%dma_start3A_617 : memref<16384xi32, #tpu.memory_space<vmem>>) target_semaphore(%arg14 : memref<!tpu.dma_semaphore, #tpu.memory_space<semaphore_mem>>)
        %convert_element_type3A_619 = arith.extui %and3A_539 : i1 to i32
        %cond3A_620 = arith.constant 0 : i32
        %cond3A_621 = arith.cmpi ne, %convert_element_type3A_619, %cond3A_620 : i32
        scf.if %cond3A_621 {
          %parallel_loop3A_626 = arith.constant 0 : i32
          %parallel_loop3A_627 = arith.constant 1023 : i32
          %parallel_loop3A_628 = arith.constant 1 : i32
          scf.for %parallel_loop3A_629 = %parallel_loop3A_626 to %parallel_loop3A_627 step %parallel_loop3A_628  : i32 {
            %parallel_loop3A_630 = arith.constant 16 : i32
            %parallel_loop3A_631 = arith.muli %parallel_loop3A_629, %parallel_loop3A_630 : i32
            %parallel_loop3A_632 = tpu.assume_multiple %parallel_loop3A_631, 16 : i32
            %parallel_loop3A_633 = arith.index_cast %parallel_loop3A_632 : i32 to index
            %parallel_loop3A_634 = tpu.vector_load %arg7[%parallel_loop3A_633] {strides = array<i32>} : memref<16400xf32, #tpu.memory_space<vmem>>, vector<16xf32>,
            %parallel_loop3A_635 = arith.index_cast %parallel_loop3A_632 : i32 to index
            %parallel_loop3A_636 = tpu.vector_load %arg8[%parallel_loop3A_635] {strides = array<i32>} : memref<16400xi32, #tpu.memory_space<vmem>>, vector<16xi32>,
            %parallel_loop3A_637 = arith.constant 1 : i32
            %parallel_loop3A_638 = arith.addi %parallel_loop3A_632, %parallel_loop3A_637 : i32
            %parallel_loop3A_639 = arith.index_cast %parallel_loop3A_638 : i32 to index
            %parallel_loop3A_640 = tpu.vector_load %arg8[%parallel_loop3A_639] {strides = array<i32>} : memref<16400xi32, #tpu.memory_space<vmem>>, vector<16xi32>,
            %parallel_loop3A_641 = arith.constant true
            %parallel_loop3A_642 = vector.broadcast %parallel_loop3A_641 : i1 to vector<16xi1>
            %parallel_loop3A_643 = tpu.scan <sum>, %parallel_loop3A_634 masked %parallel_loop3A_642 : vector<16xf32>, vector<16xi1> -> vector<16xf32>
            %parallel_loop3A_644 = arith.cmpi ne, %parallel_loop3A_636, %parallel_loop3A_640 : vector<16xi32>
            %parallel_loop3A_645 = arith.ori %parallel_loop3A_644, %eq3A_384 : vector<16xi1>
            %parallel_loop3A_646 = arith.andi %parallel_loop3A_644, %lt3A_387 : vector<16xi1>
            %parallel_loop3A_647 = vector.broadcast %mul3A_2 : i32 to vector<16xi32>
            %parallel_loop3A_648 = arith.subi %parallel_loop3A_636, %parallel_loop3A_647 : vector<16xi32>
            tpu.vector_store_idx %arg9[%parallel_loop3A_648], %parallel_loop3A_643 masked %parallel_loop3A_645 {add = true} : memref<3136xf32, #tpu.memory_space<vmem>>[vector<16xi32>], vector<16xf32>, vector<16xi1>
            %parallel_loop3A_649 = vector.broadcast %mul3A_2 : i32 to vector<16xi32>
            %parallel_loop3A_650 = arith.subi %parallel_loop3A_640, %parallel_loop3A_649 : vector<16xi32>
            %parallel_loop3A_651 = arith.constant 0.000000e+00 : f32
            %parallel_loop3A_652 = vector.broadcast %parallel_loop3A_651 : f32 to vector<16xf32>
            %parallel_loop3A_653 = arith.subf %parallel_loop3A_652, %parallel_loop3A_643 : vector<16xf32>
            tpu.vector_store_idx %arg9[%parallel_loop3A_650], %parallel_loop3A_653 masked %parallel_loop3A_646 {add = true} : memref<3136xf32, #tpu.memory_space<vmem>>[vector<16xi32>], vector<16xf32>, vector<16xi1>
          } {sc.loop_unroll_factor = 8 : i64, sc.parallel_access}
        } else {
        }
        %not3A = arith.constant true
        %not3A_622 = arith.xori %and3A_539, %not3A : i1
        %convert_element_type3A_623 = arith.extui %not3A_622 : i1 to i32
        %cond3A_624 = arith.constant 0 : i32
        %cond3A_625 = arith.cmpi ne, %convert_element_type3A_623, %cond3A_624 : i32
        scf.if %cond3A_625 {
          %parallel_loop3A_626 = arith.constant 0 : i32
          %parallel_loop3A_627 = arith.constant 1023 : i32
          %parallel_loop3A_628 = arith.constant 1 : i32
          scf.for %parallel_loop3A_629 = %parallel_loop3A_626 to %parallel_loop3A_627 step %parallel_loop3A_628  : i32 {
            %parallel_loop3A_630 = arith.constant 16 : i32
            %parallel_loop3A_631 = arith.muli %parallel_loop3A_629, %parallel_loop3A_630 : i32
            %parallel_loop3A_632 = arith.constant 0 : i32
            %parallel_loop3A_633 = arith.addi %parallel_loop3A_632, %parallel_loop3A_631 : i32
            %parallel_loop3A_634 = arith.index_cast %parallel_loop3A_633 : i32 to index
            %parallel_loop3A_635 = tpu.vector_load %arg7[%parallel_loop3A_634] {strides = array<i32>} : memref<16400xf32, #tpu.memory_space<vmem>>, vector<16xf32>,
            %parallel_loop3A_636 = arith.index_cast %parallel_loop3A_633 : i32 to index
            %parallel_loop3A_637 = tpu.vector_load %arg8[%parallel_loop3A_636] {strides = array<i32>} : memref<16400xi32, #tpu.memory_space<vmem>>, vector<16xi32>,
            %parallel_loop3A_638 = arith.constant 1 : i32
            %parallel_loop3A_639 = arith.addi %parallel_loop3A_633, %parallel_loop3A_638 : i32
            %parallel_loop3A_640 = arith.index_cast %parallel_loop3A_639 : i32 to index
            %parallel_loop3A_641 = tpu.vector_load %arg8[%parallel_loop3A_640] {strides = array<i32>} : memref<16400xi32, #tpu.memory_space<vmem>>, vector<16xi32>,
            %parallel_loop3A_642 = arith.constant true
            %parallel_loop3A_643 = vector.broadcast %parallel_loop3A_642 : i1 to vector<16xi1>
            %parallel_loop3A_644 = tpu.scan <sum>, %parallel_loop3A_635 masked %parallel_loop3A_643 : vector<16xf32>, vector<16xi1> -> vector<16xf32>
            %parallel_loop3A_645 = vector.broadcast %mul3A_2 : i32 to vector<16xi32>
            %parallel_loop3A_646 = arith.subi %parallel_loop3A_637, %parallel_loop3A_645 : vector<16xi32>
            %parallel_loop3A_647 = vector.broadcast %mul3A_2 : i32 to vector<16xi32>
            %parallel_loop3A_648 = arith.subi %parallel_loop3A_641, %parallel_loop3A_647 : vector<16xi32>
            %parallel_loop3A_649 = arith.cmpi ne, %parallel_loop3A_637, %parallel_loop3A_641 : vector<16xi32>
            %parallel_loop3A_650 = vector.bitcast %parallel_loop3A_646 : vector<16xi32> to vector<16xi32>
            %parallel_loop3A_651 = vector.bitcast %broadcast_in_dim3A_388 : vector<16xi32> to vector<16xi32>
            %parallel_loop3A_652 = arith.cmpi ult, %parallel_loop3A_650, %parallel_loop3A_651 : vector<16xi32>
            %parallel_loop3A_653 = vector.bitcast %parallel_loop3A_648 : vector<16xi32> to vector<16xi32>
            %parallel_loop3A_654 = vector.bitcast %broadcast_in_dim3A_388 : vector<16xi32> to vector<16xi32>
            %parallel_loop3A_655 = arith.cmpi ult, %parallel_loop3A_653, %parallel_loop3A_654 : vector<16xi32>
            %parallel_loop3A_656 = arith.ori %parallel_loop3A_649, %eq3A_384 : vector<16xi1>
            %parallel_loop3A_657 = arith.andi %parallel_loop3A_656, %parallel_loop3A_652 : vector<16xi1>
            %parallel_loop3A_658 = arith.andi %parallel_loop3A_649, %lt3A_387 : vector<16xi1>
            %parallel_loop3A_659 = arith.andi %parallel_loop3A_658, %parallel_loop3A_655 : vector<16xi1>
            tpu.vector_store_idx %arg9[%parallel_loop3A_646], %parallel_loop3A_644 masked %parallel_loop3A_657 {add = true} : memref<3136xf32, #tpu.memory_space<vmem>>[vector<16xi32>], vector<16xf32>, vector<16xi1>
            %parallel_loop3A_660 = arith.constant 0.000000e+00 : f32
            %parallel_loop3A_661 = vector.broadcast %parallel_loop3A_660 : f32 to vector<16xf32>
            %parallel_loop3A_662 = arith.subf %parallel_loop3A_661, %parallel_loop3A_644 : vector<16xf32>
            tpu.vector_store_idx %arg9[%parallel_loop3A_648], %parallel_loop3A_662 masked %parallel_loop3A_659 {add = true} : memref<3136xf32, #tpu.memory_space<vmem>>[vector<16xi32>], vector<16xf32>, vector<16xi1>
          } {sc.loop_unroll_factor = 8 : i64, sc.parallel_access}
        } else {
        }
      } else {
      }
      %while3A_582 = arith.constant 0 : i32
      scf.yield %while3A_582 : i32
    }
    %mul3A_445 = arith.constant 16368 : i32
    %mul3A_446 = arith.muli %sub3A_417, %mul3A_445 : i32
    %add3A_447 = arith.addi %max3A_369, %mul3A_446 : i32
    %min3A_448 = arith.constant 6383616 : i32
    %min3A_449 = arith.minsi %add3A_447, %min3A_448 : i32
    %sub3A_450 = arith.subi %add3A_447, %min3A_449 : i32
    %multiple_of3A_451 = tpu.assume_multiple %sub3A_450, 16 : i32
    %sub3A_452 = arith.subi %min3A_373, %add3A_447 : i32
    %add3A_453 = arith.constant 15 : i32
    %add3A_454 = arith.addi %sub3A_452, %add3A_453 : i32
    %jit3A_455 = arith.constant 16 : i32
    %div3A_456 = arith.divsi %add3A_454, %jit3A_455 : i32
    %sign3A_457 = arith.constant 0 : i32
    %sign3A_458 = arith.cmpi sgt, %add3A_454, %sign3A_457 : i32
    %sign3A_459 = arith.extui %sign3A_458 : i1 to i32
    %sign3A_460 = arith.constant 0 : i32
    %sign3A_461 = arith.cmpi slt, %add3A_454, %sign3A_460 : i32
    %sign3A_462 = arith.extui %sign3A_461 : i1 to i32
    %sign3A_463 = arith.subi %sign3A_459, %sign3A_462 : i32
    %sign3A_464 = arith.constant 0 : i32
    %sign3A_465 = arith.cmpi sgt, %jit3A_455, %sign3A_464 : i32
    %sign3A_466 = arith.extui %sign3A_465 : i1 to i32
    %sign3A_467 = arith.constant 0 : i32
    %sign3A_468 = arith.cmpi slt, %jit3A_455, %sign3A_467 : i32
    %sign3A_469 = arith.extui %sign3A_468 : i1 to i32
    %sign3A_470 = arith.subi %sign3A_466, %sign3A_469 : i32
    %ne3A_471 = arith.cmpi ne, %sign3A_463, %sign3A_470 : i32
    %rem3A_472 = arith.remsi %add3A_454, %jit3A_455 : i32
    %ne3A_473 = arith.constant 0 : i32
    %ne3A_474 = arith.cmpi ne, %rem3A_472, %ne3A_473 : i32
    %and3A_475 = arith.andi %ne3A_471, %ne3A_474 : i1
    %sub3A_476 = arith.constant 1 : i32
    %sub3A_477 = arith.subi %div3A_456, %sub3A_476 : i32
    %select_n3A_478 = arith.select %and3A_475, %sub3A_477, %div3A_456 : i32
    %jit3A_479 = arith.constant 2 : i32
    %eq3A_480 = arith.constant 0 : i32
    %eq3A_481 = arith.cmpi eq, %jit3A_479, %eq3A_480 : i32
    %jit3A_482 = arith.constant 1 : i32
    %select_n3A_483 = arith.select %eq3A_481, %jit3A_482, %jit3A_479 : i32
    %rem3A_484 = arith.remsi %sub3A_417, %select_n3A_483 : i32
    %ne3A_485 = arith.constant 0 : i32
    %ne3A_486 = arith.cmpi ne, %rem3A_484, %ne3A_485 : i32
    %lt3A_487 = arith.constant 0 : i32
    %lt3A_488 = arith.cmpi slt, %rem3A_484, %lt3A_487 : i32
    %lt3A_489 = arith.constant 0 : i32
    %lt3A_490 = arith.cmpi slt, %select_n3A_483, %lt3A_489 : i32
    %ne3A_491 = arith.xori %lt3A_488, %lt3A_490 : i1
    %and3A_492 = arith.andi %ne3A_491, %ne3A_486 : i1
    %add3A_493 = arith.addi %rem3A_484, %select_n3A_483 : i32
    %select_n3A_494 = arith.select %and3A_492, %add3A_493, %rem3A_484 : i32
    %eq3A_495 = arith.constant 0 : i32
    %eq3A_496 = arith.cmpi eq, %select_n3A_494, %eq3A_495 : i32
    %convert_element_type3A = arith.extui %eq3A_496 : i1 to i32
    %cond3A = arith.constant 0 : i32
    %cond3A_497 = arith.cmpi ne, %convert_element_type3A, %cond3A : i32
    scf.if %cond3A_497 {
      %dma_wait3A_529 = arith.constant 0 : i32
      %dma_wait3A_530 = tpu.memref_slice %arg5[%dma_wait3A_529] : memref<16400xf32, #tpu.memory_space<vmem>> -> memref<16384xf32, #tpu.memory_space<vmem>>
      %dma_wait3A_531 = arith.constant 0 : i32
      %dma_wait3A_532 = tpu.memref_slice %arg2[%dma_wait3A_531] : memref<6400000xf32, #tpu.memory_space<hbm>> -> memref<16384xf32, #tpu.memory_space<hbm>>
      %dma_wait3A_533 = arith.constant 0 : i32
      %dma_wait3A_534 = tpu.memref_slice %arg5[%dma_wait3A_533] : memref<16400xf32, #tpu.memory_space<vmem>> -> memref<16384xf32, #tpu.memory_space<vmem>>
      %dma_wait3A_535 = arith.constant 0 : i32
      %dma_wait3A_536 = tpu.memref_slice %arg2[%dma_wait3A_535] : memref<6400000xf32, #tpu.memory_space<hbm>> -> memref<16384xf32, #tpu.memory_space<hbm>>
      tpu.wait_dma2 semaphore(%arg14 : memref<!tpu.dma_semaphore, #tpu.memory_space<semaphore_mem>>) src(%dma_wait3A_536 : memref<16384xf32, #tpu.memory_space<hbm>>) dst(%dma_wait3A_534 : memref<16384xf32, #tpu.memory_space<vmem>>)
      %dma_wait3A_537 = arith.constant 0 : i32
      %dma_wait3A_538 = tpu.memref_slice %arg6[%dma_wait3A_537] : memref<16400xi32, #tpu.memory_space<vmem>> -> memref<16384xi32, #tpu.memory_space<vmem>>
      %dma_wait3A_539 = arith.constant 0 : i32
      %dma_wait3A_540 = tpu.memref_slice %arg3[%dma_wait3A_539] : memref<6400000xi32, #tpu.memory_space<hbm>> -> memref<16384xi32, #tpu.memory_space<hbm>>
      %dma_wait3A_541 = arith.constant 0 : i32
      %dma_wait3A_542 = tpu.memref_slice %arg6[%dma_wait3A_541] : memref<16400xi32, #tpu.memory_space<vmem>> -> memref<16384xi32, #tpu.memory_space<vmem>>
      %dma_wait3A_543 = arith.constant 0 : i32
      %dma_wait3A_544 = tpu.memref_slice %arg3[%dma_wait3A_543] : memref<6400000xi32, #tpu.memory_space<hbm>> -> memref<16384xi32, #tpu.memory_space<hbm>>
      tpu.wait_dma2 semaphore(%arg14 : memref<!tpu.dma_semaphore, #tpu.memory_space<semaphore_mem>>) src(%dma_wait3A_544 : memref<16384xi32, #tpu.memory_space<hbm>>) dst(%dma_wait3A_542 : memref<16384xi32, #tpu.memory_space<vmem>>)
      %parallel_loop3A_545 = arith.constant 0 : i32
      %parallel_loop3A_546 = arith.constant 1 : i32
      scf.for %parallel_loop3A_547 = %parallel_loop3A_545 to %select_n3A_478 step %parallel_loop3A_546  : i32 {
        %parallel_loop3A_548 = arith.constant 16 : i32
        %parallel_loop3A_549 = arith.muli %parallel_loop3A_547, %parallel_loop3A_548 : i32
        %parallel_loop3A_550 = arith.addi %multiple_of3A_451, %parallel_loop3A_549 : i32
        %parallel_loop3A_551 = arith.index_cast %parallel_loop3A_550 : i32 to index
        %parallel_loop3A_552 = tpu.vector_load %arg5[%parallel_loop3A_551] {strides = array<i32>} : memref<16400xf32, #tpu.memory_space<vmem>>, vector<16xf32>,
        %parallel_loop3A_553 = arith.index_cast %parallel_loop3A_550 : i32 to index
        %parallel_loop3A_554 = tpu.vector_load %arg6[%parallel_loop3A_553] {strides = array<i32>} : memref<16400xi32, #tpu.memory_space<vmem>>, vector<16xi32>,
        %parallel_loop3A_555 = arith.constant 1 : i32
        %parallel_loop3A_556 = arith.addi %parallel_loop3A_550, %parallel_loop3A_555 : i32
        %parallel_loop3A_557 = arith.index_cast %parallel_loop3A_556 : i32 to index
        %parallel_loop3A_558 = tpu.vector_load %arg6[%parallel_loop3A_557] {strides = array<i32>} : memref<16400xi32, #tpu.memory_space<vmem>>, vector<16xi32>,
        %parallel_loop3A_559 = arith.constant true
        %parallel_loop3A_560 = vector.broadcast %parallel_loop3A_559 : i1 to vector<16xi1>
        %parallel_loop3A_561 = tpu.scan <sum>, %parallel_loop3A_552 masked %parallel_loop3A_560 : vector<16xf32>, vector<16xi1> -> vector<16xf32>
        %parallel_loop3A_562 = vector.broadcast %mul3A_2 : i32 to vector<16xi32>
        %parallel_loop3A_563 = arith.subi %parallel_loop3A_554, %parallel_loop3A_562 : vector<16xi32>
        %parallel_loop3A_564 = vector.broadcast %mul3A_2 : i32 to vector<16xi32>
        %parallel_loop3A_565 = arith.subi %parallel_loop3A_558, %parallel_loop3A_564 : vector<16xi32>
        %parallel_loop3A_566 = arith.cmpi ne, %parallel_loop3A_554, %parallel_loop3A_558 : vector<16xi32>
        %parallel_loop3A_567 = vector.bitcast %parallel_loop3A_563 : vector<16xi32> to vector<16xi32>
        %parallel_loop3A_568 = vector.bitcast %broadcast_in_dim3A_388 : vector<16xi32> to vector<16xi32>
        %parallel_loop3A_569 = arith.cmpi ult, %parallel_loop3A_567, %parallel_loop3A_568 : vector<16xi32>
        %parallel_loop3A_570 = vector.bitcast %parallel_loop3A_565 : vector<16xi32> to vector<16xi32>
        %parallel_loop3A_571 = vector.bitcast %broadcast_in_dim3A_388 : vector<16xi32> to vector<16xi32>
        %parallel_loop3A_572 = arith.cmpi ult, %parallel_loop3A_570, %parallel_loop3A_571 : vector<16xi32>
        %parallel_loop3A_573 = arith.ori %parallel_loop3A_566, %eq3A_384 : vector<16xi1>
        %parallel_loop3A_574 = arith.andi %parallel_loop3A_573, %parallel_loop3A_569 : vector<16xi1>
        %parallel_loop3A_575 = arith.andi %parallel_loop3A_566, %lt3A_387 : vector<16xi1>
        %parallel_loop3A_576 = arith.andi %parallel_loop3A_575, %parallel_loop3A_572 : vector<16xi1>
        tpu.vector_store_idx %arg9[%parallel_loop3A_563], %parallel_loop3A_561 masked %parallel_loop3A_574 {add = true} : memref<3136xf32, #tpu.memory_space<vmem>>[vector<16xi32>], vector<16xf32>, vector<16xi1>
        %parallel_loop3A_577 = arith.constant 0.000000e+00 : f32
        %parallel_loop3A_578 = vector.broadcast %parallel_loop3A_577 : f32 to vector<16xf32>
        %parallel_loop3A_579 = arith.subf %parallel_loop3A_578, %parallel_loop3A_561 : vector<16xf32>
        tpu.vector_store_idx %arg9[%parallel_loop3A_565], %parallel_loop3A_579 masked %parallel_loop3A_576 {add = true} : memref<3136xf32, #tpu.memory_space<vmem>>[vector<16xi32>], vector<16xf32>, vector<16xi1>
      } {sc.loop_unroll_factor = 4 : i64, sc.parallel_access}
    } else {
    }
    %jit3A_498 = arith.constant 2 : i32
    %eq3A_499 = arith.constant 0 : i32
    %eq3A_500 = arith.cmpi eq, %jit3A_498, %eq3A_499 : i32
    %jit3A_501 = arith.constant 1 : i32
    %select_n3A_502 = arith.select %eq3A_500, %jit3A_501, %jit3A_498 : i32
    %rem3A_503 = arith.remsi %sub3A_417, %select_n3A_502 : i32
    %ne3A_504 = arith.constant 0 : i32
    %ne3A_505 = arith.cmpi ne, %rem3A_503, %ne3A_504 : i32
    %lt3A_506 = arith.constant 0 : i32
    %lt3A_507 = arith.cmpi slt, %rem3A_503, %lt3A_506 : i32
    %lt3A_508 = arith.constant 0 : i32
    %lt3A_509 = arith.cmpi slt, %select_n3A_502, %lt3A_508 : i32
    %ne3A_510 = arith.xori %lt3A_507, %lt3A_509 : i1
    %and3A_511 = arith.andi %ne3A_510, %ne3A_505 : i1
    %add3A_512 = arith.addi %rem3A_503, %select_n3A_502 : i32
    %select_n3A_513 = arith.select %and3A_511, %add3A_512, %rem3A_503 : i32
    %eq3A_514 = arith.constant 1 : i32
    %eq3A_515 = arith.cmpi eq, %select_n3A_513, %eq3A_514 : i32
    %convert_element_type3A_516 = arith.extui %eq3A_515 : i1 to i32
    %cond3A_517 = arith.constant 0 : i32
    %cond3A_518 = arith.cmpi ne, %convert_element_type3A_516, %cond3A_517 : i32
    scf.if %cond3A_518 {
      %dma_wait3A_529 = arith.constant 0 : i32
      %dma_wait3A_530 = tpu.memref_slice %arg7[%dma_wait3A_529] : memref<16400xf32, #tpu.memory_space<vmem>> -> memref<16384xf32, #tpu.memory_space<vmem>>
      %dma_wait3A_531 = arith.constant 0 : i32
      %dma_wait3A_532 = tpu.memref_slice %arg2[%dma_wait3A_531] : memref<6400000xf32, #tpu.memory_space<hbm>> -> memref<16384xf32, #tpu.memory_space<hbm>>
      %dma_wait3A_533 = arith.constant 0 : i32
      %dma_wait3A_534 = tpu.memref_slice %arg7[%dma_wait3A_533] : memref<16400xf32, #tpu.memory_space<vmem>> -> memref<16384xf32, #tpu.memory_space<vmem>>
      %dma_wait3A_535 = arith.constant 0 : i32
      %dma_wait3A_536 = tpu.memref_slice %arg2[%dma_wait3A_535] : memref<6400000xf32, #tpu.memory_space<hbm>> -> memref<16384xf32, #tpu.memory_space<hbm>>
      tpu.wait_dma2 semaphore(%arg15 : memref<!tpu.dma_semaphore, #tpu.memory_space<semaphore_mem>>) src(%dma_wait3A_536 : memref<16384xf32, #tpu.memory_space<hbm>>) dst(%dma_wait3A_534 : memref<16384xf32, #tpu.memory_space<vmem>>)
      %dma_wait3A_537 = arith.constant 0 : i32
      %dma_wait3A_538 = tpu.memref_slice %arg8[%dma_wait3A_537] : memref<16400xi32, #tpu.memory_space<vmem>> -> memref<16384xi32, #tpu.memory_space<vmem>>
      %dma_wait3A_539 = arith.constant 0 : i32
      %dma_wait3A_540 = tpu.memref_slice %arg3[%dma_wait3A_539] : memref<6400000xi32, #tpu.memory_space<hbm>> -> memref<16384xi32, #tpu.memory_space<hbm>>
      %dma_wait3A_541 = arith.constant 0 : i32
      %dma_wait3A_542 = tpu.memref_slice %arg8[%dma_wait3A_541] : memref<16400xi32, #tpu.memory_space<vmem>> -> memref<16384xi32, #tpu.memory_space<vmem>>
      %dma_wait3A_543 = arith.constant 0 : i32
      %dma_wait3A_544 = tpu.memref_slice %arg3[%dma_wait3A_543] : memref<6400000xi32, #tpu.memory_space<hbm>> -> memref<16384xi32, #tpu.memory_space<hbm>>
      tpu.wait_dma2 semaphore(%arg15 : memref<!tpu.dma_semaphore, #tpu.memory_space<semaphore_mem>>) src(%dma_wait3A_544 : memref<16384xi32, #tpu.memory_space<hbm>>) dst(%dma_wait3A_542 : memref<16384xi32, #tpu.memory_space<vmem>>)
      %parallel_loop3A_545 = arith.constant 0 : i32
      %parallel_loop3A_546 = arith.constant 1 : i32
      scf.for %parallel_loop3A_547 = %parallel_loop3A_545 to %select_n3A_478 step %parallel_loop3A_546  : i32 {
        %parallel_loop3A_548 = arith.constant 16 : i32
        %parallel_loop3A_549 = arith.muli %parallel_loop3A_547, %parallel_loop3A_548 : i32
        %parallel_loop3A_550 = arith.addi %multiple_of3A_451, %parallel_loop3A_549 : i32
        %parallel_loop3A_551 = arith.index_cast %parallel_loop3A_550 : i32 to index
        %parallel_loop3A_552 = tpu.vector_load %arg7[%parallel_loop3A_551] {strides = array<i32>} : memref<16400xf32, #tpu.memory_space<vmem>>, vector<16xf32>,
        %parallel_loop3A_553 = arith.index_cast %parallel_loop3A_550 : i32 to index
        %parallel_loop3A_554 = tpu.vector_load %arg8[%parallel_loop3A_553] {strides = array<i32>} : memref<16400xi32, #tpu.memory_space<vmem>>, vector<16xi32>,
        %parallel_loop3A_555 = arith.constant 1 : i32
        %parallel_loop3A_556 = arith.addi %parallel_loop3A_550, %parallel_loop3A_555 : i32
        %parallel_loop3A_557 = arith.index_cast %parallel_loop3A_556 : i32 to index
        %parallel_loop3A_558 = tpu.vector_load %arg8[%parallel_loop3A_557] {strides = array<i32>} : memref<16400xi32, #tpu.memory_space<vmem>>, vector<16xi32>,
        %parallel_loop3A_559 = arith.constant true
        %parallel_loop3A_560 = vector.broadcast %parallel_loop3A_559 : i1 to vector<16xi1>
        %parallel_loop3A_561 = tpu.scan <sum>, %parallel_loop3A_552 masked %parallel_loop3A_560 : vector<16xf32>, vector<16xi1> -> vector<16xf32>
        %parallel_loop3A_562 = vector.broadcast %mul3A_2 : i32 to vector<16xi32>
        %parallel_loop3A_563 = arith.subi %parallel_loop3A_554, %parallel_loop3A_562 : vector<16xi32>
        %parallel_loop3A_564 = vector.broadcast %mul3A_2 : i32 to vector<16xi32>
        %parallel_loop3A_565 = arith.subi %parallel_loop3A_558, %parallel_loop3A_564 : vector<16xi32>
        %parallel_loop3A_566 = arith.cmpi ne, %parallel_loop3A_554, %parallel_loop3A_558 : vector<16xi32>
        %parallel_loop3A_567 = vector.bitcast %parallel_loop3A_563 : vector<16xi32> to vector<16xi32>
        %parallel_loop3A_568 = vector.bitcast %broadcast_in_dim3A_388 : vector<16xi32> to vector<16xi32>
        %parallel_loop3A_569 = arith.cmpi ult, %parallel_loop3A_567, %parallel_loop3A_568 : vector<16xi32>
        %parallel_loop3A_570 = vector.bitcast %parallel_loop3A_565 : vector<16xi32> to vector<16xi32>
        %parallel_loop3A_571 = vector.bitcast %broadcast_in_dim3A_388 : vector<16xi32> to vector<16xi32>
        %parallel_loop3A_572 = arith.cmpi ult, %parallel_loop3A_570, %parallel_loop3A_571 : vector<16xi32>
        %parallel_loop3A_573 = arith.ori %parallel_loop3A_566, %eq3A_384 : vector<16xi1>
        %parallel_loop3A_574 = arith.andi %parallel_loop3A_573, %parallel_loop3A_569 : vector<16xi1>
        %parallel_loop3A_575 = arith.andi %parallel_loop3A_566, %lt3A_387 : vector<16xi1>
        %parallel_loop3A_576 = arith.andi %parallel_loop3A_575, %parallel_loop3A_572 : vector<16xi1>
        tpu.vector_store_idx %arg9[%parallel_loop3A_563], %parallel_loop3A_561 masked %parallel_loop3A_574 {add = true} : memref<3136xf32, #tpu.memory_space<vmem>>[vector<16xi32>], vector<16xf32>, vector<16xi1>
        %parallel_loop3A_577 = arith.constant 0.000000e+00 : f32
        %parallel_loop3A_578 = vector.broadcast %parallel_loop3A_577 : f32 to vector<16xf32>
        %parallel_loop3A_579 = arith.subf %parallel_loop3A_578, %parallel_loop3A_561 : vector<16xf32>
        tpu.vector_store_idx %arg9[%parallel_loop3A_565], %parallel_loop3A_579 masked %parallel_loop3A_576 {add = true} : memref<3136xf32, #tpu.memory_space<vmem>>[vector<16xi32>], vector<16xf32>, vector<16xi1>
      } {sc.loop_unroll_factor = 4 : i64, sc.parallel_access}
    } else {
    }
    %lt3A_519 = arith.constant 31 : i32
    %lt3A_520 = arith.cmpi slt, %add3A, %lt3A_519 : i32
    %convert_element_type3A_521 = arith.extui %lt3A_520 : i1 to i32
    %cond3A_522 = arith.constant 0 : i32
    %cond3A_523 = arith.cmpi ne, %convert_element_type3A_521, %cond3A_522 : i32
    scf.if %cond3A_523 {
      "tpu.region"() ({
        %run_scoped3A = tpu.sem_alloc : memref<!tpu.dma_semaphore, #tpu.memory_space<semaphore_mem>>
        %dma_start3A_529 = arith.constant 0 : i32
        %dma_start3A_530 = tpu.memref_slice %arg9[%dma_start3A_529] : memref<3136xf32, #tpu.memory_space<vmem>> -> memref<3136xf32, #tpu.memory_space<vmem>>
        %dma_start3A_531 = tpu.memref_slice %arg4[%mul3A_2] : memref<100000xf32, #tpu.memory_space<hbm>> -> memref<3136xf32, #tpu.memory_space<hbm>>
        %dma_start3A_532 = tpu.memref_slice %arg4[%mul3A_2] : memref<100000xf32, #tpu.memory_space<hbm>> -> memref<3136xf32, #tpu.memory_space<hbm>>
        %dma_start3A_533 = arith.constant 0 : i32
        %dma_start3A_534 = tpu.memref_slice %arg9[%dma_start3A_533] : memref<3136xf32, #tpu.memory_space<vmem>> -> memref<3136xf32, #tpu.memory_space<vmem>>
        tpu.enqueue_dma source(%dma_start3A_534 : memref<3136xf32, #tpu.memory_space<vmem>>) target(%dma_start3A_532 : memref<3136xf32, #tpu.memory_space<hbm>>) target_semaphore(%run_scoped3A : memref<!tpu.dma_semaphore, #tpu.memory_space<semaphore_mem>>)
        %dma_wait3A_535 = arith.constant 0 : i32
        %dma_wait3A_536 = tpu.memref_slice %arg9[%dma_wait3A_535] : memref<3136xf32, #tpu.memory_space<vmem>> -> memref<3136xf32, #tpu.memory_space<vmem>>
        %dma_wait3A_537 = tpu.memref_slice %arg4[%mul3A_2] : memref<100000xf32, #tpu.memory_space<hbm>> -> memref<3136xf32, #tpu.memory_space<hbm>>
        %dma_wait3A_538 = tpu.memref_slice %arg4[%mul3A_2] : memref<100000xf32, #tpu.memory_space<hbm>> -> memref<3136xf32, #tpu.memory_space<hbm>>
        %dma_wait3A_539 = arith.constant 0 : i32
        %dma_wait3A_540 = tpu.memref_slice %arg9[%dma_wait3A_539] : memref<3136xf32, #tpu.memory_space<vmem>> -> memref<3136xf32, #tpu.memory_space<vmem>>
        tpu.wait_dma2 semaphore(%run_scoped3A : memref<!tpu.dma_semaphore, #tpu.memory_space<semaphore_mem>>) src(%dma_wait3A_540 : memref<3136xf32, #tpu.memory_space<vmem>>) dst(%dma_wait3A_538 : memref<3136xf32, #tpu.memory_space<hbm>>)
        tpu.yield
      }) : () -> ()
    } else {
    }
    %eq3A_524 = arith.constant 31 : i32
    %eq3A_525 = arith.cmpi eq, %add3A, %eq3A_524 : i32
    %convert_element_type3A_526 = arith.extui %eq3A_525 : i1 to i32
    %cond3A_527 = arith.constant 0 : i32
    %cond3A_528 = arith.cmpi ne, %convert_element_type3A_526, %cond3A_527 : i32
    scf.if %cond3A_528 {
      "tpu.region"() ({
        %run_scoped3A = tpu.sem_alloc : memref<!tpu.dma_semaphore, #tpu.memory_space<semaphore_mem>>
        %dma_start3A_529 = arith.constant 0 : i32
        %dma_start3A_530 = tpu.memref_slice %arg9[%dma_start3A_529] : memref<3136xf32, #tpu.memory_space<vmem>> -> memref<2784xf32, #tpu.memory_space<vmem>>
        %dma_start3A_531 = tpu.memref_slice %arg4[%mul3A_2] : memref<100000xf32, #tpu.memory_space<hbm>> -> memref<2784xf32, #tpu.memory_space<hbm>>
        %dma_start3A_532 = tpu.memref_slice %arg4[%mul3A_2] : memref<100000xf32, #tpu.memory_space<hbm>> -> memref<2784xf32, #tpu.memory_space<hbm>>
        %dma_start3A_533 = arith.constant 0 : i32
        %dma_start3A_534 = tpu.memref_slice %arg9[%dma_start3A_533] : memref<3136xf32, #tpu.memory_space<vmem>> -> memref<2784xf32, #tpu.memory_space<vmem>>
        tpu.enqueue_dma source(%dma_start3A_534 : memref<2784xf32, #tpu.memory_space<vmem>>) target(%dma_start3A_532 : memref<2784xf32, #tpu.memory_space<hbm>>) target_semaphore(%run_scoped3A : memref<!tpu.dma_semaphore, #tpu.memory_space<semaphore_mem>>)
        %dma_wait3A_535 = arith.constant 0 : i32
        %dma_wait3A_536 = tpu.memref_slice %arg9[%dma_wait3A_535] : memref<3136xf32, #tpu.memory_space<vmem>> -> memref<2784xf32, #tpu.memory_space<vmem>>
        %dma_wait3A_537 = tpu.memref_slice %arg4[%mul3A_2] : memref<100000xf32, #tpu.memory_space<hbm>> -> memref<2784xf32, #tpu.memory_space<hbm>>
        %dma_wait3A_538 = tpu.memref_slice %arg4[%mul3A_2] : memref<100000xf32, #tpu.memory_space<hbm>> -> memref<2784xf32, #tpu.memory_space<hbm>>
        %dma_wait3A_539 = arith.constant 0 : i32
        %dma_wait3A_540 = tpu.memref_slice %arg9[%dma_wait3A_539] : memref<3136xf32, #tpu.memory_space<vmem>> -> memref<2784xf32, #tpu.memory_space<vmem>>
        tpu.wait_dma2 semaphore(%run_scoped3A : memref<!tpu.dma_semaphore, #tpu.memory_space<semaphore_mem>>) src(%dma_wait3A_540 : memref<2784xf32, #tpu.memory_space<vmem>>) dst(%dma_wait3A_538 : memref<2784xf32, #tpu.memory_space<hbm>>)
        tpu.yield
      }) : () -> ()
    } else {
    }
    return
  }
}

</mosaic_0001>

<sc_bundles>
// kernel: kernel.3.cloned.1.call-start
scs
__scs_entry_jumppad:
0x0: {  	(pc) =	sbr.rel $0x88, $3  }
0x1: {  	(tag) =	ssettag $0x0;
	lr =	simm.s32 $0x1  }
0x2: {  	[smem:$0x3F9F] =	sst lr;
	_ =	strace $0xD0000000  }
0x3: {  	_ = 	snop  }
0x4: {  	_ = 	snop  }
0x5: {  	_ = 	snop  }
0x6: {  	_ = 	snop  }
0x7: {  	_ = 	snop  }
__scs_overlays_trampoline_lowered:
0x8: {  	[smem:$0x3FAE] =	sst s0  }
0x9: {  	[smem:$0x3FAF] =	sst s1  }
0xa: {  	[smem:$0x3FB0] =	sst s2  }
0xb: {  	[smem:$0x3FB1] =	sst s3  }
0xc: {  	[smem:$0x3FB2] =	sst s4  }
0xd: {  	[smem:$0x3FB3] =	sst s5  }
0xe: {  	[smem:$0x3FB4] =	sst s6  }
0xf: {  	[smem:$0x3FB5] =	sst s7  }
0x10: {  	[smem:$0x3FB6] =	sst s8  }
0x11: {  	[smem:$0x3FB7] =	sst s9;
	s0 =	simm.s32 @!p0 $0x0  }
0x12: {  	s1 =	sld [smem:$0x3F9D];
	s0 =	simm.s32 @p0 $0x1  }
0x13: {  	[smem:$0x3FB8] =	sst s0;
	s0 =	simm.s32 @!p1 $0x0  }
0x14: {  	s2 =	sld [smem:$0x3F9C];
	s0 =	simm.s32 @p1 $0x1  }
0x15: {  	[smem:$0x3FB9] =	sst s0;
	s0 =	simm.s32 @!p2 $0x0  }
0x16: {  	s3 =	sld [smem:$0x3FDB];
	s0 =	simm.s32 @p2 $0x1  }
0x17: {  	s4 =	simm.s32 $0x1BF5;
	[smem:$0x3FBB] =	sst s0  }
0x18: {  	s0 =	sld [smem:$0x3F9E];
	_ =	swait.ge [sflag:s4], $0x0  }
0x19: {  	s7 =	sld [smem:$0x3F9F]  }
0x1a: {  	s8 =	sadd.s32 $0xFFFFE003, lr  }
0x1b: {  	s9 =	sadd.s32 $0xFFFFFEF7, lr;
	s5 =	simm.s32 $0xFFFFFFFF;
	p2 =	slt.u32 s8, $0xFFFFF086  }
0x1c: {  	p1 =	slt.u32 s9, $0xF7A;
	s5 =	simm.s32 @!p2 $0x0  }
0x1d: {  	s5 =	simm.s32 @p1 $0x1;
	p0 =	seq.s32 s7, s2  }
0x1e: {  	s7 =	smul.u32 @!p0 $0xF7A, s2;
	p2 =	seq.s32 @!p0 s5, $0x0  }
0x1f: {  	s9 =	smul.u32 $0xF7A, s1;
	s8 =	simm.s32 @!p0 $0x1BF5;
	p2 =	por !p2, p0  }
0x20: {  	[sflag:s8] =	ssyncset.s32 @!p0 $0xFFFFF086;
	s6 =	sadd.s32 @!p0 s3, s7;
	s7 =	simm.s32 @!p0 $0x108  }
0x21: {  	s3 =	sadd.s32 s3, s9;
	s6 =	sadd.s32 @!p0 $0x88, s6;
	s7 =	simm.s32 @p2 $0x1082  }
0x22: {  	[simem:s7], [sflag:s8] =	dma.local @!p0 [hbm:s6], $0xF7A  }
0x23: {  	s9 =	sor.u32 $0xD0000000, s2;
	s6 =	simm.s32 $0x108;
	_ =	swait.ge @!p0 [sflag:s8], $0x0  }
0x24: {  	s3 =	sadd.s32 $0x88, s3;
	s6 =	simm.s32 @!p1 $0x1082;
	[sflag:s4] =	ssyncset.s32 $0xFFFFF086  }
0x25: {  	[simem:s6], [sflag:s4] =	dma.local [hbm:s3], $0xF7A  }
0x26: {  	[smem:$0x3F9F] =	sst s1;
	(tag) =	ssettag s2;
	_ =	strace s9  }
0x27: {  	s1 =	sld [smem:$0x3FAF]  }
0x28: {  	s2 =	sld [smem:$0x3FB0]  }
0x29: {  	s4 =	sld [smem:$0x3FB2]  }
0x2a: {  	p0 =	seq.s32 s5, $0x0;
	s5 =	sld [smem:$0x3FB3]  }
0x2b: {  	s6 =	sld [smem:$0x3FB4]  }
0x2c: {  	s7 =	sld [smem:$0x3FB5]  }
0x2d: {  	s3 =	simm.s32 $0x108;
	s8 =	sld [smem:$0x3FB6]  }
0x2e: {  	s3 =	simm.s32 @!p0 $0x1082;
	s9 =	sld [smem:$0x3FB7]  }
0x2f: {  	lr =	sadd.s32 s0, s3;
	s0 =	sld [smem:$0x3FAE]  }
0x30: {  	s3 =	sld [smem:$0x3FB1]  }
0x31: {  	[smem:$0x3FBA] =	sst s10  }
0x32: {  	s10 =	sld [smem:$0x3FB8];
	_ =	sdelay $0x3  }
0x33: {  	p0 =	seq.s32 s10, $0x1;
	s10 =	sld [smem:$0x3FBA];
	_ =	sdelay $0x3  }
0x34: {  	[smem:$0x3FBA] =	sst s10  }
0x35: {  	s10 =	sld [smem:$0x3FB9];
	_ =	sdelay $0x3  }
0x36: {  	p1 =	seq.s32 s10, $0x1;
	s10 =	sld [smem:$0x3FBA];
	_ =	sdelay $0x3  }
0x37: {  	[smem:$0x3FBA] =	sst s10  }
0x38: {  	s10 =	sld [smem:$0x3FBB]  }
0x39: {  	_ = 	snop;
	(pc) =	sbr.ind lr, $3  }
0x3a: {  	_ = 	snop  }
0x3b: {  	_ = 	snop  }
0x3c: {  	p2 =	seq.s32 s10, $0x1;
	s10 =	sld [smem:$0x3FBA]  }
0x3d: {  	_ =	shalt  }
0x3e: {  	_ =	shalt  }
0x3f: {  	_ =	shalt  }
0x40: {  	_ =	shalt  }
0x41: {  	_ =	shalt  }
0x42: {  	_ =	shalt  }
0x43: {  	_ =	shalt  }
0x44: {  	_ =	shalt  }
0x45: {  	_ =	shalt  }
0x46: {  	_ =	shalt  }
0x47: {  	_ =	shalt  }
0x48: {  	_ =	shalt  }
0x49: {  	_ =	shalt  }
0x4a: {  	_ =	shalt  }
0x4b: {  	_ =	shalt  }
0x4c: {  	_ =	shalt  }
0x4d: {  	_ =	shalt  }
0x4e: {  	_ =	shalt  }
0x4f: {  	_ =	shalt  }
0x50: {  	_ =	shalt  }
0x51: {  	_ =	shalt  }
0x52: {  	_ =	shalt  }
0x53: {  	_ =	shalt  }
0x54: {  	_ =	shalt  }
0x55: {  	_ =	shalt  }
0x56: {  	_ =	shalt  }
0x57: {  	_ =	shalt  }
0x58: {  	_ =	shalt  }
0x59: {  	_ =	shalt  }
0x5a: {  	_ =	shalt  }
0x5b: {  	_ =	shalt  }
0x5c: {  	_ =	shalt  }
0x5d: {  	_ =	shalt  }
0x5e: {  	_ =	shalt  }
0x5f: {  	_ =	shalt  }
0x60: {  	_ =	shalt  }
0x61: {  	_ =	shalt  }
0x62: {  	_ =	shalt  }
0x63: {  	_ =	shalt  }
0x64: {  	_ =	shalt  }
0x65: {  	_ =	shalt  }
0x66: {  	_ =	shalt  }
0x67: {  	_ =	shalt  }
0x68: {  	_ =	shalt  }
0x69: {  	_ =	shalt  }
0x6a: {  	_ =	shalt  }
0x6b: {  	_ =	shalt  }
0x6c: {  	_ =	shalt  }
0x6d: {  	_ =	shalt  }
0x6e: {  	_ =	shalt  }
0x6f: {  	_ =	shalt  }
0x70: {  	_ =	shalt  }
0x71: {  	_ =	shalt  }
0x72: {  	_ =	shalt  }
0x73: {  	_ =	shalt  }
0x74: {  	_ =	shalt  }
0x75: {  	_ =	shalt  }
0x76: {  	_ =	shalt  }
0x77: {  	_ =	shalt  }
0x78: {  	_ =	shalt  }
0x79: {  	_ =	shalt  }
0x7a: {  	_ =	shalt  }
0x7b: {  	_ =	shalt  }
0x7c: {  	_ =	shalt  }
0x7d: {  	_ =	shalt  }
0x7e: {  	_ =	shalt  }
0x7f: {  	_ =	shalt  }
0x80: {  	_ =	shalt  }
0x81: {  	_ =	shalt  }
0x82: {  	_ =	shalt  }
0x83: {  	_ =	shalt  }
0x84: {  	_ =	shalt  }
0x85: {  	_ =	shalt  }
0x86: {  	_ =	shalt  }
0x87: {  	_ =	shalt  }
.Lfunc_end0:
.L_simem_size_0:
called_computation_lowered:
.L_overlay_start_0:
0x88: {  	s2 =	sld [smem:$0x3FD9]  }
0x89: {  	s3 =	sld [smem:$0x3FFE];
	_ =	sdelay $0x1  }
0x8a: {  	s1 =	srdreg.scid  }
0x8b: {  	s0 =	sand.u32 $0x1, s1  }
0x8c: {  	s18 =	sshll.u32 s0, $0xA;
	s2 =	sadd.s32 s3, s2  }
0x8d: {  	s2 =	sadd.s32 s2, s18  }
0x8e: {  	[smem:$0x3FC6] =	sst s2  }
0x8f: {  	_ = 	snop  }
0x90: {  	s2 =	sld [smem:$0x3FC9]  }
0x91: {  	s19 =	sld [smem:$0x3FC8]  }
0x92: {  	s4 =	sld [smem:$0x3FD0];
	(tm) =	ssettm $0x1  }
0x93: {  	s5 =	sld [smem:$0x3FFB];
	_ =	sdelay $0x3  }
0x94: {  	_ =	strace s5  }
0x95: {  	s5 =	sld [smem:$0x3FFC];
	_ =	sdelay $0x3  }
0x96: {  	_ =	strace s5  }
0x97: {  	s5 =	sld [smem:$0x3FFD];
	_ =	sdelay $0x3  }
0x98: {  	_ =	strace s5  }
0x99: {  	_ =	strace $0x8FFFFFFF  }
0x9a: {  	s20 =	sld [smem:$0x3FDB];
	_ =	sdelay $0x1  }
0x9b: {  	s6 =	simm.s32 $_scs_section_size  }
0x9c: {  	s7 =	simm.s32 $_size__tile_overlayer_lowered;
	s8 =	simm.s32 $_tile_overlayer_lowered  }
0x9d: {  	s23 =	simm.s32 $0x1BFF;
	s22 =	sshll.u32 s8, $0x1;
	s5 =	sadd.s32 s6, s20  }
0x9e: {  	s9 =	simm.s32 $0x0;
	s21 =	sshll.u32 s7, $0x1;
	s7 =	sadd.s32 s22, s5  }
0x9f: {  	[timem:s9], [sflag:s23] =	dma.local [hbm:s7], s21  }
0xa0: {  	_ =	swait.ge [sflag:s23], s21  }
0xa1: {  	s6 =	ssub.s32 $0x0, s21;
	[sflag:s23] =	ssyncset.done $0x0  }
0xa2: {  	[sflag:s23] =	ssyncadd.s32 s6;
	_ =	sdelay $0x1  }
0xa3: {  	s24 =	simm.s32 $0x1B8B  }
0xa4: {  	_ =	swait.ge [sflag:s24], $0x1  }
0xa5: {  	[sflag:s24] =	ssyncset.done $0x0  }
0xa6: {  	s25 =	simm.s32 $0x1B8E;
	[sflag:s24] =	ssyncadd.s32 $0xFFFFFFFF  }
0xa7: {  	s26 =	simm.s32 $execute0_lowered;
	[smem:$0x3FD2] =	sst s25  }
0xa8: {  	s6 =	sshll.u32 s26, $0x1;
	_ =	strace $0x80000046;
	[dreg:$0x1] =	wrdreg $0xFFFFFFFF  }
0xa9: {  	s28 =	simm.s32 $_size_execute0_lowered;
	s5 =	sadd.s32 s5, s6;
	[dreg:$0x0] =	wrdreg $0x0  }
0xaa: {  	s6 =	sshll.u32 s28, $0x1;
	[dreg:$0x2] =	wrdreg s5  }
0xab: {  	[dreg:$0x3] =	wrdreg s6  }
0xac: {  	[dreg:$0x4] =	wrdreg $0xC0  }
0xad: {  	_ =	task [dreg:s9], $0x5FFFF  }
0xae: {  	[dreg:$0x1] =	wrdreg $0xFFFFFFFF  }
0xaf: {  	[dreg:$0x0] =	wrdreg $0x60  }
0xb0: {  	[dreg:$0x2] =	wrdreg s2  }
0xb1: {  	[dreg:$0x3] =	wrdreg s19  }
0xb2: {  	[dreg:$0x4] =	wrdreg s4  }
0xb3: {  	[dreg:$0x5] =	wrdreg $0x9  }
0xb4: {  	_ =	task.clear_ibuf [dreg:s9], $0x6FFFF;
	_ =	strace $0x90000046  }
0xb5: {  	s29 =	simm.s32 $0x9;
	_ =	strace $0x80000048  }
0xb6: {  	_ =	swait.ge [sflag:s29], $0x1  }
0xb7: {  	[sflag:s29] =	ssyncadd.s32 $0xFFFFFFFF  }
0xb8: {  	_ =	strace $0x90000048  }
0xb9: {  	_ =	sfence  }
0xba: {  	s30 =	sld [smem:$0x0];
	_ =	sdelay $0x2  }
0xbb: {  	s31 =	sshll.u32 s1, $0xD;
	s1 =	sshrl.u32 s1, $0x2  }
0xbc: {  	s3 =	sand.u32 $0x4000, s31;
	s1 =	sadd.s32 s1, s30  }
0xbd: {  	s0 =	sor.u32 s3, s0;
	s1 =	sshll.u32 s1, $0x11  }
0xbe: {  	s0 =	sor.u32 s1, s0  }
0xbf: {  	s0 =	sadd.s32 $0x8F2B, s0  }
0xc0: {  	[sflag:s0] =	ssyncadd.remote.s32 $0x1  }
0xc1: {  	_ =	sfence.sel $0xFFFF  }
0xc2: {  	[dreg:$0x0] =	wrdreg $0xFFFFFFFF;
	(pc) =	sbr.abs _section_cstart, $3  }
0xc3: {  	[dreg:$0x1] =	wrdreg $0xFFFFFFFF  }
0xc4: {  	_ =	task.clear_ibuf [dreg:s9], $0x2FFFF;
	_ =	strace $0x9FFFFFFF  }
0xc5: {  	(tm) =	ssettm $0x7FFFFFFF  }
tec
execute0_lowered:
.L_overlay_start_1:
0x0: {  	(tag) =	ssettag $0x1  }
0x1: {  	s1 =	rddreg [dreg:$0x0]  }
0x2: {  	s0 =	srdreg.scid;
	s3 =	rddreg [dreg:$0x1]  }
0x3: {  	s2 =	stileid.u32;
	s6 =	rddreg [dreg:$0x2];
	s4 =	simm.s32 $0x0  }
0x4: {  	s10 =	simm.s32 $0x10F00;
	s11 =	simm.s32 $0x1;
	s12 =	simm.s32 $0x80  }
0x5: {  	s13 =	simm.s32 $0x10F80;
	s14 =	simm.s32 $0x11000;
	s15 =	simm.s32 $0x2  }
0x6: {  	s16 =	simm.s32 $0x4080;
	s0 =	sand.u32 $0x1, s0;
	s2 =	sshll.u32 s2, $0x1  }
0x7: {  	s17 =	simm.s32 $0x10200;
	s18 =	simm.s32 $0x8100;
	s2 =	sor.u32 s0, s2  }
0x8: {  	v0 =	vlaneseq.u32;
	vm0 =	vcmask $0x300;
	v7 =	vimm.s32 $0x0;
	s19 =	simm.s32 $0xC180;
	s20 =	simm.s32 $0x0;
	s5 =	smul.u32 $0xC40, s2  }
.Ltmp0:
0x9: {  	v11 =	vimm.s32 $0x186A0;
	v12 =	vimm.f32 $0.0e+00;
	vm1 =	vcmask $0x3F3C;
	[smem:$0x7FF] =	sst s4;
	s0 =	ssub.s32 $0x2, s0;
	(pc) =	sbr.rel .LBB2_1-.Ltmp0, $4  }
0xa: {  	vm2 =	vmmov $0x7fff;
	v1 =	vmul.u32 $0x20000, v0;
	v7 =	vsel vm0, $0x600000, v7;
	_ =	strace $0x80000047;
	s7 =	sshrl.u32 s0, $0x1;
	s8 =	smin.u32 s5, $0x17A60  }
0xb: {  	vm0 =	vmmov $0x1;
	v8 =	vor.u32 $0x10, v0;
	v9 =	vor.u32 $0x20, v0;
	p0 =	seq.s32 s2, $0x1F;
	s0 =	ssub.s32 s0, s7;
	s30 =	sadd.s32 $0xC40, s8  }
0xc: {  	v10 =	vor.u32 $0x30, v0;
	v5 =	vor.u32 $0x200000, v1;
	v6 =	vor.u32 $0x400000, v1;
	s31 =	sshrl.u32 s5, $0x3;
	s7 =	smax.u32 s0, $0x1;
	s9 =	ssub.s32 s30, s5  }
0xd: {  	v2 =	vmov s5;
	s5 =	sadd.s32 s6, s31;
	s6 =	sadd.s32 $0x2F78, s6;
	v3 =	vmov s30;
	v4 =	vmov s9;
	s9 =	simm.s32 $0x10E80  }
.LBB2_49:
0xe: {  	s0 =	simm.s32 @p0 $0x0;
	s2 =	simm.s32 @p0 $0x10200  }
0xf: {  	[hbm4b:s6+s0] =	stream.linear.scatter @p0 [tilespmem:s2], [sflag:$0x3], $0xAE0, $0x38;
	[tilespmem:$0x11080] =	vst v63  }
0x10: {  	s0 =	simm.s32 @p0 $0x3  }
0x11: {  	_ =	swait.ge @p0 [sflag:s0], $0xAE0  }
0x12: {  	s20 =	sadd.s32 $0x1, s20;
	s2 =	simm.s32 @!p0 $0x10200;
	[sflag:s0] =	ssyncset.done @p0 $0x0  }
0x13: {  	p1 =	sne.s32 s20, s7;
	[sflag:s0] =	ssyncadd.s32 @p0 $0xFFFFF520;
	s0 =	simm.s32 @!p0 $0x0  }
0x14: {  	[hbm4b:s5+s0] =	stream.linear.scatter @!p0 [tilespmem:s2], [sflag:$0x3], $0xC40, $0x38;
	[tilespmem:$0x11080] =	vst v63  }
.Ltmp1:
0x15: {  	_ = 	snop;
	(pc) =	sbr.rel @!p1 .LBB2_50-.Ltmp1, $4  }
0x16: {  	s0 =	simm.s32 @!p0 $0x3  }
0x17: {  	_ =	swait.ge @!p0 [sflag:s0], $0xC40  }
0x18: {  	[sflag:s0] =	ssyncset.done @!p0 $0x0  }
0x19: {  	[sflag:s0] =	ssyncadd.s32 @!p0 $0xFFFFF3C0  }
.LBB2_1:
0x1a: {  	[tilespmem:$0x10E80] =	vst v1  }
0x1b: {  	[tilespmem:$0x10E90] =	vst v5  }
0x1c: {  	[tilespmem:$0x10EA0] =	vst v6  }
0x1d: {  	[tilespmem:$0x10EB0] =	vst v7;
	s0 =	simm.s32 $0x40  }
0x1e: {  	[tilespmem:s10], [sflag:$0x1] =	stream.indirect.gather [hbm4b:s3+s0], $0x1, s9, s0, $0xb8;
	[tilespmem:$0x11080] =	vst v63  }
0x1f: {  	_ =	swait.ge [sflag:s11], $0x40  }
0x20: {  	[sflag:s11] =	ssyncset.done $0x0  }
0x21: {  	[sflag:s11] =	ssyncadd.s32 $0xFFFFFFC0  }
0x22: {  	v13 =	vld [tilespmem:$0x10F00]  }
0x23: {  	v14 =	vld [tilespmem:$0x10F10]  }
0x24: {  	v15 =	vld [tilespmem:$0x10F20];
	_ =	sdelay $0x2  }
0x25: {  	v16 =	vld [tilespmem:$0x10F30];
	_ =	sdelay $0x1  }
0x26: {  	vm3 =	vlt.s32 v13, v2;
	vm4 =	vlt.s32 v14, v2;
	vm11 =	vlt.s32 v15, v2  }
0x27: {  	vm12 =	vlt.s32 v15, v3;
	v17 =	vmpcnt.ones.xlane vm3;
	vm3 =	vlt.s32 v13, v3  }
0x28: {  	v13 =	vmpcnt.ones.xlane vm4;
	v18 =	vmpcnt.ones.xlane vm3;
	vm3 =	vlt.s32 v14, v3  }
0x29: {  	vm5 =	vlt.s32 v16, v3;
	v14 =	vmpcnt.ones.xlane vm3;
	vm3 =	vlt.s32 v16, v2  }
0x2a: {  	v13 =	vadd.s32 v17, v13;
	v17 =	vmpcnt.ones.xlane vm11;
	vm3 =	vmand vm3, vm0  }
0x2b: {  	v15 =	vmpcnt.ones.xlane vm12;
	v16 =	vmpcnt.ones.xlane vm3;
	vm3 =	vmand vm5, vm0  }
0x2c: {  	v14 =	vadd.s32 v18, v14;
	v13 =	vadd.s32 v17, v13;
	v17 =	vmpcnt.ones.xlane vm3  }
0x2d: {  	v14 =	vadd.s32 v15, v14;
	v13 =	vadd.s32 v16, v13  }
0x2e: {  	v14 =	vadd.s32 v17, v14;
	(v2sf) =	vpush v13, $0x0  }
0x2f: {  	(v2sf) =	vpush v14, $0x0;
	_ =	sdelay $0xd  }
0x30: {  	s31 =	spop (v2sf)  }
0x31: {  	s0 =	sadd.s32 $0xFFFFFFFF, s31;
	s2 =	spop (v2sf)  }
0x32: {  	p1 =	sgt.s32 s0, $0x0;
	s2 =	sadd.s32 $0xFFFFFFFF, s2  }
0x33: {  	s0 =	simm.s32 @!p1 $0x0;
	p1 =	sgt.s32 s2, $0x0  }
0x34: {  	s0 =	sshll.u32 s0, $0x6;
	s2 =	simm.s32 @!p1 $0x0  }
0x35: {  	s2 =	sshll.u32 s2, $0x6;
	v13 =	vor.u32 s0, v0  }
0x36: {  	v15 =	vor.u32 s0, v8;
	v14 =	vor.u32 s2, v0;
	vm4 =	vlt.s32 v13, $0xC35  }
0x37: {  	v13 =	vshll.u32 v13, $0xB;
	vm3 =	vlt.s32 v15, $0xC35;
	v15 =	vshll.u32 v15, $0xB  }
0x38: {  	v16 =	vor.u32 s2, v8;
	v13 =	vnsel vm4, $0x0, v13;
	vm5 =	vlt.s32 v14, $0xC35  }
0x39: {  	v14 =	vshll.u32 v14, $0xB;
	v15 =	vnsel vm3, $0x0, v15;
	vm6 =	vlt.s32 v16, $0xC35  }
0x3a: {  	v14 =	vnsel vm5, $0x0, v14;
	[tilespmem:$0x10F80] =	vst v13;
	v13 =	vshll.u32 v16, $0xB;
	v16 =	vor.u32 s0, v9  }
0x3b: {  	[tilespmem:$0x10FC0] =	vst v14;
	v13 =	vnsel vm6, $0x0, v13;
	v14 =	vor.u32 s2, v9;
	vm10 =	vlt.s32 v16, $0xC35  }
0x3c: {  	[tilespmem:$0x10F90] =	vst v15;
	v15 =	vshll.u32 v16, $0xB;
	vm8 =	vlt.s32 v14, $0xC35;
	v14 =	vshll.u32 v14, $0xB  }
0x3d: {  	[tilespmem:$0x10FD0] =	vst v13;
	v13 =	vnsel vm10, $0x0, v15;
	v15 =	vor.u32 s0, v10;
	v14 =	vnsel vm8, $0x0, v14  }
0x3e: {  	[tilespmem:$0x10FA0] =	vst v13;
	v13 =	vor.u32 s2, v10;
	vm7 =	vlt.s32 v15, $0xC35;
	v15 =	vshll.u32 v15, $0xB  }
0x3f: {  	[tilespmem:$0x10FE0] =	vst v14;
	v14 =	vnsel vm7, $0x0, v15;
	vm9 =	vlt.s32 v13, $0xC35;
	v13 =	vshll.u32 v13, $0xB  }
0x40: {  	[tilespmem:$0x10FB0] =	vst v14;
	v13 =	vnsel vm9, $0x0, v13  }
0x41: {  	[tilespmem:$0x10FF0] =	vst v13  }
0x42: {  	[tilespmem:s14], [sflag:$0x2] =	stream.indirect.gather [hbm4b:s3+s12], $0x1, s13, s12, $0xb8;
	[tilespmem:$0x11080] =	vst v63  }
0x43: {  	_ =	swait.ge [sflag:s15], $0x80  }
0x44: {  	[sflag:s15] =	ssyncset.done $0x0  }
0x45: {  	[sflag:s15] =	ssyncadd.s32 $0xFFFFFF80  }
0x46: {  	v13 =	vld [tilespmem:$0x11000]  }
0x47: {  	v14 =	vld [tilespmem:$0x11040]  }
0x48: {  	v15 =	vld [tilespmem:$0x11010]  }
0x49: {  	v17 =	vld [tilespmem:$0x11020]  }
0x4a: {  	v20 =	vld [tilespmem:$0x11070]  }
0x4b: {  	v16 =	vld [tilespmem:$0x11050]  }
0x4c: {  	v18 =	vld [tilespmem:$0x11060];
	_ =	sdelay $0x1  }
0x4d: {  	[tilespmem:$0x8080] =	vst v11;
	vm11 =	vlt.s32 v13, v2  }
0x4e: {  	s8 =	simm.s32 $0x10240;
	v19 =	vld [tilespmem:$0x11030];
	[tilespmem:$0x10180] =	vst v11;
	vm12 =	vlt.s32 v14, v3;
	vm13 =	vlt.s32 v17, v2;
	vm14 =	vlt.s32 v20, v3  }
0x4f: {  	[tilespmem:s8+$0xFFFFFFC0] =	vst v12;
	vm4 =	vmand vm4, vm11;
	vm5 =	vmand vm5, vm12;
	vm11 =	vlt.s32 v15, v2  }
0x50: {  	[tilespmem:s8+$0x30] =	vst v12;
	vm12 =	vlt.s32 v16, v3;
	vm10 =	vmand vm10, vm13;
	vm13 =	vlt.s32 v18, v3  }
0x51: {  	[tilespmem:s8+$0x20] =	vst v12;
	vm15 =	vmand vm9, vm14;
	vm3 =	vmand vm3, vm11;
	vm6 =	vmand vm6, vm12  }
0x52: {  	[tilespmem:s8+$0x10] =	vst v12;
	v13 =	vmpcnt.ones.xlane vm4;
	v14 =	vmpcnt.ones.xlane vm5;
	vm4 =	vmand vm8, vm13  }
0x53: {  	[tilespmem:s8+$0x0] =	vst v12;
	v17 =	vmpcnt.ones.xlane vm10;
	v15 =	vmpcnt.ones.xlane vm3;
	vm3 =	vlt.s32 v19, v2  }
0x54: {  	[tilespmem:s8+$0xFFFFFFF0] =	vst v12;
	v20 =	vmpcnt.ones.xlane vm15;
	v16 =	vmpcnt.ones.xlane vm6;
	vm3 =	vmand vm7, vm3  }
0x55: {  	s21 =	simm.s32 $0x0;
	[tilespmem:s8+$0xFFFFFFE0] =	vst v12;
	v18 =	vmpcnt.ones.xlane vm4;
	v19 =	vmpcnt.ones.xlane vm3  }
.LBB2_2:
0x56: {  	s21 =	sadd.s32 $0x8, s21;
	[tilespmem:s8+$0xFFFFFFD0] =	vst v12;
	s8 =	sadd.s32 $0x80, s8  }
0x57: {  	[tilespmem:s8+$0xFFFFFFC0] =	vst v12;
	p1 =	slt.u32 s21, $0xB8  }
0x58: {  	[tilespmem:s8+$0x30] =	vst v12  }
.Ltmp2:
0x59: {  	[tilespmem:s8+$0x20] =	vst v12;
	(pc) =	sbr.rel @p1 .LBB2_2-.Ltmp2, $4  }
0x5a: {  	[tilespmem:s8+$0x10] =	vst v12  }
0x5b: {  	[tilespmem:s8+$0x0] =	vst v12  }
0x5c: {  	[tilespmem:s8+$0xFFFFFFF0] =	vst v12  }
0x5d: {  	[tilespmem:s8+$0xFFFFFFE0] =	vst v12  }
0x5e: {  	[tilespmem:s8+$0xFFFFFFD0] =	vst v12;
	s8 =	simm.s32 $0x0  }
.LBB2_4:
0x5f: {  	p1 =	sne.s32 s8, $0xC0  }
.Ltmp3:
0x60: {  	_ = 	snop;
	(pc) =	sbr.rel @p1 .LBB2_4-.Ltmp3, $3  }
0x61: {  	_ =	sdelay $0x1  }
0x62: {  	s21 =	sshra.s32 s8, $0x2  }
0x63: {  	s8 =	sadd.s32 $0x40, s8;
	[tilespmem:s21+$0x10E00] =	vst v12  }
0x64: {  	v13 =	vadd.s32 v13, v15  }
0x65: {  	v14 =	vadd.s32 v14, v16;
	v13 =	vadd.s32 v17, v13  }
0x66: {  	v14 =	vadd.s32 v18, v14;
	v13 =	vadd.s32 v19, v13  }
0x67: {  	v14 =	vadd.s32 v20, v14;
	(v2sf) =	vpush v13, $0x0  }
0x68: {  	(v2sf) =	vpush v14, $0x0;
	_ =	sdelay $0xd  }
0x69: {  	s8 =	spop (v2sf)  }
0x6a: {  	s0 =	sadd.s32 s0, s8;
	s29 =	spop (v2sf)  }
0x6b: {  	s2 =	sadd.s32 s2, s29;
	s0 =	sshll.u32 s0, $0xB  }
0x6c: {  	s21 =	sadd.s32 $0xFFFFF800, s0;
	s23 =	sshll.u32 s2, $0xB  }
0x6d: {  	p1 =	sgt.s32 s21, $0x0;
	p2 =	slt.s32 s23, $0x61A800  }
0x6e: {  	s21 =	simm.s32 @!p1 $0x0;
	s23 =	simm.s32 @!p2 $0x61A800  }
0x6f: {  	s30 =	ssub.s32 s23, s21  }
0x70: {  	s31 =	sadd.s32 $0x3FEF, s30  }
0x71: {  	s25 =	smulhi.u32 $0x80200803, s31;
	s22 =	sshra.s32 s31, $0x1F  }
0x72: {  	s28 =	smin.u32 s21, $0x616800;
	s24 =	smul.u32 $0x80200803, s22  }
0x73: {  	s29 =	sshrl.u32 s28, $0x3;
	s0 =	ssub.s32 s25, s30  }
0x74: {  	s30 =	sadd.s32 s1, s29;
	s0 =	sadd.s32 s24, s0  }
0x75: {  	[tilespmem:s4], [sflag:$0x1] =	stream.linear.gather [hbm4b:s30+s4], $0x4000, $0x38;
	[tilespmem:$0x11080] =	vst v63  }
0x76: {  	s0 =	sadd.s32 s31, s0  }
0x77: {  	s0 =	sadd.s32 $0xFFFFC011, s0  }
0x78: {  	s26 =	sshrl.u32 s0, $0x1F;
	s0 =	sshra.s32 s0, $0xD  }
0x79: {  	s0 =	sadd.s32 s26, s0  }
0x7a: {  	s22 =	sadd.s32 s22, s0  }
0x7b: {  	p2 =	slt.s32 s22, $0x2  }
.Ltmp4:
0x7c: {  	s31 =	sadd.s32 s3, s29;
	(pc) =	sbr.rel @p2 .LBB2_29-.Ltmp4, $4  }
0x7d: {  	[tilespmem:s16], [sflag:$0x1] =	stream.linear.gather [hbm4b:s31+s4], $0x4000, $0x38;
	[tilespmem:$0x11080] =	vst v63  }
0x7e: {  	p1 =	sgt.s32 s22, $0x1  }
0x7f: {  	s22 =	simm.s32 @!p1 $0x1  }
0x80: {  	s24 =	sadd.s32 $0xFFFFFFFF, s22  }
.Ltmp5:
0x81: {  	(pc) =	sbr.rel .LBB2_7-.Ltmp5, $2  }
0x82: {  	_ =	sdelay $0x2  }
0x83: {  	s25 =	sadd.s32 $0xFFFFF800, s23;
	s26 =	smax.u32 s24, $0x1;
	s28 =	simm.s32 $0x0  }
.LBB2_28:
0x84: {  	p1 =	sne.s32 s28, s26  }
.Ltmp6:
0x85: {  	_ = 	snop;
	(pc) =	sbr.rel @!p1 .LBB2_29-.Ltmp6, $1  }
0x86: {  	_ =	sdelay $0x3  }
.LBB2_7:
0x87: {  	s2 =	smov.u32 s28  }
0x88: {  	s28 =	sadd.s32 $0x1, s28;
	s8 =	sand.u32 $0x1, s2  }
0x89: {  	s0 =	smul.u32 $0x3FF0, s28;
	p2 =	seq.s32 s8, $0x0  }
.Ltmp7:
0x8a: {  	_ = 	snop;
	(pc) =	sbr.rel @p2 .LBB2_9-.Ltmp7, $4  }
0x8b: {  	_ = 	snop  }
0x8c: {  	s0 =	sadd.s32 s21, s0  }
0x8d: {  	p1 =	seq.s32 s2, $0x0;
	p3 =	sgt.s32 s0, s25  }
0x8e: {  	p1 =	por p1, p3;
	p3 =	slt.s32 s0, $0x616800  }
.Ltmp8:
0x8f: {  	(pc) =	sbr.rel .LBB2_19-.Ltmp8, $4  }
0x90: {  	_ = 	snop  }
0x91: {  	s0 =	simm.s32 @!p3 $0x616800  }
0x92: {  	s0 =	sshrl.u32 s0, $0x3  }
0x93: {  	s29 =	sadd.s32 s1, s0;
	s30 =	sadd.s32 s3, s0  }
.LBB2_9:
0x94: {  	_ =	swait.ge [sflag:s11], $0x4000  }
0x95: {  	[sflag:s11] =	ssyncset.done $0x0  }
0x96: {  	[sflag:s11] =	ssyncadd.s32 $0xFFFFC000  }
0x97: {  	s0 =	simm.s32 @!p3 $0x616800;
	_ =	swait.ge [sflag:s11], $0x4000  }
.Ltmp9:
0x98: {  	s0 =	sshrl.u32 s0, $0x3;
	[sflag:s11] =	ssyncset.done $0x0;
	(pc) =	sbr.rel @!p1 .LBB2_10-.Ltmp9, $4  }
0x99: {  	s31 =	simm.s32 $0x40C0;
	s29 =	sadd.s32 s1, s0;
	[sflag:s11] =	ssyncadd.s32 $0xFFFFC000  }
0x9a: {  	[tilespmem:s18], [sflag:$0x2] =	stream.linear.gather [hbm4b:s29+s4], $0x4000, $0x38;
	[tilespmem:$0x11080] =	vst v63  }
0x9b: {  	s2 =	simm.s32 $0x40;
	s30 =	sadd.s32 s3, s0;
	s0 =	simm.s32 $0xFFFFFFF8  }
0x9c: {  	[tilespmem:s19], [sflag:$0x2] =	stream.linear.gather [hbm4b:s30+s4], $0x4000, $0x38;
	[tilespmem:$0x11080] =	vst v63  }
0x9d: {  	v14 =	vld [tilespmem:s2+$0x30]  }
0x9e: {  	v16 =	vld [tilespmem:s31+$0x30]  }
0x9f: {  	v17 =	vld [tilespmem:s31+$0x31]  }
0xa0: {  	v15 =	vld [tilespmem:s2+$0xFFFFFFC0]  }
0xa1: {  	v18 =	vld [tilespmem:s31+$0xFFFFFFC1]  }
0xa2: {  	v19 =	vld [tilespmem:s31+$0xFFFFFFC0]  }
0xa3: {  	v20 =	vld [tilespmem:s31+$0x21]  }
0xa4: {  	v21 =	vld [tilespmem:s31+$0x20]  }
0xa5: {  	v13 =	vld [tilespmem:s2+$0x20];
	_ =	sdelay $0x1  }
0xa6: {  	(xrf2) =	vadd.scan.msk.f32 $0xffff, v15  }
0xa7: {  	v22 =	vld [tilespmem:s2+$0x0];
	v24 =	vsub.s32 v18, v2;
	(xrf2) =	vadd.scan.msk.f32 $0xffff, v14  }
0xa8: {  	v23 =	vld [tilespmem:s31+$0x10];
	vm4 =	vne.s32 v19, v18;
	vm6 =	vne.s32 v16, v17;
	vm3 =	vne.s32 v21, v20  }
0xa9: {  	v25 =	vld [tilespmem:s31+$0xFFFFFFE1];
	v26 =	vsub.s32 v16, v2;
	vm5 =	vmor vm4, vm1;
	(xrf2) =	vadd.scan.msk.f32 $0xffff, v13;
	v13 =	vsub.s32 v19, v2  }
0xaa: {  	v27 =	vld [tilespmem:s2+$0xFFFFFFF0];
	vm7 =	vlt.u32 v24, v4;
	vm8 =	vmor vm6, vm1;
	vm10 =	vlt.u32 v13, v4  }
0xab: {  	v29 =	vld [tilespmem:s31+$0x0];
	vm4 =	vmand vm4, vm7;
	vm7 =	vlt.u32 v26, v4;
	vm5 =	vmand vm10, vm5  }
0xac: {  	v18 =	vld [tilespmem:s2+$0x10];
	v21 =	vsub.s32 v21, v2;
	v28 =	vsub.s32 v17, v2;
	vm7 =	vmand vm7, vm8  }
0xad: {  	v14 =	vld [tilespmem:s31+$0x11];
	vm9 =	vmor vm3, vm1;
	vm8 =	vlt.u32 v21, v4;
	vm10 =	vlt.u32 v28, v4  }
0xae: {  	v15 =	vld [tilespmem:s2+$0xFFFFFFE0];
	vm8 =	vmand vm8, vm9;
	vm6 =	vmand vm6, vm10  }
0xaf: {  	v16 =	vld [tilespmem:s31+$0xFFFFFFE0];
	v20 =	vsub.s32 v20, v2;
	vm6 =	vmand vm6, vm2  }
0xb0: {  	v17 =	vld [tilespmem:s31+$0x1];
	v32 =	vsub.s32 v23, v2;
	vm4 =	vmand vm4, vm2;
	(xrf2) =	vadd.scan.msk.f32 $0xffff, v22;
	vm9 =	vlt.u32 v20, v4;
	v22, _, _ =	vpop (xrf2)  }
0xb1: {  	(xrf2) =	vadd.scan.msk.f32 $0xffff, v18;
	vm3 =	vmand vm3, vm9;
	v30, _, _ =	vpop (xrf2);
	v31 =	vsub.f32 $0.0e+00, v22;
	[tilespmem:v13+s17+$0x0] =	vst.idx.add.f32.msk vm5, v22  }
0xb2: {  	vm5 =	vmand vm3, vm2;
	vm3 =	vlt.u32 v32, v4;
	[tilespmem:v26+s17+$0x0] =	vst.idx.add.f32.msk vm7, v30;
	vm7 =	vne.s32 v23, v14  }
0xb3: {  	v19 =	vld [tilespmem:s31+$0xFFFFFFF0];
	(xrf2) =	vadd.scan.msk.f32 $0xffff, v27;
	v13 =	vsub.f32 $0.0e+00, v30;
	v22, _, _ =	vpop (xrf2);
	v14 =	vsub.s32 v14, v2;
	vm9 =	vmor vm7, vm1  }
0xb4: {  	[tilespmem:v21+s17+$0x0] =	vst.idx.add.f32.msk vm8, v22;
	v21 =	vsub.f32 $0.0e+00, v22;
	vm10 =	vmand vm3, vm9;
	vm3 =	vlt.u32 v14, v4  }
0xb5: {  	v22 =	vsub.s32 v29, v2;
	[tilespmem:v28+s17+$0x0] =	vst.idx.add.f32.msk vm6, v13;
	vm6 =	vmand vm7, vm3;
	vm7 =	vne.s32 v29, v17  }
0xb6: {  	v18 =	vld [tilespmem:s31+$0xFFFFFFF1];
	vm8 =	vlt.u32 v22, v4;
	vm9 =	vmor vm7, vm1  }
0xb7: {  	v23 =	vld [tilespmem:s31+$0xFFFFFFD1];
	vm9 =	vmand vm8, vm9  }
0xb8: {  	v26 =	vld [tilespmem:s31+$0xFFFFFFD0]  }
0xb9: {  	[tilespmem:v24+s17+$0x0] =	vst.idx.add.f32.msk vm4, v31;
	v13 =	vsub.s32 v25, v2  }
0xba: {  	vm4 =	vne.s32 v16, v25;
	v24 =	vld [tilespmem:s2+$0xFFFFFFD0];
	v25, _, _ =	vpop (xrf2);
	vm3 =	vlt.u32 v13, v4  }
0xbb: {  	vm3 =	vmand vm4, vm3;
	[tilespmem:v20+s17+$0x0] =	vst.idx.add.f32.msk vm5, v21;
	v21, _, _ =	vpop (xrf2)  }
0xbc: {  	s0 =	sadd.s32 $0x8, s0;
	vm5 =	vne.s32 v19, v18;
	v20 =	vsub.f32 $0.0e+00, v25;
	[tilespmem:v32+s17+$0x0] =	vst.idx.add.f32.msk vm10, v21;
	v21 =	vsub.f32 $0.0e+00, v21  }
.LBB2_15:
0xbd: {  	s0 =	sadd.s32 $0x8, s0;
	v27 =	vsub.s32 v23, v2;
	[tilespmem:v22+s17+$0x0] =	vst.idx.add.f32.msk vm9, v25;
	s31 =	sadd.s32 $0x80, s31;
	s2 =	sadd.s32 $0x80, s2  }
0xbe: {  	v22 =	vld [tilespmem:s2+$0x0];
	p3 =	slt.u32 s0, $0x3F0;
	v25 =	vsub.s32 v26, v2;
	vm9 =	vne.s32 v26, v23;
	vm8 =	vlt.u32 v27, v4;
	v23, _, _ =	vpop (xrf2)  }
0xbf: {  	v26 =	vld [tilespmem:s31+$0x10];
	vm10 =	vlt.u32 v25, v4;
	vm8 =	vmand vm9, vm8;
	v28 =	vsub.f32 $0.0e+00, v23  }
0xc0: {  	v29 =	vld [tilespmem:s31+$0x11];
	(xrf2) =	vadd.scan.msk.f32 $0xffff, v15  }
0xc1: {  	v30 =	vld [tilespmem:s2+$0x20]  }
0xc2: {  	vm6 =	vmand vm6, vm2;
	v15 =	vsub.s32 v19, v2;
	v31 =	vld [tilespmem:s2+$0x30]  }
0xc3: {  	vm12 =	vmor vm5, vm1;
	v17 =	vsub.s32 v17, v2;
	vm11 =	vlt.u32 v15, v4;
	v19 =	vld [tilespmem:s31+$0x30];
	(xrf2) =	vadd.scan.msk.f32 $0xffff, v24  }
0xc4: {  	vm4 =	vmor vm4, vm1;
	vm11 =	vmand vm11, vm12;
	vm12 =	vlt.u32 v17, v4;
	v24 =	vld [tilespmem:s31+$0x31]  }
0xc5: {  	v16 =	vsub.s32 v16, v2;
	v18 =	vsub.s32 v18, v2;
	vm7 =	vmand vm7, vm12;
	v32 =	vld [tilespmem:s2+$0xFFFFFFC0]  }
0xc6: {  	vm13 =	vlt.u32 v18, v4;
	vm12 =	vlt.u32 v16, v4;
	vm7 =	vmand vm7, vm2;
	v33 =	vld [tilespmem:s31+$0x21]  }
0xc7: {  	vm9 =	vmor vm9, vm1;
	vm5 =	vmand vm5, vm13;
	vm4 =	vmand vm12, vm4;
	v34 =	vld [tilespmem:s31+$0xFFFFFFC1]  }
0xc8: {  	vm9 =	vmand vm10, vm9;
	v35 =	vld [tilespmem:s31+$0xFFFFFFC0]  }
0xc9: {  	vm5 =	vmand vm5, vm2;
	[tilespmem:v14+s17+$0x0] =	vst.idx.add.f32.msk vm6, v21  }
0xca: {  	[tilespmem:v15+s17+$0x0] =	vst.idx.add.f32.msk vm11, v23;
	v14, _, _ =	vpop (xrf2)  }
0xcb: {  	vm10 =	vmand vm3, vm2;
	v21 =	vld [tilespmem:s31+$0x20]  }
0xcc: {  	vm6 =	vmand vm8, vm2;
	[tilespmem:v17+s17+$0x0] =	vst.idx.add.f32.msk vm7, v20  }
0xcd: {  	v20 =	vsub.s32 v34, v2;
	(xrf2) =	vadd.scan.msk.f32 $0xffff, v32;
	[tilespmem:v16+s17+$0x0] =	vst.idx.add.f32.msk vm4, v14;
	v14 =	vsub.f32 $0.0e+00, v14;
	v15, _, _ =	vpop (xrf2)  }
0xce: {  	vm7 =	vne.s32 v35, v34;
	v32 =	vsub.s32 v33, v2;
	[tilespmem:v25+s17+$0x0] =	vst.idx.add.f32.msk vm9, v15;
	v16 =	vsub.f32 $0.0e+00, v15  }
0xcf: {  	vm4 =	vne.s32 v19, v24;
	vm8 =	vmor vm7, vm1;
	vm3 =	vlt.u32 v32, v4;
	[tilespmem:v18+s17+$0x0] =	vst.idx.add.f32.msk vm5, v28  }
0xd0: {  	vm9 =	vlt.u32 v20, v4;
	vm11 =	vmor vm4, vm1;
	v15 =	vld [tilespmem:s2+$0xFFFFFFE0];
	vm5 =	vne.s32 v21, v33;
	(xrf2) =	vadd.scan.msk.f32 $0xffff, v31  }
0xd1: {  	v23 =	vsub.s32 v35, v2;
	vm9 =	vmand vm7, vm9;
	vm7 =	vmor vm5, vm1;
	[tilespmem:v13+s17+$0x0] =	vst.idx.add.f32.msk vm10, v14  }
0xd2: {  	v28 =	vsub.s32 v19, v2;
	vm10 =	vlt.u32 v23, v4;
	v14 =	vsub.s32 v29, v2;
	v25 =	vld [tilespmem:s31+$0xFFFFFFE1]  }
0xd3: {  	v31 =	vsub.s32 v26, v2;
	vm12 =	vlt.u32 v14, v4;
	(xrf2) =	vadd.scan.msk.f32 $0xffff, v30;
	[tilespmem:v27+s17+$0x0] =	vst.idx.add.f32.msk vm6, v16  }
0xd4: {  	vm14 =	vlt.u32 v28, v4;
	vm13 =	vlt.u32 v31, v4;
	vm6 =	vne.s32 v26, v29;
	v13 =	vld [tilespmem:s2+$0x10]  }
0xd5: {  	v21 =	vsub.s32 v21, v2;
	vm11 =	vmand vm14, vm11;
	vm15 =	vmor vm6, vm1;
	v26 =	vld [tilespmem:s2+$0xFFFFFFF0]  }
0xd6: {  	v24 =	vsub.s32 v24, v2;
	vm10 =	vmand vm10, vm8;
	vm8 =	vmand vm13, vm15;
	v16 =	vld [tilespmem:s31+$0xFFFFFFE0];
	(xrf2) =	vadd.scan.msk.f32 $0xffff, v22  }
0xd7: {  	vm9 =	vmand vm9, vm2;
	vm14 =	vlt.u32 v24, v4;
	vm13 =	vlt.u32 v21, v4;
	v17 =	vld [tilespmem:s31+$0x1];
	v22, _, _ =	vpop (xrf2)  }
0xd8: {  	vm4 =	vmand vm4, vm14;
	vm13 =	vmand vm13, vm7;
	v27 =	vsub.f32 $0.0e+00, v22;
	v29 =	vld [tilespmem:s31+$0x0]  }
0xd9: {  	vm5 =	vmand vm5, vm3;
	vm6 =	vmand vm6, vm12;
	vm12 =	vmand vm4, vm2;
	v19 =	vld [tilespmem:s31+$0xFFFFFFF0];
	(xrf2) =	vadd.scan.msk.f32 $0xffff, v13  }
0xda: {  	v13 =	vsub.s32 v25, v2;
	v18 =	vld [tilespmem:s31+$0xFFFFFFF1];
	v30, _, _ =	vpop (xrf2)  }
0xdb: {  	vm3 =	vlt.u32 v13, v4;
	vm4 =	vne.s32 v16, v25;
	[tilespmem:v28+s17+$0x0] =	vst.idx.add.f32.msk vm11, v30  }
0xdc: {  	[tilespmem:v23+s17+$0x0] =	vst.idx.add.f32.msk vm10, v22;
	vm3 =	vmand vm4, vm3;
	vm10 =	vmand vm5, vm2;
	(xrf2) =	vadd.scan.msk.f32 $0xffff, v26  }
0xdd: {  	[tilespmem:v20+s17+$0x0] =	vst.idx.add.f32.msk vm9, v27;
	v22 =	vsub.s32 v29, v2;
	vm7 =	vne.s32 v29, v17;
	v20 =	vsub.f32 $0.0e+00, v30;
	v25, _, _ =	vpop (xrf2)  }
0xde: {  	vm9 =	vlt.u32 v22, v4;
	vm11 =	vmor vm7, vm1;
	[tilespmem:v21+s17+$0x0] =	vst.idx.add.f32.msk vm13, v25  }
0xdf: {  	vm5 =	vne.s32 v19, v18;
	vm9 =	vmand vm9, vm11;
	[tilespmem:v24+s17+$0x0] =	vst.idx.add.f32.msk vm12, v20  }
.Ltmp10:
0xe0: {  	v20 =	vsub.f32 $0.0e+00, v25;
	v23 =	vld [tilespmem:s31+$0xFFFFFFD1];
	v25, _, _ =	vpop (xrf2);
	(pc) =	sbr.rel @p3 .LBB2_15-.Ltmp10, $4  }
0xe1: {  	v26 =	vld [tilespmem:s31+$0xFFFFFFD0]  }
0xe2: {  	[tilespmem:v32+s17+$0x0] =	vst.idx.add.f32.msk vm10, v20  }
0xe3: {  	v24 =	vld [tilespmem:s2+$0xFFFFFFD0];
	v21, _, _ =	vpop (xrf2)  }
0xe4: {  	s8 =	simm.s32 $0x0;
	v20 =	vsub.f32 $0.0e+00, v25;
	[tilespmem:v31+s17+$0x0] =	vst.idx.add.f32.msk vm8, v21;
	v21 =	vsub.f32 $0.0e+00, v21  }
0xe5: {  	_ = 	snop  }
0xe6: {  	(xrf2) =	vadd.scan.msk.f32 $0xffff, v15;
	v15 =	vsub.s32 v19, v2;
	vm6 =	vmand vm6, vm2;
	v17 =	vsub.s32 v17, v2  }
0xe7: {  	vm12 =	vmor vm5, vm1;
	vm4 =	vmor vm4, vm1;
	v16 =	vsub.s32 v16, v2  }
0xe8: {  	v18 =	vsub.s32 v18, v2;
	vm11 =	vlt.u32 v15, v4;
	vm13 =	vlt.u32 v17, v4;
	(xrf2) =	vadd.scan.msk.f32 $0xffff, v24  }
0xe9: {  	v61 =	vsub.s32 v23, v2;
	vm11 =	vmand vm11, vm12;
	vm7 =	vmand vm7, vm13  }
0xea: {  	vm12 =	vlt.u32 v16, v4;
	vm13 =	vlt.u32 v18, v4;
	vm7 =	vmand vm7, vm2  }
0xeb: {  	vm3 =	vmand vm3, vm2;
	vm4 =	vmand vm12, vm4;
	vm13 =	vmand vm5, vm13  }
0xec: {  	v27 =	vsub.s32 v26, v2;
	vm8 =	vne.s32 v26, v23;
	vm5 =	vmand vm13, vm2  }
0xed: {  	[tilespmem:v22+s17+$0x0] =	vst.idx.add.f32.msk vm9, v25;
	vm14 =	vlt.u32 v61, v4;
	vm10 =	vlt.u32 v27, v4;
	vm12 =	vmor vm8, vm1  }
0xee: {  	v62, _, _ =	vpop (xrf2);
	vm8 =	vmand vm8, vm14;
	vm10 =	vmand vm10, vm12;
	[tilespmem:v14+s17+$0x0] =	vst.idx.add.f32.msk vm6, v21  }
0xef: {  	vm15 =	vmand vm8, vm2;
	[tilespmem:v15+s17+$0x0] =	vst.idx.add.f32.msk vm11, v62  }
0xf0: {  	v15 =	vsub.f32 $0.0e+00, v62;
	[tilespmem:v17+s17+$0x0] =	vst.idx.add.f32.msk vm7, v20;
	v14, _, _ =	vpop (xrf2)  }
0xf1: {  	[tilespmem:v16+s17+$0x0] =	vst.idx.add.f32.msk vm4, v14;
	v14 =	vsub.f32 $0.0e+00, v14  }
0xf2: {  	[tilespmem:v18+s17+$0x0] =	vst.idx.add.f32.msk vm5, v15;
	v63, _, _ =	vpop (xrf2)  }
0xf3: {  	[tilespmem:v13+s17+$0x0] =	vst.idx.add.f32.msk vm3, v14;
	v16 =	vsub.f32 $0.0e+00, v63  }
0xf4: {  	[tilespmem:v27+s17+$0x0] =	vst.idx.add.f32.msk vm10, v63  }
0xf5: {  	[tilespmem:v61+s17+$0x0] =	vst.idx.add.f32.msk vm15, v16  }
.LBB2_17:
0xf6: {  	s0 =	sshra.s32 s8, $0x2  }
0xf7: {  	v13 =	vld [tilespmem:s0+$0x3F80];
	_ =	sdelay $0x2  }
0xf8: {  	v14 =	vld [tilespmem:s0+$0x8000]  }
0xf9: {  	v15 =	vld [tilespmem:s0+$0x8001]  }
0xfa: {  	(xrf2) =	vadd.scan.msk.f32 $0xffff, v13;
	_ =	sdelay $0x3  }
0xfb: {  	v13 =	vsub.s32 v14, v2;
	v16 =	vsub.s32 v15, v2;
	vm3 =	vne.s32 v14, v15  }
0xfc: {  	vm4 =	vlt.u32 v13, v4;
	vm5 =	vlt.u32 v16, v4;
	vm6 =	vmor vm3, vm1  }
0xfd: {  	vm4 =	vmand vm4, vm6;
	vm3 =	vmand vm3, vm5  }
0xfe: {  	vm3 =	vmand vm3, vm2  }
0xff: {  	p3 =	sne.s32 s8, $0x180  }
.Ltmp11:
0x100: {  	_ = 	snop;
	(pc) =	sbr.rel @p3 .LBB2_17-.Ltmp11, $4  }
0x101: {  	v14, _, _ =	vpop (xrf2)  }
0x102: {  	v15 =	vsub.f32 $0.0e+00, v14  }
0x103: {  	[tilespmem:v13+s17+$0x0] =	vst.idx.add.f32.msk vm4, v14  }
0x104: {  	s8 =	sadd.s32 $0x40, s8;
	[tilespmem:v16+s17+$0x0] =	vst.idx.add.f32.msk vm3, v15  }
.Ltmp12:
0x105: {  	_ = 	snop;
	(pc) =	sbr.rel .LBB2_18-.Ltmp12, $1  }
0x106: {  	_ =	sdelay $0x3  }
.LBB2_10:
0x107: {  	v14 =	vld [tilespmem:s31+$0x30]  }
0x108: {  	v16 =	vld [tilespmem:s31+$0x31]  }
0x109: {  	v15 =	vld [tilespmem:s31+$0xFFFFFFC1]  }
0x10a: {  	v17 =	vld [tilespmem:s2+$0xFFFFFFC0]  }
0x10b: {  	v18 =	vld [tilespmem:s31+$0xFFFFFFC0]  }
0x10c: {  	v19 =	vld [tilespmem:s2+$0x30]  }
0x10d: {  	v13 =	vld [tilespmem:s31+$0xFFFFFFD1]  }
0x10e: {  	v20 =	vld [tilespmem:s2+$0x20]  }
0x10f: {  	v21 =	vld [tilespmem:s2+$0x10];
	(xrf2) =	vadd.scan.msk.f32 $0xffff, v17  }
0x110: {  	v22 =	vld [tilespmem:s2+$0x0]  }
0x111: {  	v23 =	vld [tilespmem:s2+$0xFFFFFFF0];
	(xrf2) =	vadd.scan.msk.f32 $0xffff, v19  }
0x112: {  	v24 =	vld [tilespmem:s2+$0xFFFFFFE0]  }
0x113: {  	v25 =	vld [tilespmem:s2+$0xFFFFFFD0];
	vm3 =	vne.s32 v18, v15  }
0x114: {  	v26 =	vld [tilespmem:s31+$0x11];
	vm4 =	vmor vm3, vm1  }
0x115: {  	v27 =	vld [tilespmem:s31+$0x21];
	v17 =	vsub.s32 v18, v2;
	vm5 =	vne.s32 v14, v16  }
0x116: {  	v18 =	vld [tilespmem:s31+$0x10];
	vm6 =	vmor vm5, vm1;
	(xrf2) =	vadd.scan.msk.f32 $0xffff, v21  }
0x117: {  	v28 =	vsub.s32 v14, v2;
	v14 =	vld [tilespmem:s31+$0xFFFFFFE1];
	vm3 =	vmand vm3, vm2  }
0x118: {  	v19 =	vsub.s32 v15, v2;
	v21 =	vld [tilespmem:s31+$0x20];
	(xrf2) =	vadd.scan.msk.f32 $0xffff, v20  }
0x119: {  	v15 =	vld [tilespmem:s31+$0xFFFFFFF1];
	v20, _, _ =	vpop (xrf2)  }
0x11a: {  	[tilespmem:v17+s17+$0x0] =	vst.idx.add.f32.msk vm4, v20  }
0x11b: {  	(xrf2) =	vadd.scan.msk.f32 $0xffff, v24;
	v17 =	vsub.f32 $0.0e+00, v20;
	v20 =	vld [tilespmem:s31+$0xFFFFFFE0];
	v29, _, _ =	vpop (xrf2)  }
0x11c: {  	vm8 =	vmand vm5, vm2;
	vm4 =	vne.s32 v18, v26;
	[tilespmem:v28+s17+$0x0] =	vst.idx.add.f32.msk vm6, v29  }
0x11d: {  	v16 =	vsub.s32 v16, v2;
	vm7 =	vmor vm4, vm1;
	[tilespmem:v19+s17+$0x0] =	vst.idx.add.f32.msk vm3, v17;
	vm3 =	vne.s32 v21, v27  }
0x11e: {  	v18 =	vsub.s32 v18, v2;
	(xrf2) =	vadd.scan.msk.f32 $0xffff, v22;
	v17 =	vld [tilespmem:s31+$0x1];
	vm9 =	vmor vm3, vm1  }
0x11f: {  	v63 =	vsub.s32 v21, v2;
	v21 =	vld [tilespmem:s31+$0x0];
	vm6 =	vmand vm3, vm2  }
0x120: {  	v22 =	vsub.s32 v27, v2;
	v24, _, _ =	vpop (xrf2);
	v29 =	vsub.f32 $0.0e+00, v29;
	(xrf2) =	vadd.scan.msk.f32 $0xffff, v23;
	v23 =	vld [tilespmem:s31+$0xFFFFFFD0]  }
0x121: {  	v19 =	vld [tilespmem:s31+$0xFFFFFFF0]  }
0x122: {  	vm4 =	vmand vm4, vm2;
	v27, _, _ =	vpop (xrf2);
	(xrf2) =	vadd.scan.msk.f32 $0xffff, v25;
	[tilespmem:v16+s17+$0x0] =	vst.idx.add.f32.msk vm8, v29;
	vm5 =	vne.s32 v20, v14  }
0x123: {  	v16 =	vsub.s32 v20, v2;
	v20 =	vsub.f32 $0.0e+00, v24;
	[tilespmem:v18+s17+$0x0] =	vst.idx.add.f32.msk vm7, v24;
	v24 =	vsub.f32 $0.0e+00, v27  }
0x124: {  	s0 =	simm.s32 $0x0;
	vm3 =	vmor vm5, vm1;
	v18 =	vsub.s32 v26, v2;
	vm8 =	vne.s32 v21, v17;
	[tilespmem:v63+s17+$0x0] =	vst.idx.add.f32.msk vm9, v27  }
.LBB2_11:
0x125: {  	s0 =	sadd.s32 $0x8, s0;
	vm7 =	vmor vm8, vm1;
	[tilespmem:v22+s17+$0x0] =	vst.idx.add.f32.msk vm6, v24;
	s31 =	sadd.s32 $0x80, s31;
	s2 =	sadd.s32 $0x80, s2;
	v22, _, _ =	vpop (xrf2)  }
0x126: {  	v21 =	vsub.s32 v21, v2;
	v24 =	vld [tilespmem:s31+$0x30];
	p3 =	slt.u32 s0, $0x3F0  }
0x127: {  	vm9 =	vne.s32 v19, v15;
	vm6 =	vmand vm8, vm2;
	v25 =	vld [tilespmem:s31+$0x31]  }
0x128: {  	v17 =	vsub.s32 v17, v2;
	vm8 =	vmor vm9, vm1;
	v26 =	vld [tilespmem:s31+$0xFFFFFFC1];
	v27, _, _ =	vpop (xrf2)  }
0x129: {  	v19 =	vsub.s32 v19, v2;
	v28 =	vld [tilespmem:s31+$0xFFFFFFC0];
	vm10 =	vne.s32 v23, v13;
	v23 =	vsub.s32 v23, v2  }
0x12a: {  	vm9 =	vmand vm9, vm2;
	v30 =	vsub.f32 $0.0e+00, v27;
	v29 =	vld [tilespmem:s2+$0xFFFFFFC0];
	vm11 =	vmor vm10, vm1  }
0x12b: {  	vm5 =	vmand vm5, vm2;
	v15 =	vsub.s32 v15, v2;
	v32 =	vsub.f32 $0.0e+00, v22;
	v31 =	vld [tilespmem:s31+$0xFFFFFFD1];
	v33, _, _ =	vpop (xrf2)  }
0x12c: {  	v14 =	vsub.s32 v14, v2;
	[tilespmem:v18+s17+$0x0] =	vst.idx.add.f32.msk vm4, v20  }
0x12d: {  	vm4 =	vmand vm10, vm2;
	[tilespmem:v21+s17+$0x0] =	vst.idx.add.f32.msk vm7, v27  }
0x12e: {  	v18 =	vsub.s32 v13, v2;
	[tilespmem:v19+s17+$0x0] =	vst.idx.add.f32.msk vm8, v33;
	v19 =	vsub.f32 $0.0e+00, v33;
	v13, _, _ =	vpop (xrf2)  }
0x12f: {  	v20 =	vsub.f32 $0.0e+00, v13;
	[tilespmem:v16+s17+$0x0] =	vst.idx.add.f32.msk vm3, v22  }
0x130: {  	[tilespmem:v23+s17+$0x0] =	vst.idx.add.f32.msk vm11, v13;
	v13 =	vmov v31  }
0x131: {  	[tilespmem:v17+s17+$0x0] =	vst.idx.add.f32.msk vm6, v30  }
0x132: {  	[tilespmem:v15+s17+$0x0] =	vst.idx.add.f32.msk vm9, v19  }
0x133: {  	[tilespmem:v18+s17+$0x0] =	vst.idx.add.f32.msk vm4, v20  }
0x134: {  	[tilespmem:v14+s17+$0x0] =	vst.idx.add.f32.msk vm5, v32  }
0x135: {  	v14 =	vld [tilespmem:s2+$0x30]  }
0x136: {  	vm4 =	vne.s32 v28, v26;
	v16 =	vld [tilespmem:s2+$0x20]  }
0x137: {  	v15 =	vld [tilespmem:s2+$0x10];
	(xrf2) =	vadd.scan.msk.f32 $0xffff, v29  }
0x138: {  	v18 =	vld [tilespmem:s2+$0x0]  }
0x139: {  	vm3 =	vne.s32 v24, v25;
	v20 =	vld [tilespmem:s2+$0xFFFFFFF0]  }
0x13a: {  	v17 =	vld [tilespmem:s2+$0xFFFFFFE0];
	(xrf2) =	vadd.scan.msk.f32 $0xffff, v14  }
0x13b: {  	v27 =	vld [tilespmem:s2+$0xFFFFFFD0]  }
0x13c: {  	vm5 =	vmor vm4, vm1;
	v23 =	vld [tilespmem:s31+$0x11]  }
0x13d: {  	v19 =	vsub.s32 v28, v2;
	v21 =	vld [tilespmem:s31+$0x10];
	(xrf2) =	vadd.scan.msk.f32 $0xffff, v15  }
0x13e: {  	vm4 =	vmand vm4, vm2;
	v22 =	vld [tilespmem:s31+$0x21]  }
0x13f: {  	vm6 =	vmor vm3, vm1;
	v26 =	vsub.s32 v26, v2;
	v28 =	vld [tilespmem:s31+$0x20]  }
0x140: {  	v24 =	vsub.s32 v24, v2;
	v15 =	vld [tilespmem:s31+$0xFFFFFFF1];
	(xrf2) =	vadd.scan.msk.f32 $0xffff, v16  }
0x141: {  	v14 =	vld [tilespmem:s31+$0xFFFFFFE1];
	v16, _, _ =	vpop (xrf2)  }
0x142: {  	[tilespmem:v19+s17+$0x0] =	vst.idx.add.f32.msk vm5, v16;
	v16 =	vsub.f32 $0.0e+00, v16;
	vm5 =	vne.s32 v21, v23  }
0x143: {  	v29 =	vld [tilespmem:s31+$0xFFFFFFE0];
	vm7 =	vmor vm5, vm1;
	(xrf2) =	vadd.scan.msk.f32 $0xffff, v17  }
0x144: {  	vm9 =	vmand vm3, vm2;
	[tilespmem:v26+s17+$0x0] =	vst.idx.add.f32.msk vm4, v16;
	v16 =	vsub.s32 v21, v2;
	vm8 =	vne.s32 v28, v22;
	v26, _, _ =	vpop (xrf2)  }
0x145: {  	vm10 =	vmor vm8, vm1;
	[tilespmem:v24+s17+$0x0] =	vst.idx.add.f32.msk vm6, v26;
	v24 =	vsub.s32 v25, v2  }
0x146: {  	v25 =	vsub.s32 v28, v2;
	v17 =	vld [tilespmem:s31+$0x1];
	(xrf2) =	vadd.scan.msk.f32 $0xffff, v18  }
0x147: {  	vm4 =	vmand vm5, vm2;
	vm6 =	vmand vm8, vm2;
	v21 =	vld [tilespmem:s31+$0x0];
	v28, _, _ =	vpop (xrf2)  }
.Ltmp13:
0x148: {  	v22 =	vsub.s32 v22, v2;
	v26 =	vsub.f32 $0.0e+00, v26;
	vm5 =	vne.s32 v29, v14;
	v19 =	vld [tilespmem:s31+$0xFFFFFFF0];
	(pc) =	sbr.rel @p3 .LBB2_11-.Ltmp13, $4  }
0x149: {  	v18 =	vsub.s32 v23, v2;
	vm3 =	vmor vm5, vm1;
	[tilespmem:v16+s17+$0x0] =	vst.idx.add.f32.msk vm7, v28;
	(xrf2) =	vadd.scan.msk.f32 $0xffff, v20  }
0x14a: {  	v16 =	vsub.s32 v29, v2;
	[tilespmem:v24+s17+$0x0] =	vst.idx.add.f32.msk vm9, v26;
	v23, _, _ =	vpop (xrf2)  }
0x14b: {  	v20 =	vsub.f32 $0.0e+00, v28;
	[tilespmem:v25+s17+$0x0] =	vst.idx.add.f32.msk vm10, v23;
	v24 =	vsub.f32 $0.0e+00, v23  }
0x14c: {  	s8 =	simm.s32 $0x0;
	v23 =	vld [tilespmem:s31+$0xFFFFFFD0];
	vm8 =	vne.s32 v21, v17;
	(xrf2) =	vadd.scan.msk.f32 $0xffff, v27  }
0x14d: {  	_ =	sdelay $0x1  }
0x14e: {  	vm7 =	vmor vm8, vm1  }
0x14f: {  	vm9 =	vne.s32 v19, v15;
	v21 =	vsub.s32 v21, v2;
	vm5 =	vmand vm5, vm2  }
0x150: {  	v14 =	vsub.s32 v14, v2;
	vm10 =	vmor vm9, vm1  }
0x151: {  	v54 =	vsub.s32 v19, v2;
	[tilespmem:v22+s17+$0x0] =	vst.idx.add.f32.msk vm6, v24;
	vm13 =	vmand vm8, vm2  }
0x152: {  	v55, _, _ =	vpop (xrf2);
	v17 =	vsub.s32 v17, v2;
	[tilespmem:v18+s17+$0x0] =	vst.idx.add.f32.msk vm4, v20;
	vm14 =	vmand vm9, vm2;
	vm11 =	vne.s32 v23, v13  }
0x153: {  	v15 =	vsub.s32 v15, v2;
	[tilespmem:v16+s17+$0x0] =	vst.idx.add.f32.msk vm3, v55;
	v63 =	vsub.f32 $0.0e+00, v55;
	v57, _, _ =	vpop (xrf2);
	vm12 =	vmor vm11, vm1  }
0x154: {  	v56 =	vsub.s32 v23, v2;
	vm15 =	vmand vm11, vm2;
	[tilespmem:v21+s17+$0x0] =	vst.idx.add.f32.msk vm7, v57  }
0x155: {  	v13 =	vsub.s32 v13, v2;
	v59 =	vsub.f32 $0.0e+00, v57;
	v58, _, _ =	vpop (xrf2);
	[tilespmem:v14+s17+$0x0] =	vst.idx.add.f32.msk vm5, v63  }
0x156: {  	[tilespmem:v54+s17+$0x0] =	vst.idx.add.f32.msk vm10, v58;
	v61 =	vsub.f32 $0.0e+00, v58  }
0x157: {  	[tilespmem:v17+s17+$0x0] =	vst.idx.add.f32.msk vm13, v59;
	v60, _, _ =	vpop (xrf2)  }
0x158: {  	[tilespmem:v15+s17+$0x0] =	vst.idx.add.f32.msk vm14, v61;
	v62 =	vsub.f32 $0.0e+00, v60  }
0x159: {  	[tilespmem:v56+s17+$0x0] =	vst.idx.add.f32.msk vm12, v60  }
0x15a: {  	[tilespmem:v13+s17+$0x0] =	vst.idx.add.f32.msk vm15, v62  }
.LBB2_13:
0x15b: {  	s0 =	sshra.s32 s8, $0x2  }
0x15c: {  	v13 =	vld [tilespmem:s0+$0x3F80];
	_ =	sdelay $0x3  }
0x15d: {  	v14 =	vld [tilespmem:s0+$0x8000]  }
0x15e: {  	v15 =	vld [tilespmem:s0+$0x8001];
	(xrf2) =	vadd.scan.msk.f32 $0xffff, v13;
	_ =	sdelay $0x4  }
0x15f: {  	vm3 =	vne.s32 v14, v15  }
0x160: {  	vm4 =	vmor vm3, vm1  }
0x161: {  	v13 =	vsub.s32 v14, v2;
	vm3 =	vmand vm3, vm2  }
0x162: {  	p3 =	seq.s32 s8, $0x180;
	v14 =	vsub.s32 v15, v2  }
.Ltmp14:
0x163: {  	_ = 	snop;
	(pc) =	sbr.rel @!p3 .LBB2_13-.Ltmp14, $4  }
0x164: {  	v15, _, _ =	vpop (xrf2)  }
0x165: {  	v16 =	vsub.f32 $0.0e+00, v15  }
0x166: {  	[tilespmem:v13+s17+$0x0] =	vst.idx.add.f32.msk vm4, v15  }
0x167: {  	s8 =	sadd.s32 $0x40, s8;
	[tilespmem:v14+s17+$0x0] =	vst.idx.add.f32.msk vm3, v16  }
.LBB2_18:
.Ltmp15:
0x168: {  	(pc) =	sbr.rel @p2 .LBB2_28-.Ltmp15, $1  }
0x169: {  	_ =	sdelay $0x3  }
.LBB2_19:
0x16a: {  	_ =	swait.ge [sflag:s15], $0x4000  }
0x16b: {  	[sflag:s15] =	ssyncset.done $0x0  }
0x16c: {  	[sflag:s15] =	ssyncadd.s32 $0xFFFFC000  }
0x16d: {  	_ =	swait.ge [sflag:s15], $0x4000  }
.Ltmp16:
0x16e: {  	[sflag:s15] =	ssyncset.done $0x0;
	(pc) =	sbr.rel @!p1 .LBB2_20-.Ltmp16, $4  }
0x16f: {  	[sflag:s15] =	ssyncadd.s32 $0xFFFFC000  }
0x170: {  	[tilespmem:s4], [sflag:$0x1] =	stream.linear.gather [hbm4b:s29+s4], $0x4000, $0x38;
	[tilespmem:$0x11080] =	vst v63  }
0x171: {  	s0 =	simm.s32 $0xFFFFFFF8;
	s2 =	simm.s32 $0x8140;
	s29 =	simm.s32 $0xC1C0  }
0x172: {  	[tilespmem:s16], [sflag:$0x1] =	stream.linear.gather [hbm4b:s30+s4], $0x4000, $0x38;
	[tilespmem:$0x11080] =	vst v63  }
0x173: {  	v14 =	vld [tilespmem:s2+$0x30]  }
0x174: {  	v16 =	vld [tilespmem:s29+$0x30]  }
0x175: {  	v17 =	vld [tilespmem:s29+$0x31]  }
0x176: {  	v15 =	vld [tilespmem:s2+$0xFFFFFFC0]  }
0x177: {  	v18 =	vld [tilespmem:s29+$0xFFFFFFC1]  }
0x178: {  	v19 =	vld [tilespmem:s29+$0xFFFFFFC0]  }
0x179: {  	v20 =	vld [tilespmem:s29+$0x21]  }
0x17a: {  	v21 =	vld [tilespmem:s29+$0x20]  }
0x17b: {  	v13 =	vld [tilespmem:s2+$0x20];
	_ =	sdelay $0x1  }
0x17c: {  	(xrf2) =	vadd.scan.msk.f32 $0xffff, v15  }
0x17d: {  	v22 =	vld [tilespmem:s2+$0x0];
	v24 =	vsub.s32 v18, v2;
	(xrf2) =	vadd.scan.msk.f32 $0xffff, v14  }
0x17e: {  	v23 =	vld [tilespmem:s29+$0x10];
	vm4 =	vne.s32 v19, v18;
	vm6 =	vne.s32 v16, v17;
	vm3 =	vne.s32 v21, v20  }
0x17f: {  	v25 =	vld [tilespmem:s29+$0xFFFFFFE1];
	v26 =	vsub.s32 v16, v2;
	vm5 =	vmor vm4, vm1;
	(xrf2) =	vadd.scan.msk.f32 $0xffff, v13;
	v13 =	vsub.s32 v19, v2  }
0x180: {  	v27 =	vld [tilespmem:s2+$0xFFFFFFF0];
	vm7 =	vlt.u32 v24, v4;
	vm8 =	vmor vm6, vm1;
	vm10 =	vlt.u32 v13, v4  }
0x181: {  	v29 =	vld [tilespmem:s29+$0x0];
	vm4 =	vmand vm4, vm7;
	vm7 =	vlt.u32 v26, v4;
	vm5 =	vmand vm10, vm5  }
0x182: {  	v18 =	vld [tilespmem:s2+$0x10];
	v21 =	vsub.s32 v21, v2;
	v28 =	vsub.s32 v17, v2;
	vm7 =	vmand vm7, vm8  }
0x183: {  	v14 =	vld [tilespmem:s29+$0x11];
	vm9 =	vmor vm3, vm1;
	vm8 =	vlt.u32 v21, v4;
	vm10 =	vlt.u32 v28, v4  }
0x184: {  	v15 =	vld [tilespmem:s2+$0xFFFFFFE0];
	vm8 =	vmand vm8, vm9;
	vm6 =	vmand vm6, vm10  }
0x185: {  	v16 =	vld [tilespmem:s29+$0xFFFFFFE0];
	v20 =	vsub.s32 v20, v2;
	vm6 =	vmand vm6, vm2  }
0x186: {  	v17 =	vld [tilespmem:s29+$0x1];
	v32 =	vsub.s32 v23, v2;
	vm4 =	vmand vm4, vm2;
	(xrf2) =	vadd.scan.msk.f32 $0xffff, v22;
	vm9 =	vlt.u32 v20, v4;
	v22, _, _ =	vpop (xrf2)  }
0x187: {  	(xrf2) =	vadd.scan.msk.f32 $0xffff, v18;
	vm3 =	vmand vm3, vm9;
	v30, _, _ =	vpop (xrf2);
	v31 =	vsub.f32 $0.0e+00, v22;
	[tilespmem:v13+s17+$0x0] =	vst.idx.add.f32.msk vm5, v22  }
0x188: {  	vm5 =	vmand vm3, vm2;
	vm3 =	vlt.u32 v32, v4;
	[tilespmem:v26+s17+$0x0] =	vst.idx.add.f32.msk vm7, v30;
	vm7 =	vne.s32 v23, v14  }
0x189: {  	v19 =	vld [tilespmem:s29+$0xFFFFFFF0];
	(xrf2) =	vadd.scan.msk.f32 $0xffff, v27;
	v13 =	vsub.f32 $0.0e+00, v30;
	v22, _, _ =	vpop (xrf2);
	v14 =	vsub.s32 v14, v2;
	vm9 =	vmor vm7, vm1  }
0x18a: {  	[tilespmem:v21+s17+$0x0] =	vst.idx.add.f32.msk vm8, v22;
	v21 =	vsub.f32 $0.0e+00, v22;
	vm10 =	vmand vm3, vm9;
	vm3 =	vlt.u32 v14, v4  }
0x18b: {  	v22 =	vsub.s32 v29, v2;
	[tilespmem:v28+s17+$0x0] =	vst.idx.add.f32.msk vm6, v13;
	vm6 =	vmand vm7, vm3;
	vm7 =	vne.s32 v29, v17  }
0x18c: {  	v18 =	vld [tilespmem:s29+$0xFFFFFFF1];
	vm8 =	vlt.u32 v22, v4;
	vm9 =	vmor vm7, vm1  }
0x18d: {  	v23 =	vld [tilespmem:s29+$0xFFFFFFD1];
	vm9 =	vmand vm8, vm9  }
0x18e: {  	v26 =	vld [tilespmem:s29+$0xFFFFFFD0]  }
0x18f: {  	[tilespmem:v24+s17+$0x0] =	vst.idx.add.f32.msk vm4, v31;
	v13 =	vsub.s32 v25, v2  }
0x190: {  	vm4 =	vne.s32 v16, v25;
	v24 =	vld [tilespmem:s2+$0xFFFFFFD0];
	v25, _, _ =	vpop (xrf2);
	vm3 =	vlt.u32 v13, v4  }
0x191: {  	vm3 =	vmand vm4, vm3;
	[tilespmem:v20+s17+$0x0] =	vst.idx.add.f32.msk vm5, v21;
	v21, _, _ =	vpop (xrf2)  }
0x192: {  	s0 =	sadd.s32 $0x8, s0;
	vm5 =	vne.s32 v19, v18;
	v20 =	vsub.f32 $0.0e+00, v25;
	[tilespmem:v32+s17+$0x0] =	vst.idx.add.f32.msk vm10, v21;
	v21 =	vsub.f32 $0.0e+00, v21  }
.LBB2_25:
0x193: {  	s0 =	sadd.s32 $0x8, s0;
	v27 =	vsub.s32 v23, v2;
	[tilespmem:v22+s17+$0x0] =	vst.idx.add.f32.msk vm9, v25;
	s29 =	sadd.s32 $0x80, s29;
	s2 =	sadd.s32 $0x80, s2  }
0x194: {  	v22 =	vld [tilespmem:s2+$0x0];
	p1 =	slt.u32 s0, $0x3F0;
	v25 =	vsub.s32 v26, v2;
	vm9 =	vne.s32 v26, v23;
	vm8 =	vlt.u32 v27, v4;
	v23, _, _ =	vpop (xrf2)  }
0x195: {  	v26 =	vld [tilespmem:s29+$0x10];
	vm10 =	vlt.u32 v25, v4;
	vm8 =	vmand vm9, vm8;
	v28 =	vsub.f32 $0.0e+00, v23  }
0x196: {  	v29 =	vld [tilespmem:s29+$0x11];
	(xrf2) =	vadd.scan.msk.f32 $0xffff, v15  }
0x197: {  	v30 =	vld [tilespmem:s2+$0x20]  }
0x198: {  	vm6 =	vmand vm6, vm2;
	v15 =	vsub.s32 v19, v2;
	v31 =	vld [tilespmem:s2+$0x30]  }
0x199: {  	vm12 =	vmor vm5, vm1;
	v17 =	vsub.s32 v17, v2;
	vm11 =	vlt.u32 v15, v4;
	v19 =	vld [tilespmem:s29+$0x30];
	(xrf2) =	vadd.scan.msk.f32 $0xffff, v24  }
0x19a: {  	vm4 =	vmor vm4, vm1;
	vm11 =	vmand vm11, vm12;
	vm12 =	vlt.u32 v17, v4;
	v24 =	vld [tilespmem:s29+$0x31]  }
0x19b: {  	v16 =	vsub.s32 v16, v2;
	v18 =	vsub.s32 v18, v2;
	vm7 =	vmand vm7, vm12;
	v32 =	vld [tilespmem:s2+$0xFFFFFFC0]  }
0x19c: {  	vm13 =	vlt.u32 v18, v4;
	vm12 =	vlt.u32 v16, v4;
	vm7 =	vmand vm7, vm2;
	v33 =	vld [tilespmem:s29+$0x21]  }
0x19d: {  	vm9 =	vmor vm9, vm1;
	vm5 =	vmand vm5, vm13;
	vm4 =	vmand vm12, vm4;
	v34 =	vld [tilespmem:s29+$0xFFFFFFC1]  }
0x19e: {  	vm9 =	vmand vm10, vm9;
	v35 =	vld [tilespmem:s29+$0xFFFFFFC0]  }
0x19f: {  	vm5 =	vmand vm5, vm2;
	[tilespmem:v14+s17+$0x0] =	vst.idx.add.f32.msk vm6, v21  }
0x1a0: {  	[tilespmem:v15+s17+$0x0] =	vst.idx.add.f32.msk vm11, v23;
	v14, _, _ =	vpop (xrf2)  }
0x1a1: {  	vm10 =	vmand vm3, vm2;
	v21 =	vld [tilespmem:s29+$0x20]  }
0x1a2: {  	vm6 =	vmand vm8, vm2;
	[tilespmem:v17+s17+$0x0] =	vst.idx.add.f32.msk vm7, v20  }
0x1a3: {  	v20 =	vsub.s32 v34, v2;
	(xrf2) =	vadd.scan.msk.f32 $0xffff, v32;
	[tilespmem:v16+s17+$0x0] =	vst.idx.add.f32.msk vm4, v14;
	v14 =	vsub.f32 $0.0e+00, v14;
	v15, _, _ =	vpop (xrf2)  }
0x1a4: {  	vm7 =	vne.s32 v35, v34;
	v32 =	vsub.s32 v33, v2;
	[tilespmem:v25+s17+$0x0] =	vst.idx.add.f32.msk vm9, v15;
	v16 =	vsub.f32 $0.0e+00, v15  }
0x1a5: {  	vm4 =	vne.s32 v19, v24;
	vm8 =	vmor vm7, vm1;
	vm3 =	vlt.u32 v32, v4;
	[tilespmem:v18+s17+$0x0] =	vst.idx.add.f32.msk vm5, v28  }
0x1a6: {  	vm9 =	vlt.u32 v20, v4;
	vm11 =	vmor vm4, vm1;
	v15 =	vld [tilespmem:s2+$0xFFFFFFE0];
	vm5 =	vne.s32 v21, v33;
	(xrf2) =	vadd.scan.msk.f32 $0xffff, v31  }
0x1a7: {  	v23 =	vsub.s32 v35, v2;
	vm9 =	vmand vm7, vm9;
	vm7 =	vmor vm5, vm1;
	[tilespmem:v13+s17+$0x0] =	vst.idx.add.f32.msk vm10, v14  }
0x1a8: {  	v28 =	vsub.s32 v19, v2;
	vm10 =	vlt.u32 v23, v4;
	v14 =	vsub.s32 v29, v2;
	v25 =	vld [tilespmem:s29+$0xFFFFFFE1]  }
0x1a9: {  	v31 =	vsub.s32 v26, v2;
	vm12 =	vlt.u32 v14, v4;
	(xrf2) =	vadd.scan.msk.f32 $0xffff, v30;
	[tilespmem:v27+s17+$0x0] =	vst.idx.add.f32.msk vm6, v16  }
0x1aa: {  	vm14 =	vlt.u32 v28, v4;
	vm13 =	vlt.u32 v31, v4;
	vm6 =	vne.s32 v26, v29;
	v13 =	vld [tilespmem:s2+$0x10]  }
0x1ab: {  	v21 =	vsub.s32 v21, v2;
	vm11 =	vmand vm14, vm11;
	vm15 =	vmor vm6, vm1;
	v26 =	vld [tilespmem:s2+$0xFFFFFFF0]  }
0x1ac: {  	v24 =	vsub.s32 v24, v2;
	vm10 =	vmand vm10, vm8;
	vm8 =	vmand vm13, vm15;
	v16 =	vld [tilespmem:s29+$0xFFFFFFE0];
	(xrf2) =	vadd.scan.msk.f32 $0xffff, v22  }
0x1ad: {  	vm9 =	vmand vm9, vm2;
	vm14 =	vlt.u32 v24, v4;
	vm13 =	vlt.u32 v21, v4;
	v17 =	vld [tilespmem:s29+$0x1];
	v22, _, _ =	vpop (xrf2)  }
0x1ae: {  	vm4 =	vmand vm4, vm14;
	vm13 =	vmand vm13, vm7;
	v27 =	vsub.f32 $0.0e+00, v22;
	v29 =	vld [tilespmem:s29+$0x0]  }
0x1af: {  	vm5 =	vmand vm5, vm3;
	vm6 =	vmand vm6, vm12;
	vm12 =	vmand vm4, vm2;
	v19 =	vld [tilespmem:s29+$0xFFFFFFF0];
	(xrf2) =	vadd.scan.msk.f32 $0xffff, v13  }
0x1b0: {  	v13 =	vsub.s32 v25, v2;
	v18 =	vld [tilespmem:s29+$0xFFFFFFF1];
	v30, _, _ =	vpop (xrf2)  }
0x1b1: {  	vm3 =	vlt.u32 v13, v4;
	vm4 =	vne.s32 v16, v25;
	[tilespmem:v28+s17+$0x0] =	vst.idx.add.f32.msk vm11, v30  }
0x1b2: {  	[tilespmem:v23+s17+$0x0] =	vst.idx.add.f32.msk vm10, v22;
	vm3 =	vmand vm4, vm3;
	vm10 =	vmand vm5, vm2;
	(xrf2) =	vadd.scan.msk.f32 $0xffff, v26  }
0x1b3: {  	[tilespmem:v20+s17+$0x0] =	vst.idx.add.f32.msk vm9, v27;
	v22 =	vsub.s32 v29, v2;
	vm7 =	vne.s32 v29, v17;
	v20 =	vsub.f32 $0.0e+00, v30;
	v25, _, _ =	vpop (xrf2)  }
0x1b4: {  	vm9 =	vlt.u32 v22, v4;
	vm11 =	vmor vm7, vm1;
	[tilespmem:v21+s17+$0x0] =	vst.idx.add.f32.msk vm13, v25  }
0x1b5: {  	vm5 =	vne.s32 v19, v18;
	vm9 =	vmand vm9, vm11;
	[tilespmem:v24+s17+$0x0] =	vst.idx.add.f32.msk vm12, v20  }
.Ltmp17:
0x1b6: {  	v20 =	vsub.f32 $0.0e+00, v25;
	v23 =	vld [tilespmem:s29+$0xFFFFFFD1];
	v25, _, _ =	vpop (xrf2);
	(pc) =	sbr.rel @p1 .LBB2_25-.Ltmp17, $4  }
0x1b7: {  	v26 =	vld [tilespmem:s29+$0xFFFFFFD0]  }
0x1b8: {  	[tilespmem:v32+s17+$0x0] =	vst.idx.add.f32.msk vm10, v20  }
0x1b9: {  	v24 =	vld [tilespmem:s2+$0xFFFFFFD0];
	v21, _, _ =	vpop (xrf2)  }
0x1ba: {  	s8 =	simm.s32 $0x0;
	v20 =	vsub.f32 $0.0e+00, v25;
	[tilespmem:v31+s17+$0x0] =	vst.idx.add.f32.msk vm8, v21;
	v21 =	vsub.f32 $0.0e+00, v21  }
0x1bb: {  	_ = 	snop  }
0x1bc: {  	(xrf2) =	vadd.scan.msk.f32 $0xffff, v15;
	v15 =	vsub.s32 v19, v2;
	vm6 =	vmand vm6, vm2;
	v17 =	vsub.s32 v17, v2  }
0x1bd: {  	vm12 =	vmor vm5, vm1;
	vm4 =	vmor vm4, vm1;
	v16 =	vsub.s32 v16, v2  }
0x1be: {  	v18 =	vsub.s32 v18, v2;
	vm11 =	vlt.u32 v15, v4;
	vm13 =	vlt.u32 v17, v4;
	(xrf2) =	vadd.scan.msk.f32 $0xffff, v24  }
0x1bf: {  	v61 =	vsub.s32 v23, v2;
	vm11 =	vmand vm11, vm12;
	vm7 =	vmand vm7, vm13  }
0x1c0: {  	vm12 =	vlt.u32 v16, v4;
	vm13 =	vlt.u32 v18, v4;
	vm7 =	vmand vm7, vm2  }
0x1c1: {  	vm3 =	vmand vm3, vm2;
	vm4 =	vmand vm12, vm4;
	vm13 =	vmand vm5, vm13  }
0x1c2: {  	v27 =	vsub.s32 v26, v2;
	vm8 =	vne.s32 v26, v23;
	vm5 =	vmand vm13, vm2  }
0x1c3: {  	[tilespmem:v22+s17+$0x0] =	vst.idx.add.f32.msk vm9, v25;
	vm14 =	vlt.u32 v61, v4;
	vm10 =	vlt.u32 v27, v4;
	vm12 =	vmor vm8, vm1  }
0x1c4: {  	v62, _, _ =	vpop (xrf2);
	vm8 =	vmand vm8, vm14;
	vm10 =	vmand vm10, vm12;
	[tilespmem:v14+s17+$0x0] =	vst.idx.add.f32.msk vm6, v21  }
0x1c5: {  	vm15 =	vmand vm8, vm2;
	[tilespmem:v15+s17+$0x0] =	vst.idx.add.f32.msk vm11, v62  }
0x1c6: {  	v15 =	vsub.f32 $0.0e+00, v62;
	[tilespmem:v17+s17+$0x0] =	vst.idx.add.f32.msk vm7, v20;
	v14, _, _ =	vpop (xrf2)  }
0x1c7: {  	[tilespmem:v16+s17+$0x0] =	vst.idx.add.f32.msk vm4, v14;
	v14 =	vsub.f32 $0.0e+00, v14  }
0x1c8: {  	[tilespmem:v18+s17+$0x0] =	vst.idx.add.f32.msk vm5, v15;
	v63, _, _ =	vpop (xrf2)  }
0x1c9: {  	[tilespmem:v13+s17+$0x0] =	vst.idx.add.f32.msk vm3, v14;
	v16 =	vsub.f32 $0.0e+00, v63  }
0x1ca: {  	[tilespmem:v27+s17+$0x0] =	vst.idx.add.f32.msk vm10, v63  }
0x1cb: {  	[tilespmem:v61+s17+$0x0] =	vst.idx.add.f32.msk vm15, v16  }
.LBB2_27:
0x1cc: {  	s0 =	sshra.s32 s8, $0x2  }
0x1cd: {  	v13 =	vld [tilespmem:s0+$0xC080];
	_ =	sdelay $0x2  }
0x1ce: {  	v14 =	vld [tilespmem:s0+$0x10100]  }
0x1cf: {  	v15 =	vld [tilespmem:s0+$0x10101]  }
0x1d0: {  	(xrf2) =	vadd.scan.msk.f32 $0xffff, v13;
	_ =	sdelay $0x3  }
0x1d1: {  	v13 =	vsub.s32 v14, v2;
	v16 =	vsub.s32 v15, v2;
	vm3 =	vne.s32 v14, v15  }
0x1d2: {  	vm4 =	vlt.u32 v13, v4;
	vm5 =	vlt.u32 v16, v4;
	vm6 =	vmor vm3, vm1  }
0x1d3: {  	vm4 =	vmand vm4, vm6;
	vm3 =	vmand vm3, vm5  }
0x1d4: {  	vm3 =	vmand vm3, vm2  }
0x1d5: {  	p1 =	sne.s32 s8, $0x180  }
.Ltmp18:
0x1d6: {  	_ = 	snop;
	(pc) =	sbr.rel @p1 .LBB2_27-.Ltmp18, $4  }
0x1d7: {  	v14, _, _ =	vpop (xrf2)  }
0x1d8: {  	v15 =	vsub.f32 $0.0e+00, v14  }
0x1d9: {  	[tilespmem:v13+s17+$0x0] =	vst.idx.add.f32.msk vm4, v14  }
0x1da: {  	s8 =	sadd.s32 $0x40, s8;
	[tilespmem:v16+s17+$0x0] =	vst.idx.add.f32.msk vm3, v15  }
.Ltmp19:
0x1db: {  	_ = 	snop;
	(pc) =	sbr.rel .LBB2_28-.Ltmp19, $1  }
0x1dc: {  	_ =	sdelay $0x3  }
.LBB2_20:
0x1dd: {  	v14 =	vld [tilespmem:s29+$0x30]  }
0x1de: {  	v16 =	vld [tilespmem:s29+$0x31]  }
0x1df: {  	v15 =	vld [tilespmem:s29+$0xFFFFFFC1]  }
0x1e0: {  	v17 =	vld [tilespmem:s2+$0xFFFFFFC0]  }
0x1e1: {  	v18 =	vld [tilespmem:s29+$0xFFFFFFC0]  }
0x1e2: {  	v19 =	vld [tilespmem:s2+$0x30]  }
0x1e3: {  	v13 =	vld [tilespmem:s29+$0xFFFFFFD1]  }
0x1e4: {  	v20 =	vld [tilespmem:s2+$0x20]  }
0x1e5: {  	v21 =	vld [tilespmem:s2+$0x10];
	(xrf2) =	vadd.scan.msk.f32 $0xffff, v17  }
0x1e6: {  	v22 =	vld [tilespmem:s2+$0x0]  }
0x1e7: {  	v23 =	vld [tilespmem:s2+$0xFFFFFFF0];
	(xrf2) =	vadd.scan.msk.f32 $0xffff, v19  }
0x1e8: {  	v24 =	vld [tilespmem:s2+$0xFFFFFFE0]  }
0x1e9: {  	v25 =	vld [tilespmem:s2+$0xFFFFFFD0];
	vm3 =	vne.s32 v18, v15  }
0x1ea: {  	v26 =	vld [tilespmem:s29+$0x11];
	vm4 =	vmor vm3, vm1  }
0x1eb: {  	v27 =	vld [tilespmem:s29+$0x21];
	v17 =	vsub.s32 v18, v2;
	vm5 =	vne.s32 v14, v16  }
0x1ec: {  	v18 =	vld [tilespmem:s29+$0x10];
	vm6 =	vmor vm5, vm1;
	(xrf2) =	vadd.scan.msk.f32 $0xffff, v21  }
0x1ed: {  	v28 =	vsub.s32 v14, v2;
	v14 =	vld [tilespmem:s29+$0xFFFFFFE1];
	vm3 =	vmand vm3, vm2  }
0x1ee: {  	v19 =	vsub.s32 v15, v2;
	v21 =	vld [tilespmem:s29+$0x20];
	(xrf2) =	vadd.scan.msk.f32 $0xffff, v20  }
0x1ef: {  	v15 =	vld [tilespmem:s29+$0xFFFFFFF1];
	v20, _, _ =	vpop (xrf2)  }
0x1f0: {  	[tilespmem:v17+s17+$0x0] =	vst.idx.add.f32.msk vm4, v20  }
0x1f1: {  	(xrf2) =	vadd.scan.msk.f32 $0xffff, v24;
	v17 =	vsub.f32 $0.0e+00, v20;
	v20 =	vld [tilespmem:s29+$0xFFFFFFE0];
	v29, _, _ =	vpop (xrf2)  }
0x1f2: {  	vm8 =	vmand vm5, vm2;
	vm4 =	vne.s32 v18, v26;
	[tilespmem:v28+s17+$0x0] =	vst.idx.add.f32.msk vm6, v29  }
0x1f3: {  	v16 =	vsub.s32 v16, v2;
	vm7 =	vmor vm4, vm1;
	[tilespmem:v19+s17+$0x0] =	vst.idx.add.f32.msk vm3, v17;
	vm3 =	vne.s32 v21, v27  }
0x1f4: {  	v18 =	vsub.s32 v18, v2;
	(xrf2) =	vadd.scan.msk.f32 $0xffff, v22;
	v17 =	vld [tilespmem:s29+$0x1];
	vm9 =	vmor vm3, vm1  }
0x1f5: {  	v63 =	vsub.s32 v21, v2;
	v21 =	vld [tilespmem:s29+$0x0];
	vm6 =	vmand vm3, vm2  }
0x1f6: {  	v22 =	vsub.s32 v27, v2;
	v24, _, _ =	vpop (xrf2);
	v29 =	vsub.f32 $0.0e+00, v29;
	(xrf2) =	vadd.scan.msk.f32 $0xffff, v23;
	v23 =	vld [tilespmem:s29+$0xFFFFFFD0]  }
0x1f7: {  	v19 =	vld [tilespmem:s29+$0xFFFFFFF0]  }
0x1f8: {  	vm4 =	vmand vm4, vm2;
	v27, _, _ =	vpop (xrf2);
	(xrf2) =	vadd.scan.msk.f32 $0xffff, v25;
	[tilespmem:v16+s17+$0x0] =	vst.idx.add.f32.msk vm8, v29;
	vm5 =	vne.s32 v20, v14  }
0x1f9: {  	v16 =	vsub.s32 v20, v2;
	v20 =	vsub.f32 $0.0e+00, v24;
	[tilespmem:v18+s17+$0x0] =	vst.idx.add.f32.msk vm7, v24;
	v24 =	vsub.f32 $0.0e+00, v27  }
0x1fa: {  	s0 =	simm.s32 $0x0;
	vm3 =	vmor vm5, vm1;
	v18 =	vsub.s32 v26, v2;
	vm8 =	vne.s32 v21, v17;
	[tilespmem:v63+s17+$0x0] =	vst.idx.add.f32.msk vm9, v27  }
.LBB2_21:
0x1fb: {  	s0 =	sadd.s32 $0x8, s0;
	vm7 =	vmor vm8, vm1;
	[tilespmem:v22+s17+$0x0] =	vst.idx.add.f32.msk vm6, v24;
	s29 =	sadd.s32 $0x80, s29;
	s2 =	sadd.s32 $0x80, s2;
	v22, _, _ =	vpop (xrf2)  }
0x1fc: {  	v21 =	vsub.s32 v21, v2;
	v24 =	vld [tilespmem:s29+$0x30];
	p1 =	slt.u32 s0, $0x3F0  }
0x1fd: {  	vm9 =	vne.s32 v19, v15;
	vm6 =	vmand vm8, vm2;
	v25 =	vld [tilespmem:s29+$0x31]  }
0x1fe: {  	v17 =	vsub.s32 v17, v2;
	vm8 =	vmor vm9, vm1;
	v26 =	vld [tilespmem:s29+$0xFFFFFFC1];
	v27, _, _ =	vpop (xrf2)  }
0x1ff: {  	v19 =	vsub.s32 v19, v2;
	v28 =	vld [tilespmem:s29+$0xFFFFFFC0];
	vm10 =	vne.s32 v23, v13;
	v23 =	vsub.s32 v23, v2  }
0x200: {  	vm9 =	vmand vm9, vm2;
	v30 =	vsub.f32 $0.0e+00, v27;
	v29 =	vld [tilespmem:s2+$0xFFFFFFC0];
	vm11 =	vmor vm10, vm1  }
0x201: {  	vm5 =	vmand vm5, vm2;
	v15 =	vsub.s32 v15, v2;
	v32 =	vsub.f32 $0.0e+00, v22;
	v31 =	vld [tilespmem:s29+$0xFFFFFFD1];
	v33, _, _ =	vpop (xrf2)  }
0x202: {  	v14 =	vsub.s32 v14, v2;
	[tilespmem:v18+s17+$0x0] =	vst.idx.add.f32.msk vm4, v20  }
0x203: {  	vm4 =	vmand vm10, vm2;
	[tilespmem:v21+s17+$0x0] =	vst.idx.add.f32.msk vm7, v27  }
0x204: {  	v18 =	vsub.s32 v13, v2;
	[tilespmem:v19+s17+$0x0] =	vst.idx.add.f32.msk vm8, v33;
	v19 =	vsub.f32 $0.0e+00, v33;
	v13, _, _ =	vpop (xrf2)  }
0x205: {  	v20 =	vsub.f32 $0.0e+00, v13;
	[tilespmem:v16+s17+$0x0] =	vst.idx.add.f32.msk vm3, v22  }
0x206: {  	[tilespmem:v23+s17+$0x0] =	vst.idx.add.f32.msk vm11, v13;
	v13 =	vmov v31  }
0x207: {  	[tilespmem:v17+s17+$0x0] =	vst.idx.add.f32.msk vm6, v30  }
0x208: {  	[tilespmem:v15+s17+$0x0] =	vst.idx.add.f32.msk vm9, v19  }
0x209: {  	[tilespmem:v18+s17+$0x0] =	vst.idx.add.f32.msk vm4, v20  }
0x20a: {  	[tilespmem:v14+s17+$0x0] =	vst.idx.add.f32.msk vm5, v32  }
0x20b: {  	v14 =	vld [tilespmem:s2+$0x30]  }
0x20c: {  	vm4 =	vne.s32 v28, v26;
	v16 =	vld [tilespmem:s2+$0x20]  }
0x20d: {  	v15 =	vld [tilespmem:s2+$0x10];
	(xrf2) =	vadd.scan.msk.f32 $0xffff, v29  }
0x20e: {  	v18 =	vld [tilespmem:s2+$0x0]  }
0x20f: {  	vm3 =	vne.s32 v24, v25;
	v20 =	vld [tilespmem:s2+$0xFFFFFFF0]  }
0x210: {  	v17 =	vld [tilespmem:s2+$0xFFFFFFE0];
	(xrf2) =	vadd.scan.msk.f32 $0xffff, v14  }
0x211: {  	v27 =	vld [tilespmem:s2+$0xFFFFFFD0]  }
0x212: {  	vm5 =	vmor vm4, vm1;
	v23 =	vld [tilespmem:s29+$0x11]  }
0x213: {  	v19 =	vsub.s32 v28, v2;
	v21 =	vld [tilespmem:s29+$0x10];
	(xrf2) =	vadd.scan.msk.f32 $0xffff, v15  }
0x214: {  	vm4 =	vmand vm4, vm2;
	v22 =	vld [tilespmem:s29+$0x21]  }
0x215: {  	vm6 =	vmor vm3, vm1;
	v26 =	vsub.s32 v26, v2;
	v28 =	vld [tilespmem:s29+$0x20]  }
0x216: {  	v24 =	vsub.s32 v24, v2;
	v15 =	vld [tilespmem:s29+$0xFFFFFFF1];
	(xrf2) =	vadd.scan.msk.f32 $0xffff, v16  }
0x217: {  	v14 =	vld [tilespmem:s29+$0xFFFFFFE1];
	v16, _, _ =	vpop (xrf2)  }
0x218: {  	[tilespmem:v19+s17+$0x0] =	vst.idx.add.f32.msk vm5, v16;
	v16 =	vsub.f32 $0.0e+00, v16;
	vm5 =	vne.s32 v21, v23  }
0x219: {  	v29 =	vld [tilespmem:s29+$0xFFFFFFE0];
	vm7 =	vmor vm5, vm1;
	(xrf2) =	vadd.scan.msk.f32 $0xffff, v17  }
0x21a: {  	vm9 =	vmand vm3, vm2;
	[tilespmem:v26+s17+$0x0] =	vst.idx.add.f32.msk vm4, v16;
	v16 =	vsub.s32 v21, v2;
	vm8 =	vne.s32 v28, v22;
	v26, _, _ =	vpop (xrf2)  }
0x21b: {  	vm10 =	vmor vm8, vm1;
	[tilespmem:v24+s17+$0x0] =	vst.idx.add.f32.msk vm6, v26;
	v24 =	vsub.s32 v25, v2  }
0x21c: {  	v25 =	vsub.s32 v28, v2;
	v17 =	vld [tilespmem:s29+$0x1];
	(xrf2) =	vadd.scan.msk.f32 $0xffff, v18  }
0x21d: {  	vm4 =	vmand vm5, vm2;
	vm6 =	vmand vm8, vm2;
	v21 =	vld [tilespmem:s29+$0x0];
	v28, _, _ =	vpop (xrf2)  }
.Ltmp20:
0x21e: {  	v22 =	vsub.s32 v22, v2;
	v26 =	vsub.f32 $0.0e+00, v26;
	vm5 =	vne.s32 v29, v14;
	v19 =	vld [tilespmem:s29+$0xFFFFFFF0];
	(pc) =	sbr.rel @p1 .LBB2_21-.Ltmp20, $4  }
0x21f: {  	v18 =	vsub.s32 v23, v2;
	vm3 =	vmor vm5, vm1;
	[tilespmem:v16+s17+$0x0] =	vst.idx.add.f32.msk vm7, v28;
	(xrf2) =	vadd.scan.msk.f32 $0xffff, v20  }
0x220: {  	v16 =	vsub.s32 v29, v2;
	[tilespmem:v24+s17+$0x0] =	vst.idx.add.f32.msk vm9, v26;
	v23, _, _ =	vpop (xrf2)  }
0x221: {  	v20 =	vsub.f32 $0.0e+00, v28;
	[tilespmem:v25+s17+$0x0] =	vst.idx.add.f32.msk vm10, v23;
	v24 =	vsub.f32 $0.0e+00, v23  }
0x222: {  	s8 =	simm.s32 $0x0;
	v23 =	vld [tilespmem:s29+$0xFFFFFFD0];
	vm8 =	vne.s32 v21, v17;
	(xrf2) =	vadd.scan.msk.f32 $0xffff, v27  }
0x223: {  	_ =	sdelay $0x1  }
0x224: {  	vm7 =	vmor vm8, vm1  }
0x225: {  	vm9 =	vne.s32 v19, v15;
	v21 =	vsub.s32 v21, v2;
	vm5 =	vmand vm5, vm2  }
0x226: {  	v14 =	vsub.s32 v14, v2;
	vm10 =	vmor vm9, vm1  }
0x227: {  	v54 =	vsub.s32 v19, v2;
	[tilespmem:v22+s17+$0x0] =	vst.idx.add.f32.msk vm6, v24;
	vm13 =	vmand vm8, vm2  }
0x228: {  	v55, _, _ =	vpop (xrf2);
	v17 =	vsub.s32 v17, v2;
	[tilespmem:v18+s17+$0x0] =	vst.idx.add.f32.msk vm4, v20;
	vm14 =	vmand vm9, vm2;
	vm11 =	vne.s32 v23, v13  }
0x229: {  	v15 =	vsub.s32 v15, v2;
	[tilespmem:v16+s17+$0x0] =	vst.idx.add.f32.msk vm3, v55;
	v63 =	vsub.f32 $0.0e+00, v55;
	v57, _, _ =	vpop (xrf2);
	vm12 =	vmor vm11, vm1  }
0x22a: {  	v56 =	vsub.s32 v23, v2;
	vm15 =	vmand vm11, vm2;
	[tilespmem:v21+s17+$0x0] =	vst.idx.add.f32.msk vm7, v57  }
0x22b: {  	v13 =	vsub.s32 v13, v2;
	v59 =	vsub.f32 $0.0e+00, v57;
	v58, _, _ =	vpop (xrf2);
	[tilespmem:v14+s17+$0x0] =	vst.idx.add.f32.msk vm5, v63  }
0x22c: {  	[tilespmem:v54+s17+$0x0] =	vst.idx.add.f32.msk vm10, v58;
	v61 =	vsub.f32 $0.0e+00, v58  }
0x22d: {  	[tilespmem:v17+s17+$0x0] =	vst.idx.add.f32.msk vm13, v59;
	v60, _, _ =	vpop (xrf2)  }
0x22e: {  	[tilespmem:v15+s17+$0x0] =	vst.idx.add.f32.msk vm14, v61;
	v62 =	vsub.f32 $0.0e+00, v60  }
0x22f: {  	[tilespmem:v56+s17+$0x0] =	vst.idx.add.f32.msk vm12, v60  }
0x230: {  	[tilespmem:v13+s17+$0x0] =	vst.idx.add.f32.msk vm15, v62  }
.LBB2_23:
0x231: {  	s0 =	sshra.s32 s8, $0x2  }
0x232: {  	v13 =	vld [tilespmem:s0+$0xC080];
	_ =	sdelay $0x3  }
0x233: {  	v14 =	vld [tilespmem:s0+$0x10100]  }
0x234: {  	v15 =	vld [tilespmem:s0+$0x10101];
	(xrf2) =	vadd.scan.msk.f32 $0xffff, v13;
	_ =	sdelay $0x4  }
0x235: {  	vm3 =	vne.s32 v14, v15  }
0x236: {  	vm4 =	vmor vm3, vm1  }
0x237: {  	v13 =	vsub.s32 v14, v2;
	vm3 =	vmand vm3, vm2  }
0x238: {  	p1 =	seq.s32 s8, $0x180;
	v14 =	vsub.s32 v15, v2  }
.Ltmp21:
0x239: {  	_ = 	snop;
	(pc) =	sbr.rel @!p1 .LBB2_23-.Ltmp21, $4  }
0x23a: {  	v15, _, _ =	vpop (xrf2)  }
0x23b: {  	v16 =	vsub.f32 $0.0e+00, v15  }
0x23c: {  	[tilespmem:v13+s17+$0x0] =	vst.idx.add.f32.msk vm4, v15  }
0x23d: {  	s8 =	sadd.s32 $0x40, s8;
	[tilespmem:v14+s17+$0x0] =	vst.idx.add.f32.msk vm3, v16  }
.Ltmp22:
0x23e: {  	_ = 	snop;
	(pc) =	sbr.rel .LBB2_28-.Ltmp22, $1  }
0x23f: {  	_ =	sdelay $0x3  }
.LBB2_29:
0x240: {  	s0 =	smul.u32 $0x3FF0, s24;
	_ =	sdelay $0x1  }
0x241: {  	s25 =	sadd.s32 s21, s0  }
0x242: {  	s0 =	ssub.s32 s23, s25  }
0x243: {  	s8 =	sxor.u32 $0xFFFFFFFF, s0  }
0x244: {  	s2 =	sshra.s32 s0, $0x1F;
	s8 =	sshrl.u32 s8, $0x1F  }
0x245: {  	s30 =	sshrl.u32 s2, $0x1C;
	s2 =	sadd.s32 s8, s2  }
0x246: {  	s31 =	sand.u32 $0x1, s24;
	p1 =	sne.s32 s2, $0x1;
	s2 =	simm.s32 $0x1  }
0x247: {  	s2 =	simm.s32 @!p1 $0x0;
	p1 =	seq.s32 s31, $0x0  }
.Ltmp23:
0x248: {  	s0 =	sadd.s32 s0, s30;
	(pc) =	sbr.rel @p1 .LBB2_31-.Ltmp23, $4  }
0x249: {  	s0 =	sadd.s32 $0xF, s0  }
0x24a: {  	s0 =	sshra.s32 s0, $0x4  }
0x24b: {  	p2 =	slt.s32 s25, $0x616800;
	s23 =	ssub.s32 s0, s2  }
0x24c: {  	s25 =	simm.s32 @!p2 $0x616800;
	s0 =	sshrl.u32 s23, $0x1E  }
.Ltmp24:
0x24d: {  	(pc) =	sbr.rel .LBB2_38-.Ltmp24, $4  }
0x24e: {  	_ = 	snop  }
0x24f: {  	s0 =	sadd.s32 s0, s23  }
0x250: {  	s24 =	sand.u32 $0xFFFFFFFC, s0  }
0x251: {  	s2 =	ssub.s32 s23, s24  }
.LBB2_31:
0x252: {  	s0 =	sadd.s32 s0, s23  }
0x253: {  	s24 =	sand.u32 $0xFFFFFFFC, s0  }
0x254: {  	_ =	swait.ge [sflag:s11], $0x4000;
	p2 =	slt.s32 s24, $0x1  }
.Ltmp25:
0x255: {  	[sflag:s11] =	ssyncset.done $0x0;
	(pc) =	sbr.rel @p2 .LBB2_34-.Ltmp25, $4  }
0x256: {  	[sflag:s11] =	ssyncadd.s32 $0xFFFFC000  }
0x257: {  	_ =	swait.ge [sflag:s11], $0x4000  }
0x258: {  	s26 =	smul.u32 $0xFFC0, s22;
	[sflag:s11] =	ssyncset.done $0x0  }
0x259: {  	s28 =	sshll.u32 s21, $0x2;
	s29 =	sshll.u32 s25, $0x2;
	[sflag:s11] =	ssyncadd.s32 $0xFFFFC000  }
0x25a: {  	s0 =	sadd.s32 s28, s26  }
0x25b: {  	s0 =	ssub.s32 s0, s29  }
0x25c: {  	s2 =	sshra.s32 s0, $0x2  }
0x25d: {  	s0 =	sadd.s32 $0x90, s2  }
0x25e: {  	v27 =	vld [tilespmem:s0+$0x30]  }
0x25f: {  	v14 =	vld [tilespmem:s0+$0x31]  }
0x260: {  	s8 =	sadd.s32 $0xFFFFC010, s2;
	v13 =	vld [tilespmem:s0+$0x1]  }
0x261: {  	v16 =	vld [tilespmem:s8+$0x20]  }
0x262: {  	v19 =	vld [tilespmem:s0+$0x0]  }
0x263: {  	v17 =	vld [tilespmem:s0+$0x21]  }
0x264: {  	v21 =	vld [tilespmem:s0+$0x20]  }
0x265: {  	v18 =	vld [tilespmem:s8+$0x0]  }
0x266: {  	p3 =	sgt.s32 s24, $0x4;
	v20 =	vld [tilespmem:s8+$0x30]  }
.Ltmp26:
0x267: {  	v22 =	vsub.s32 v13, v2;
	vm8 =	vne.s32 v19, v13;
	v13 =	vsub.s32 v14, v2;
	(pc) =	sbr.rel @!p3 .LBB2_33-.Ltmp26, $4  }
0x268: {  	_ = 	snop  }
0x269: {  	v15 =	vld [tilespmem:s0+$0x11];
	(xrf2) =	vadd.scan.msk.f32 $0xffff, v16;
	v23 =	vsub.s32 v17, v2;
	vm4 =	vne.s32 v21, v17;
	v17 =	vsub.s32 v27, v2  }
0x26a: {  	v26 =	vld [tilespmem:s8+$0x10];
	vm3 =	vlt.u32 v22, v4;
	(xrf2) =	vadd.scan.msk.f32 $0xffff, v18;
	vm5 =	vlt.u32 v23, v4;
	vm6 =	vmor vm4, vm1  }
0x26b: {  	p2 =	por $0x0, $0x0;
	s2 =	sadd.s32 $0x40, s0;
	s30 =	sadd.s32 $0x40, s8;
	v16 =	vld [tilespmem:s0+$0x10];
	vm3 =	vmand vm8, vm3;
	(xrf2) =	vadd.scan.msk.f32 $0xffff, v20;
	vm4 =	vmand vm4, vm5;
	vm5 =	vlt.u32 v13, v4  }
0x26c: {  	v18 =	vld [tilespmem:s2+$0x30]  }
0x26d: {  	vm7 =	vne.s32 v27, v14;
	v14 =	vld [tilespmem:s2+$0x31]  }
0x26e: {  	v24 =	vld [tilespmem:s2+$0x1]  }
0x26f: {  	v29 =	vld [tilespmem:s30+$0x30]  }
0x270: {  	v20 =	vsub.s32 v19, v2;
	vm8 =	vmor vm8, vm1;
	v25 =	vsub.s32 v21, v2;
	v19 =	vld [tilespmem:s2+$0x0];
	(xrf2) =	vadd.scan.msk.f32 $0xffff, v26  }
0x271: {  	vm11 =	vlt.u32 v17, v4;
	vm10 =	vlt.u32 v20, v4;
	vm12 =	vmor vm7, vm1;
	v26 =	vld [tilespmem:s30+$0x20]  }
0x272: {  	v33 =	vld [tilespmem:s2+$0x21];
	v27 =	vsub.s32 v15, v2;
	vm8 =	vmand vm10, vm8;
	vm10 =	vlt.u32 v25, v4  }
0x273: {  	v21 =	vld [tilespmem:s2+$0x20];
	vm6 =	vmand vm10, vm6;
	vm9 =	vne.s32 v16, v15;
	v28 =	vsub.s32 v16, v2  }
0x274: {  	v31 =	vld [tilespmem:s30+$0x0];
	vm10 =	vmand vm11, vm12;
	vm11 =	vmor vm9, vm1;
	vm12 =	vlt.u32 v28, v4  }
0x275: {  	vm13 =	vlt.u32 v27, v4;
	v15 =	vld [tilespmem:s2+$0x11];
	vm11 =	vmand vm12, vm11;
	vm12 =	vmand vm3, vm2  }
0x276: {  	v16 =	vld [tilespmem:s2+$0x10];
	vm9 =	vmand vm9, vm13;
	v30, _, _ =	vpop (xrf2);
	(xrf2) =	vadd.scan.msk.f32 $0xffff, v26  }
0x277: {  	vm9 =	vmand vm9, vm2;
	vm3 =	vmand vm7, vm5;
	v32, _, _ =	vpop (xrf2);
	v26 =	vld [tilespmem:s30+$0x10]  }
0x278: {  	vm13 =	vmand vm4, vm2;
	vm5 =	vne.s32 v21, v33;
	vm7 =	vmand vm3, vm2;
	[tilespmem:v20+s17+$0x0] =	vst.idx.add.f32.msk vm8, v32  }
0x279: {  	p3 =	sgt.s32 s24, $0x8;
	v34, _, _ =	vpop (xrf2);
	v20 =	vsub.s32 v24, v2;
	[tilespmem:v25+s17+$0x0] =	vst.idx.add.f32.msk vm6, v30;
	(xrf2) =	vadd.scan.msk.f32 $0xffff, v31;
	v63 =	vsub.f32 $0.0e+00, v32  }
.Ltmp27:
0x27a: {  	vm8 =	vne.s32 v19, v24;
	v24 =	vsub.s32 v33, v2;
	[tilespmem:v17+s17+$0x0] =	vst.idx.add.f32.msk vm10, v34;
	v35, _, _ =	vpop (xrf2);
	(pc) =	sbr.rel @!p3 .LBB2_42-.Ltmp27, $4  }
0x27b: {  	vm6 =	vmor vm5, vm1;
	vm4 =	vlt.u32 v20, v4;
	[tilespmem:v22+s17+$0x0] =	vst.idx.add.f32.msk vm12, v63;
	v17 =	vsub.f32 $0.0e+00, v35  }
0x27c: {  	v25 =	vsub.f32 $0.0e+00, v34;
	(xrf2) =	vadd.scan.msk.f32 $0xffff, v29;
	[tilespmem:v28+s17+$0x0] =	vst.idx.add.f32.msk vm11, v35;
	v28 =	vsub.f32 $0.0e+00, v30  }
0x27d: {  	s0 =	simm.s32 $0x8;
	vm3 =	vmand vm8, vm4;
	vm4 =	vlt.u32 v24, v4;
	[tilespmem:v27+s17+$0x0] =	vst.idx.add.f32.msk vm9, v17;
	v27 =	vsub.s32 v14, v2  }
0x27e: {  	p2 =	por $0x1, $0x1;
	s2 =	sadd.s32 $0x40, s2;
	s30 =	sadd.s32 $0x40, s30;
	vm4 =	vmand vm5, vm4;
	v17 =	vsub.s32 v18, v2;
	[tilespmem:v23+s17+$0x0] =	vst.idx.add.f32.msk vm13, v28;
	vm5 =	vlt.u32 v27, v4  }
.LBB2_43:
0x27f: {  	s0 =	sadd.s32 $0x4, s0;
	vm8 =	vmor vm8, vm1;
	v22 =	vsub.s32 v21, v2;
	(xrf2) =	vadd.scan.msk.f32 $0xffff, v26;
	[tilespmem:v13+s17+$0x0] =	vst.idx.add.f32.msk vm7, v25;
	v13 =	vmovc v27  }
0x280: {  	v21 =	vsub.s32 v19, v2;
	v23 =	vsub.s32 v15, v2;
	vm7 =	vne.s32 v18, v14;
	p3 =	slt.s32 s0, s24;
	v18 =	vld [tilespmem:s2+$0x30];
	v27, _, _ =	vpop (xrf2)  }
0x281: {  	vm10 =	vne.s32 v16, v15;
	vm11 =	vlt.u32 v17, v4;
	vm9 =	vlt.u32 v21, v4;
	v14 =	vld [tilespmem:s2+$0x31]  }
0x282: {  	v28 =	vsub.s32 v16, v2;
	vm8 =	vmand vm9, vm8;
	vm9 =	vmor vm10, vm1;
	v15 =	vld [tilespmem:s2+$0x11]  }
0x283: {  	vm12 =	vlt.u32 v28, v4;
	vm13 =	vlt.u32 v23, v4;
	vm14 =	vmor vm7, vm1;
	v25 =	vld [tilespmem:s2+$0x1];
	v29, _, _ =	vpop (xrf2)  }
0x284: {  	vm7 =	vmand vm7, vm5;
	vm10 =	vmand vm10, vm13;
	vm9 =	vmand vm12, vm9;
	v26 =	vld [tilespmem:s30+$0x20]  }
0x285: {  	vm11 =	vmand vm11, vm14;
	vm5 =	vmand vm10, vm2;
	vm10 =	vlt.u32 v22, v4;
	v16 =	vld [tilespmem:s2+$0x10]  }
0x286: {  	vm7 =	vmand vm7, vm2;
	vm6 =	vmand vm10, vm6;
	v30 =	vld [tilespmem:s30+$0x30];
	v31, _, _ =	vpop (xrf2)  }
0x287: {  	v19 =	vld [tilespmem:s2+$0x0]  }
0x288: {  	v32 =	vld [tilespmem:s30+$0x0]  }
0x289: {  	v33 =	vld [tilespmem:s2+$0x21];
	v34, _, _ =	vpop (xrf2)  }
0x28a: {  	v35 =	vsub.s32 v25, v2;
	(xrf2) =	vadd.scan.msk.f32 $0xffff, v26;
	[tilespmem:v21+s17+$0x0] =	vst.idx.add.f32.msk vm8, v29  }
0x28b: {  	vm12 =	vmand vm3, vm2;
	vm10 =	vlt.u32 v35, v4;
	v21 =	vld [tilespmem:s2+$0x20]  }
0x28c: {  	vm13 =	vmand vm4, vm2;
	v36 =	vsub.f32 $0.0e+00, v34;
	vm8 =	vne.s32 v19, v25;
	[tilespmem:v22+s17+$0x0] =	vst.idx.add.f32.msk vm6, v27  }
0x28d: {  	v25 =	vsub.f32 $0.0e+00, v31;
	vm3 =	vmand vm8, vm10;
	(xrf2) =	vadd.scan.msk.f32 $0xffff, v32;
	[tilespmem:v17+s17+$0x0] =	vst.idx.add.f32.msk vm11, v31  }
.Ltmp28:
0x28e: {  	v26 =	vld [tilespmem:s30+$0x10];
	v22 =	vsub.s32 v33, v2;
	(pc) =	sbr.rel @p3 .LBB2_43-.Ltmp28, $4  }
0x28f: {  	v17 =	vsub.f32 $0.0e+00, v29;
	vm4 =	vlt.u32 v22, v4;
	[tilespmem:v28+s17+$0x0] =	vst.idx.add.f32.msk vm9, v34  }
0x290: {  	vm9 =	vne.s32 v21, v33;
	(xrf2) =	vadd.scan.msk.f32 $0xffff, v30;
	[tilespmem:v23+s17+$0x0] =	vst.idx.add.f32.msk vm5, v36;
	v23 =	vsub.f32 $0.0e+00, v27  }
0x291: {  	v27 =	vsub.s32 v14, v2;
	vm6 =	vmor vm9, vm1;
	vm4 =	vmand vm9, vm4;
	[tilespmem:v20+s17+$0x0] =	vst.idx.add.f32.msk vm12, v17;
	v20 =	vmovc v35  }
0x292: {  	s2 =	sadd.s32 $0x40, s2;
	s30 =	sadd.s32 $0x40, s30;
	v17 =	vsub.s32 v18, v2;
	vm5 =	vlt.u32 v27, v4;
	[tilespmem:v24+s17+$0x0] =	vst.idx.add.f32.msk vm13, v23;
	v24 =	vmov v22  }
0x293: {  	v28 =	vmovc v13;
	v13 =	vmovc v27;
	v27 =	vmov v18;
	v22 =	vmov v20;
	v23 =	vmov v24  }
.LBB2_45:
0x294: {  	vm8 =	vmor vm8, vm1;
	v18 =	vsub.s32 v21, v2;
	(xrf2) =	vadd.scan.msk.f32 $0xffff, v26;
	v19 =	vsub.s32 v19, v2  }
0x295: {  	v20 =	vsub.s32 v15, v2;
	vm9 =	vne.s32 v27, v14;
	vm10 =	vlt.u32 v19, v4  }
0x296: {  	vm12 =	vlt.u32 v17, v4;
	vm14 =	vmor vm9, vm1;
	vm8 =	vmand vm10, vm8  }
0x297: {  	vm11 =	vne.s32 v16, v15;
	vm10 =	vlt.u32 v18, v4;
	vm12 =	vmand vm12, vm14  }
0x298: {  	v14 =	vsub.s32 v16, v2;
	vm3 =	vmand vm3, vm2;
	vm6 =	vmand vm10, vm6  }
0x299: {  	vm13 =	vmor vm11, vm1;
	vm14 =	vlt.u32 v20, v4;
	vm10 =	vlt.u32 v14, v4  }
0x29a: {  	v15, _, _ =	vpop (xrf2);
	vm11 =	vmand vm11, vm14;
	vm10 =	vmand vm10, vm13  }
0x29b: {  	[tilespmem:v28+s17+$0x0] =	vst.idx.add.f32.msk @p2 vm7, v25;
	v60, _, _ =	vpop (xrf2);
	vm11 =	vmand vm11, vm2  }
0x29c: {  	vm4 =	vmand vm4, vm2;
	vm5 =	vmand vm9, vm5;
	v61, _, _ =	vpop (xrf2);
	[tilespmem:v19+s17+$0x0] =	vst.idx.add.f32.msk vm8, v60  }
0x29d: {  	vm5 =	vmand vm5, vm2;
	v16 =	vsub.f32 $0.0e+00, v60;
	[tilespmem:v17+s17+$0x0] =	vst.idx.add.f32.msk vm12, v61  }
0x29e: {  	[tilespmem:v18+s17+$0x0] =	vst.idx.add.f32.msk vm6, v15;
	v62, _, _ =	vpop (xrf2)  }
0x29f: {  	[tilespmem:v22+s17+$0x0] =	vst.idx.add.f32.msk vm3, v16;
	v63 =	vsub.f32 $0.0e+00, v62  }
0x2a0: {  	[tilespmem:v14+s17+$0x0] =	vst.idx.add.f32.msk vm10, v62;
	v14 =	vsub.f32 $0.0e+00, v15  }
0x2a1: {  	v15 =	vsub.f32 $0.0e+00, v61;
	[tilespmem:v20+s17+$0x0] =	vst.idx.add.f32.msk vm11, v63  }
0x2a2: {  	[tilespmem:v23+s17+$0x0] =	vst.idx.add.f32.msk vm4, v14  }
0x2a3: {  	[tilespmem:v13+s17+$0x0] =	vst.idx.add.f32.msk vm5, v15  }
.LBB2_34:
0x2a4: {  	s2 =	ssub.s32 s23, s24  }
0x2a5: {  	p2 =	slt.s32 s2, $0x1  }
.Ltmp29:
0x2a6: {  	_ = 	snop;
	(pc) =	sbr.rel @p2 .LBB2_37-.Ltmp29, $1  }
0x2a7: {  	_ =	sdelay $0x3  }
0x2a8: {  	s0 =	sshll.u32 s23, $0x6  }
0x2a9: {  	s0 =	sadd.s32 s0, s26  }
0x2aa: {  	s0 =	sadd.s32 s28, s0  }
0x2ab: {  	s8 =	sshll.u32 s2, $0x6;
	s0 =	ssub.s32 s0, s29  }
0x2ac: {  	s0 =	ssub.s32 s0, s8  }
0x2ad: {  	s8 =	sshra.s32 s0, $0x2  }
0x2ae: {  	s26 =	smov.u32 s24;
	s0 =	sadd.s32 $0xFFFFC010, s8;
	s8 =	sadd.s32 $0x90, s8  }
.LBB2_36:
0x2af: {  	v13 =	vld [tilespmem:s0+$0x0];
	_ =	sdelay $0x2  }
0x2b0: {  	v14 =	vld [tilespmem:s8+$0x0]  }
0x2b1: {  	v15 =	vld [tilespmem:s8+$0x1]  }
0x2b2: {  	(xrf2) =	vadd.scan.msk.f32 $0xffff, v13;
	_ =	sdelay $0x3  }
0x2b3: {  	v13 =	vsub.s32 v14, v2;
	v16 =	vsub.s32 v15, v2;
	vm3 =	vne.s32 v14, v15  }
0x2b4: {  	vm4 =	vlt.u32 v13, v4;
	vm5 =	vlt.u32 v16, v4;
	vm6 =	vmor vm3, vm1  }
0x2b5: {  	vm4 =	vmand vm4, vm6;
	vm3 =	vmand vm3, vm5  }
0x2b6: {  	s26 =	sadd.s32 $0x1, s26;
	vm3 =	vmand vm3, vm2  }
0x2b7: {  	p2 =	slt.s32 s26, s23  }
.Ltmp30:
0x2b8: {  	_ = 	snop;
	(pc) =	sbr.rel @p2 .LBB2_36-.Ltmp30, $4  }
0x2b9: {  	v14, _, _ =	vpop (xrf2)  }
0x2ba: {  	v15 =	vsub.f32 $0.0e+00, v14  }
0x2bb: {  	[tilespmem:v13+s17+$0x0] =	vst.idx.add.f32.msk vm4, v14  }
0x2bc: {  	s0 =	sadd.s32 $0x10, s0;
	s8 =	sadd.s32 $0x10, s8;
	[tilespmem:v16+s17+$0x0] =	vst.idx.add.f32.msk vm3, v15  }
.LBB2_37:
.Ltmp31:
0x2bd: {  	(pc) =	sbr.rel @p1 .LBB2_49-.Ltmp31, $1  }
0x2be: {  	_ =	sdelay $0x3  }
.LBB2_38:
0x2bf: {  	_ =	swait.ge [sflag:s15], $0x4000;
	p1 =	slt.s32 s24, $0x1  }
.Ltmp32:
0x2c0: {  	[sflag:s15] =	ssyncset.done $0x0;
	(pc) =	sbr.rel @p1 .LBB2_46-.Ltmp32, $4  }
0x2c1: {  	[sflag:s15] =	ssyncadd.s32 $0xFFFFC000  }
0x2c2: {  	_ =	swait.ge [sflag:s15], $0x4000  }
0x2c3: {  	[sflag:s15] =	ssyncset.done $0x0  }
0x2c4: {  	[sflag:s15] =	ssyncadd.s32 $0xFFFFC000  }
0x2c5: {  	s0 =	smul.u32 $0xFFC0, s22  }
0x2c6: {  	s8 =	sshll.u32 s21, $0x2  }
0x2c7: {  	s31 =	sshll.u32 s25, $0x2;
	s0 =	sadd.s32 s8, s0  }
0x2c8: {  	s0 =	ssub.s32 s0, s31  }
0x2c9: {  	s8 =	sshra.s32 s0, $0x2  }
0x2ca: {  	s0 =	sadd.s32 $0x8190, s8  }
0x2cb: {  	v27 =	vld [tilespmem:s0+$0x30]  }
0x2cc: {  	v14 =	vld [tilespmem:s0+$0x31]  }
0x2cd: {  	s8 =	sadd.s32 $0x4110, s8;
	v13 =	vld [tilespmem:s0+$0x1]  }
0x2ce: {  	v16 =	vld [tilespmem:s8+$0x20]  }
0x2cf: {  	v19 =	vld [tilespmem:s0+$0x0]  }
0x2d0: {  	v17 =	vld [tilespmem:s0+$0x21]  }
0x2d1: {  	v21 =	vld [tilespmem:s0+$0x20]  }
0x2d2: {  	v18 =	vld [tilespmem:s8+$0x0]  }
0x2d3: {  	p2 =	sgt.s32 s24, $0x4;
	v20 =	vld [tilespmem:s8+$0x30]  }
.Ltmp33:
0x2d4: {  	v22 =	vsub.s32 v13, v2;
	vm8 =	vne.s32 v19, v13;
	v13 =	vsub.s32 v14, v2;
	(pc) =	sbr.rel @!p2 .LBB2_40-.Ltmp33, $4  }
0x2d5: {  	_ = 	snop  }
0x2d6: {  	v15 =	vld [tilespmem:s0+$0x11];
	(xrf2) =	vadd.scan.msk.f32 $0xffff, v16;
	v23 =	vsub.s32 v17, v2;
	vm4 =	vne.s32 v21, v17;
	v17 =	vsub.s32 v27, v2  }
0x2d7: {  	v26 =	vld [tilespmem:s8+$0x10];
	vm3 =	vlt.u32 v22, v4;
	(xrf2) =	vadd.scan.msk.f32 $0xffff, v18;
	vm5 =	vlt.u32 v23, v4;
	vm6 =	vmor vm4, vm1  }
0x2d8: {  	p1 =	por $0x0, $0x0;
	s26 =	sadd.s32 $0x40, s0;
	s28 =	sadd.s32 $0x40, s8;
	v16 =	vld [tilespmem:s0+$0x10];
	vm3 =	vmand vm8, vm3;
	(xrf2) =	vadd.scan.msk.f32 $0xffff, v20;
	vm4 =	vmand vm4, vm5;
	vm5 =	vlt.u32 v13, v4  }
0x2d9: {  	v18 =	vld [tilespmem:s26+$0x30]  }
0x2da: {  	vm7 =	vne.s32 v27, v14;
	v14 =	vld [tilespmem:s26+$0x31]  }
0x2db: {  	v24 =	vld [tilespmem:s26+$0x1]  }
0x2dc: {  	v29 =	vld [tilespmem:s28+$0x30]  }
0x2dd: {  	v20 =	vsub.s32 v19, v2;
	vm8 =	vmor vm8, vm1;
	v25 =	vsub.s32 v21, v2;
	v19 =	vld [tilespmem:s26+$0x0];
	(xrf2) =	vadd.scan.msk.f32 $0xffff, v26  }
0x2de: {  	vm11 =	vlt.u32 v17, v4;
	vm10 =	vlt.u32 v20, v4;
	vm12 =	vmor vm7, vm1;
	v26 =	vld [tilespmem:s28+$0x20]  }
0x2df: {  	v33 =	vld [tilespmem:s26+$0x21];
	v27 =	vsub.s32 v15, v2;
	vm8 =	vmand vm10, vm8;
	vm10 =	vlt.u32 v25, v4  }
0x2e0: {  	v21 =	vld [tilespmem:s26+$0x20];
	vm6 =	vmand vm10, vm6;
	vm9 =	vne.s32 v16, v15;
	v28 =	vsub.s32 v16, v2  }
0x2e1: {  	v31 =	vld [tilespmem:s28+$0x0];
	vm10 =	vmand vm11, vm12;
	vm11 =	vmor vm9, vm1;
	vm12 =	vlt.u32 v28, v4  }
0x2e2: {  	vm13 =	vlt.u32 v27, v4;
	v15 =	vld [tilespmem:s26+$0x11];
	vm11 =	vmand vm12, vm11;
	vm12 =	vmand vm3, vm2  }
0x2e3: {  	v16 =	vld [tilespmem:s26+$0x10];
	vm9 =	vmand vm9, vm13;
	v30, _, _ =	vpop (xrf2);
	(xrf2) =	vadd.scan.msk.f32 $0xffff, v26  }
0x2e4: {  	vm9 =	vmand vm9, vm2;
	vm3 =	vmand vm7, vm5;
	v32, _, _ =	vpop (xrf2);
	v26 =	vld [tilespmem:s28+$0x10]  }
0x2e5: {  	vm13 =	vmand vm4, vm2;
	vm5 =	vne.s32 v21, v33;
	vm7 =	vmand vm3, vm2;
	[tilespmem:v20+s17+$0x0] =	vst.idx.add.f32.msk vm8, v32  }
0x2e6: {  	p2 =	sgt.s32 s24, $0x8;
	v34, _, _ =	vpop (xrf2);
	v20 =	vsub.s32 v24, v2;
	[tilespmem:v25+s17+$0x0] =	vst.idx.add.f32.msk vm6, v30;
	(xrf2) =	vadd.scan.msk.f32 $0xffff, v31;
	v63 =	vsub.f32 $0.0e+00, v32  }
.Ltmp34:
0x2e7: {  	vm8 =	vne.s32 v19, v24;
	v24 =	vsub.s32 v33, v2;
	[tilespmem:v17+s17+$0x0] =	vst.idx.add.f32.msk vm10, v34;
	v35, _, _ =	vpop (xrf2);
	(pc) =	sbr.rel @!p2 .LBB2_52-.Ltmp34, $4  }
0x2e8: {  	vm6 =	vmor vm5, vm1;
	vm4 =	vlt.u32 v20, v4;
	[tilespmem:v22+s17+$0x0] =	vst.idx.add.f32.msk vm12, v63;
	v17 =	vsub.f32 $0.0e+00, v35  }
0x2e9: {  	v25 =	vsub.f32 $0.0e+00, v34;
	(xrf2) =	vadd.scan.msk.f32 $0xffff, v29;
	[tilespmem:v28+s17+$0x0] =	vst.idx.add.f32.msk vm11, v35;
	v28 =	vsub.f32 $0.0e+00, v30  }
0x2ea: {  	s0 =	simm.s32 $0x8;
	vm3 =	vmand vm8, vm4;
	vm4 =	vlt.u32 v24, v4;
	[tilespmem:v27+s17+$0x0] =	vst.idx.add.f32.msk vm9, v17;
	v27 =	vsub.s32 v14, v2  }
0x2eb: {  	p1 =	por $0x1, $0x1;
	s26 =	sadd.s32 $0x40, s26;
	s28 =	sadd.s32 $0x40, s28;
	vm4 =	vmand vm5, vm4;
	v17 =	vsub.s32 v18, v2;
	[tilespmem:v23+s17+$0x0] =	vst.idx.add.f32.msk vm13, v28;
	vm5 =	vlt.u32 v27, v4  }
.LBB2_53:
0x2ec: {  	s0 =	sadd.s32 $0x4, s0;
	vm8 =	vmor vm8, vm1;
	v22 =	vsub.s32 v21, v2;
	(xrf2) =	vadd.scan.msk.f32 $0xffff, v26;
	[tilespmem:v13+s17+$0x0] =	vst.idx.add.f32.msk vm7, v25;
	v13 =	vmovc v27  }
0x2ed: {  	v21 =	vsub.s32 v19, v2;
	v23 =	vsub.s32 v15, v2;
	vm7 =	vne.s32 v18, v14;
	p2 =	slt.s32 s0, s24;
	v18 =	vld [tilespmem:s26+$0x30];
	v27, _, _ =	vpop (xrf2)  }
0x2ee: {  	vm10 =	vne.s32 v16, v15;
	vm11 =	vlt.u32 v17, v4;
	vm9 =	vlt.u32 v21, v4;
	v14 =	vld [tilespmem:s26+$0x31]  }
0x2ef: {  	v28 =	vsub.s32 v16, v2;
	vm8 =	vmand vm9, vm8;
	vm9 =	vmor vm10, vm1;
	v15 =	vld [tilespmem:s26+$0x11]  }
0x2f0: {  	vm12 =	vlt.u32 v28, v4;
	vm13 =	vlt.u32 v23, v4;
	vm14 =	vmor vm7, vm1;
	v25 =	vld [tilespmem:s26+$0x1];
	v29, _, _ =	vpop (xrf2)  }
0x2f1: {  	vm7 =	vmand vm7, vm5;
	vm10 =	vmand vm10, vm13;
	vm9 =	vmand vm12, vm9;
	v26 =	vld [tilespmem:s28+$0x20]  }
0x2f2: {  	vm11 =	vmand vm11, vm14;
	vm5 =	vmand vm10, vm2;
	vm10 =	vlt.u32 v22, v4;
	v16 =	vld [tilespmem:s26+$0x10]  }
0x2f3: {  	vm7 =	vmand vm7, vm2;
	vm6 =	vmand vm10, vm6;
	v30 =	vld [tilespmem:s28+$0x30];
	v31, _, _ =	vpop (xrf2)  }
0x2f4: {  	v19 =	vld [tilespmem:s26+$0x0]  }
0x2f5: {  	v32 =	vld [tilespmem:s28+$0x0]  }
0x2f6: {  	v33 =	vld [tilespmem:s26+$0x21];
	v34, _, _ =	vpop (xrf2)  }
0x2f7: {  	v35 =	vsub.s32 v25, v2;
	(xrf2) =	vadd.scan.msk.f32 $0xffff, v26;
	[tilespmem:v21+s17+$0x0] =	vst.idx.add.f32.msk vm8, v29  }
0x2f8: {  	vm12 =	vmand vm3, vm2;
	vm10 =	vlt.u32 v35, v4;
	v21 =	vld [tilespmem:s26+$0x20]  }
0x2f9: {  	vm13 =	vmand vm4, vm2;
	v36 =	vsub.f32 $0.0e+00, v34;
	vm8 =	vne.s32 v19, v25;
	[tilespmem:v22+s17+$0x0] =	vst.idx.add.f32.msk vm6, v27  }
0x2fa: {  	v25 =	vsub.f32 $0.0e+00, v31;
	vm3 =	vmand vm8, vm10;
	(xrf2) =	vadd.scan.msk.f32 $0xffff, v32;
	[tilespmem:v17+s17+$0x0] =	vst.idx.add.f32.msk vm11, v31  }
.Ltmp35:
0x2fb: {  	v26 =	vld [tilespmem:s28+$0x10];
	v22 =	vsub.s32 v33, v2;
	(pc) =	sbr.rel @p2 .LBB2_53-.Ltmp35, $4  }
0x2fc: {  	v17 =	vsub.f32 $0.0e+00, v29;
	vm4 =	vlt.u32 v22, v4;
	[tilespmem:v28+s17+$0x0] =	vst.idx.add.f32.msk vm9, v34  }
0x2fd: {  	vm9 =	vne.s32 v21, v33;
	(xrf2) =	vadd.scan.msk.f32 $0xffff, v30;
	[tilespmem:v23+s17+$0x0] =	vst.idx.add.f32.msk vm5, v36;
	v23 =	vsub.f32 $0.0e+00, v27  }
0x2fe: {  	v27 =	vsub.s32 v14, v2;
	vm6 =	vmor vm9, vm1;
	vm4 =	vmand vm9, vm4;
	[tilespmem:v20+s17+$0x0] =	vst.idx.add.f32.msk vm12, v17;
	v20 =	vmovc v35  }
0x2ff: {  	s26 =	sadd.s32 $0x40, s26;
	s28 =	sadd.s32 $0x40, s28;
	v17 =	vsub.s32 v18, v2;
	vm5 =	vlt.u32 v27, v4;
	[tilespmem:v24+s17+$0x0] =	vst.idx.add.f32.msk vm13, v23;
	v24 =	vmov v22  }
0x300: {  	v28 =	vmovc v13;
	v13 =	vmovc v27;
	v27 =	vmov v18;
	v22 =	vmov v20;
	v23 =	vmov v24  }
.LBB2_55:
0x301: {  	vm8 =	vmor vm8, vm1;
	v18 =	vsub.s32 v21, v2;
	(xrf2) =	vadd.scan.msk.f32 $0xffff, v26;
	v19 =	vsub.s32 v19, v2  }
0x302: {  	v20 =	vsub.s32 v15, v2;
	vm9 =	vne.s32 v27, v14;
	vm10 =	vlt.u32 v19, v4  }
0x303: {  	vm12 =	vlt.u32 v17, v4;
	vm14 =	vmor vm9, vm1;
	vm8 =	vmand vm10, vm8  }
0x304: {  	vm11 =	vne.s32 v16, v15;
	vm10 =	vlt.u32 v18, v4;
	vm12 =	vmand vm12, vm14  }
0x305: {  	v14 =	vsub.s32 v16, v2;
	vm3 =	vmand vm3, vm2;
	vm6 =	vmand vm10, vm6  }
0x306: {  	vm13 =	vmor vm11, vm1;
	vm14 =	vlt.u32 v20, v4;
	vm10 =	vlt.u32 v14, v4  }
0x307: {  	v15, _, _ =	vpop (xrf2);
	vm11 =	vmand vm11, vm14;
	vm10 =	vmand vm10, vm13  }
0x308: {  	[tilespmem:v28+s17+$0x0] =	vst.idx.add.f32.msk @p1 vm7, v25;
	v60, _, _ =	vpop (xrf2);
	vm11 =	vmand vm11, vm2  }
0x309: {  	vm4 =	vmand vm4, vm2;
	vm5 =	vmand vm9, vm5;
	v61, _, _ =	vpop (xrf2);
	[tilespmem:v19+s17+$0x0] =	vst.idx.add.f32.msk vm8, v60  }
0x30a: {  	vm5 =	vmand vm5, vm2;
	v16 =	vsub.f32 $0.0e+00, v60;
	[tilespmem:v17+s17+$0x0] =	vst.idx.add.f32.msk vm12, v61  }
0x30b: {  	[tilespmem:v18+s17+$0x0] =	vst.idx.add.f32.msk vm6, v15;
	v62, _, _ =	vpop (xrf2)  }
0x30c: {  	[tilespmem:v22+s17+$0x0] =	vst.idx.add.f32.msk vm3, v16;
	v63 =	vsub.f32 $0.0e+00, v62  }
0x30d: {  	[tilespmem:v14+s17+$0x0] =	vst.idx.add.f32.msk vm10, v62;
	v14 =	vsub.f32 $0.0e+00, v15  }
0x30e: {  	v15 =	vsub.f32 $0.0e+00, v61;
	[tilespmem:v20+s17+$0x0] =	vst.idx.add.f32.msk vm11, v63  }
0x30f: {  	[tilespmem:v23+s17+$0x0] =	vst.idx.add.f32.msk vm4, v14  }
0x310: {  	[tilespmem:v13+s17+$0x0] =	vst.idx.add.f32.msk vm5, v15  }
.LBB2_46:
0x311: {  	p1 =	slt.s32 s2, $0x1  }
.Ltmp36:
0x312: {  	_ = 	snop;
	(pc) =	sbr.rel @p1 .LBB2_49-.Ltmp36, $1  }
0x313: {  	_ =	sdelay $0x3  }
0x314: {  	s0 =	smul.u32 $0xFFC0, s22  }
0x315: {  	s2 =	sshll.u32 s24, $0x6  }
0x316: {  	s30 =	sshll.u32 s21, $0x2;
	s0 =	sadd.s32 s2, s0  }
0x317: {  	s31 =	sshll.u32 s25, $0x2;
	s0 =	sadd.s32 s30, s0  }
0x318: {  	s0 =	ssub.s32 s0, s31  }
0x319: {  	s2 =	sshra.s32 s0, $0x2  }
0x31a: {  	s0 =	sadd.s32 $0x4110, s2;
	s2 =	sadd.s32 $0x8190, s2  }
.LBB2_48:
0x31b: {  	v13 =	vld [tilespmem:s0+$0x0];
	_ =	sdelay $0x2  }
0x31c: {  	v14 =	vld [tilespmem:s2+$0x0]  }
0x31d: {  	v15 =	vld [tilespmem:s2+$0x1]  }
0x31e: {  	(xrf2) =	vadd.scan.msk.f32 $0xffff, v13;
	_ =	sdelay $0x3  }
0x31f: {  	v13 =	vsub.s32 v14, v2;
	v16 =	vsub.s32 v15, v2;
	vm3 =	vne.s32 v14, v15  }
0x320: {  	vm4 =	vlt.u32 v13, v4;
	vm5 =	vlt.u32 v16, v4;
	vm6 =	vmor vm3, vm1  }
0x321: {  	vm4 =	vmand vm4, vm6;
	vm3 =	vmand vm3, vm5  }
0x322: {  	s24 =	sadd.s32 $0x1, s24;
	vm3 =	vmand vm3, vm2  }
0x323: {  	p1 =	slt.s32 s24, s23  }
.Ltmp37:
0x324: {  	_ = 	snop;
	(pc) =	sbr.rel @p1 .LBB2_48-.Ltmp37, $4  }
0x325: {  	v14, _, _ =	vpop (xrf2)  }
0x326: {  	v15 =	vsub.f32 $0.0e+00, v14  }
0x327: {  	[tilespmem:v13+s17+$0x0] =	vst.idx.add.f32.msk vm4, v14  }
0x328: {  	s0 =	sadd.s32 $0x10, s0;
	s2 =	sadd.s32 $0x10, s2;
	[tilespmem:v16+s17+$0x0] =	vst.idx.add.f32.msk vm3, v15  }
.Ltmp38:
0x329: {  	_ = 	snop;
	(pc) =	sbr.rel .LBB2_49-.Ltmp38, $1  }
0x32a: {  	_ =	sdelay $0x3  }
.LBB2_40:
.Ltmp39:
0x32b: {  	(pc) =	sbr.rel .LBB2_55-.Ltmp39, $2  }
0x32c: {  	_ =	sdelay $0x2  }
0x32d: {  	_ = 	snop  }
.LBB2_52:
.Ltmp40:
0x32e: {  	(pc) =	sbr.rel .LBB2_55-.Ltmp40, $2  }
0x32f: {  	_ =	sdelay $0x2  }
0x330: {  	v28 =	vmovc v13;
	v13 =	vmovc v27;
	v27 =	vmov v18;
	v22 =	vmov v20;
	v23 =	vmov v24  }
.LBB2_33:
.Ltmp41:
0x331: {  	(pc) =	sbr.rel .LBB2_45-.Ltmp41, $2  }
0x332: {  	_ =	sdelay $0x2  }
0x333: {  	_ = 	snop  }
.LBB2_42:
.Ltmp42:
0x334: {  	(pc) =	sbr.rel .LBB2_45-.Ltmp42, $2  }
0x335: {  	_ =	sdelay $0x2  }
0x336: {  	v28 =	vmovc v13;
	v13 =	vmovc v27;
	v27 =	vmov v18;
	v22 =	vmov v20;
	v23 =	vmov v24  }
.LBB2_50:
0x337: {  	_ =	sfence.sel $0x180000  }
0x338: {  	[bflag:$0x0] =	sbarrier.arrive $0xFFFF  }
0x339: {  	_ =	strace $0x90000047  }
0x33a: {  	s0 =	stileid.u32;
	[bflag:$0x2] =	sbarrier.arrive $0xFFFF  }
0x33b: {  	p0 =	sne.s32 s0, $0x0;
	s0 =	rddreg [dreg:$0x3]  }
0x33c: {  	s0 =	sadd.s32 @!p0 $0x100000, s0  }
0x33d: {  	[sflag:s0] =	ssyncadd.tile.s32 @!p0 $0x1;
	_ =	shalt  }
.Lfunc_end2:
_tile_overlayer_lowered:
.L_overlay_start_2:
0x33e: {  	(tag) =	ssettag $0x2  }
0x33f: {  	s0 =	rddreg [dreg:$0x0];
	s2 =	stileid.u32  }
0x340: {  	s1 =	rddreg [dreg:$0x1];
	p0 =	sne.s32 s2, $0x0  }
0x341: {  	s3 =	rddreg [dreg:$0x2];
	[bflag:$0x3] =	sbarrier.arrive $0xFFFF;
	s2 =	simm.s32 @!p0 $0x1C03  }
0x342: {  	[timem:s3], [sflag:s2] =	dma.local @!p0 [hbm:s0], s1  }
0x343: {  	s0 =	simm.s32 @!p0 $0x3  }
0x344: {  	_ =	swait.ge @!p0 [sflag:s0], s1  }
0x345: {  	s1 =	ssub.s32 @!p0 $0x0, s1;
	[sflag:s0] =	ssyncset.done @!p0 $0x0  }
0x346: {  	[sflag:s0] =	ssyncadd.s32 @!p0 s1  }
0x347: {  	[bflag:$0x3] =	sbarrier.arrive $0xFFFF  }
0x348: {  	_ =	shalt  }

</sc_bundles>
